<compile_context>
chip_gen: v7x
topology: tpu7x:2x2x1
jax: 0.10.2.dev20260603
libtpu: 0.0.44.dev20260713+nightly
codegen_flags: <defaults>
</compile_context>

<pallas_src>
import functools

import jax
import jax.numpy as jnp
from jax import lax
from jax.experimental import pallas as pl
from jax.experimental.pallas import tpu as pltpu
from jax.experimental.pallas import tpu_sc as plsc

N = 10000
D = 128
DG = 16
E = 320000
L = 320000
CA = 80
NA = 125
EPW = 10000

_info = plsc.get_sparse_core_info()
NC, NS, LANES = _info.num_cores, _info.num_subcores, _info.num_lanes
NW = NC * NS
RPT = N // NS


def _sc_agg(x, src3, dst3, zeros, *, with_deg):
    def body(*refs):
        if with_deg:
            (x_hbm, src3_hbm, dst3_hbm, zero_hbm, feat_hbm, deg_hbm,
             dst_st, srcb0, srcb1, rows0, rows1, ones_v, acc_sh,
             dacc_sh, isem, gsem, ssem) = refs
        else:
            (x_hbm, src3_hbm, dst3_hbm, zero_hbm, feat_hbm,
             dst_st, srcb0, srcb1, rows0, rows1, acc_sh,
             isem, gsem, ssem) = refs
        c = lax.axis_index("c")
        s = lax.axis_index("s")
        wid = s * NC + c
        rows = (rows0, rows1)
        srcb = (srcb0, srcb1)

        pltpu.sync_copy(zero_hbm.at[pl.ds(s * RPT, RPT)],
                        acc_sh.at[pl.ds(s * RPT, RPT)])
        if with_deg:
            pltpu.sync_copy(zero_hbm.at[pl.ds(s * RPT, RPT), pl.ds(0, DG)],
                            dacc_sh.at[pl.ds(s * RPT, RPT)])

            def fill_ones(r, carry):
                ones_v[r, :] = jnp.full((LANES,), 1.0, jnp.float32)
                return carry

            lax.fori_loop(0, CA, fill_ones, 0)

        pltpu.sync_copy(dst3_hbm.at[wid], dst_st)

        def i_issue(i, b):
            pltpu.async_copy(src3_hbm.at[wid, i], srcb[b], isem)

        def i_wait(i, b):
            pltpu.make_async_copy(src3_hbm.at[wid, i], srcb[b], isem).wait()

        def g_issue(i, b):
            pltpu.async_copy(x_hbm.at[srcb[b]], rows[b], gsem)

        def g_wait(i, b):
            pltpu.make_async_copy(x_hbm.at[srcb[b]], rows[b], gsem).wait()

        def s_issue(i, b):
            pltpu.async_copy(rows[b], acc_sh.at[dst_st.at[i]], ssem, add=True)
            if with_deg:
                pltpu.async_copy(ones_v, dacc_sh.at[dst_st.at[i]], ssem,
                                 add=True)

        def s_wait(i, b):
            pltpu.make_async_copy(rows[b], acc_sh.at[dst_st.at[i]],
                                  ssem).wait()
            if with_deg:
                pltpu.make_async_copy(ones_v, dacc_sh.at[dst_st.at[i]],
                                      ssem).wait()

        i_issue(0, 0)
        i_wait(0, 0)
        g_issue(0, 0)
        i_issue(1, 1)
        plsc.subcore_barrier()

        def half(i, b):
            g_wait(i, b)

            @pl.when(i >= 1)
            def _():
                s_wait(i - 1, 1 - b)

            @pl.when(i <= NA - 2)
            def _():
                i_wait(i + 1, 1 - b)
                g_issue(i + 1, 1 - b)

            @pl.when(i <= NA - 3)
            def _():
                i_issue(i + 2, b)

            s_issue(i, b)

        half(0, 0)

        def pair(k, carry):
            half(2 * k + 1, 1)
            half(2 * k + 2, 0)
            return carry

        lax.fori_loop(0, (NA - 1) // 2, pair, 0)
        s_wait(NA - 1, 0)
        plsc.subcore_barrier()

        pltpu.sync_copy(acc_sh.at[pl.ds(s * RPT, RPT)],
                        feat_hbm.at[c, pl.ds(s * RPT, RPT)])
        if with_deg:
            pltpu.sync_copy(dacc_sh.at[pl.ds(s * RPT, RPT)],
                            deg_hbm.at[c, pl.ds(s * RPT, RPT)])

    out_type = [jax.ShapeDtypeStruct((NC, N, D), jnp.float32)]
    scratch = [
        pltpu.VMEM((NA, CA), jnp.int32),
        pltpu.VMEM((CA,), jnp.int32),
        pltpu.VMEM((CA,), jnp.int32),
        pltpu.VMEM((CA, D), jnp.float32),
        pltpu.VMEM((CA, D), jnp.float32),
    ]
    if with_deg:
        out_type.append(jax.ShapeDtypeStruct((NC, N, DG), jnp.float32))
        scratch.append(pltpu.VMEM((CA, DG), jnp.float32))
    scratch.append(pltpu.VMEM_SHARED((N, D), jnp.float32))
    if with_deg:
        scratch.append(pltpu.VMEM_SHARED((N, DG), jnp.float32))
    scratch += [pltpu.SemaphoreType.DMA] * 3

    mesh = plsc.VectorSubcoreMesh(core_axis_name="c", subcore_axis_name="s")
    f = pl.kernel(
        body,
        mesh=mesh,
        compiler_params=pltpu.CompilerParams(use_tc_tiling_on_sc=False),
        out_type=tuple(out_type),
        scratch_types=scratch,
    )
    return f(x, src3, dst3, zeros)


def _sc_linkpred_body(h_hbm, a2_hbm, b2_hbm, out3_hbm,
                      a_st, b_st, ra0, ra1, rb0, rb1, tmp_v, res0, res1,
                      sema, semb, wsem):
    c = lax.axis_index("c")
    s = lax.axis_index("s")
    wid = s * NC + c
    ra = (ra0, ra1)
    rb = (rb0, rb1)
    res = (res0, res1)
    lane = jnp.arange(LANES, dtype=jnp.int32)

    pltpu.sync_copy(a2_hbm.at[wid], a_st)
    pltpu.sync_copy(b2_hbm.at[wid], b_st)

    def g_issue(i, b):
        pltpu.async_copy(h_hbm.at[a_st.at[pl.ds(i * CA, CA)]], ra[b], sema)
        pltpu.async_copy(h_hbm.at[b_st.at[pl.ds(i * CA, CA)]], rb[b], semb)

    def g_wait(i, b):
        pltpu.make_async_copy(h_hbm.at[a_st.at[pl.ds(i * CA, CA)]],
                              ra[b], sema).wait()
        pltpu.make_async_copy(h_hbm.at[b_st.at[pl.ds(i * CA, CA)]],
                              rb[b], semb).wait()

    def w_issue(i, b):
        pltpu.async_copy(res[b], out3_hbm.at[wid, i], wsem)

    def w_wait(i, b):
        pltpu.make_async_copy(res[b], out3_hbm.at[wid, i], wsem).wait()

    g_issue(0, 0)

    def half(i, b):
        g_wait(i, b)

        @pl.when(i <= NA - 2)
        def _():
            g_issue(i + 1, 1 - b)

        @plsc.parallel_loop(0, CA, unroll=4)
        def _edge(e):
            acc = jnp.zeros((LANES,), jnp.float32)
            for j in range(D // (2 * LANES)):
                prod = (ra[b][e, pl.ds(j * 2 * LANES, 2 * LANES)]
                        * rb[b][e, pl.ds(j * 2 * LANES, 2 * LANES)])
                lo, hi = plsc.unpack(prod,
                                     format=plsc.PackFormat.INTERLEAVED)
                acc = acc + lo + hi
            tmp_v[e, :] = acc

        @plsc.parallel_loop(0, CA // LANES, unroll=5)
        def _group(g):
            tot = jnp.zeros((LANES,), jnp.float32)
            rowi = lane + g * LANES
            for l in range(LANES):
                col = jnp.full((LANES,), l, jnp.int32)
                tot = tot + plsc.load_gather(tmp_v, [rowi, col])
            res[b][pl.ds(g * LANES, LANES)] = tot

        @pl.when(i >= 1)
        def _():
            w_wait(i - 1, 1 - b)

        w_issue(i, b)

    half(0, 0)

    def pair(k, carry):
        half(2 * k + 1, 1)
        half(2 * k + 2, 0)
        return carry

    lax.fori_loop(0, (NA - 1) // 2, pair, 0)
    w_wait(NA - 1, 0)


def _sc_linkpred(h, a2, b2):
    mesh = plsc.VectorSubcoreMesh(core_axis_name="c", subcore_axis_name="s")
    f = pl.kernel(
        _sc_linkpred_body,
        mesh=mesh,
        compiler_params=pltpu.CompilerParams(use_tc_tiling_on_sc=False,
                                             needs_layout_passes=False),
        out_type=jax.ShapeDtypeStruct((NW, NA, CA), jnp.float32),
        scratch_types=[
            pltpu.VMEM((EPW,), jnp.int32),
            pltpu.VMEM((EPW,), jnp.int32),
            pltpu.VMEM((CA, D), jnp.bfloat16),
            pltpu.VMEM((CA, D), jnp.bfloat16),
            pltpu.VMEM((CA, D), jnp.bfloat16),
            pltpu.VMEM((CA, D), jnp.bfloat16),
            pltpu.VMEM((CA, LANES), jnp.float32),
            pltpu.VMEM((CA,), jnp.float32),
            pltpu.VMEM((CA,), jnp.float32),
            pltpu.SemaphoreType.DMA,
            pltpu.SemaphoreType.DMA,
            pltpu.SemaphoreType.DMA,
        ],
    )
    return f(h, a2, b2)


def _tc_dense_body(with_relu, f_ref, dg_ref, x_ref, wl_ref, bl_ref, wr_ref,
                   g_ref, be_ref, out_ref):
    p = f_ref[0] + f_ref[1]
    deg = jnp.maximum(dg_ref[0, :, 0:1] + dg_ref[1, :, 0:1], 1.0)
    mean = p / deg
    z = lax.dot_general(mean, wl_ref[...], (((1,), (1,)), ((), ())),
                        preferred_element_type=jnp.float32)
    z = z + bl_ref[...][None, :]
    z = z + lax.dot_general(x_ref[...], wr_ref[...], (((1,), (1,)), ((), ())),
                            preferred_element_type=jnp.float32)
    m = jnp.mean(z, axis=0, keepdims=True)
    v = jnp.mean((z - m) * (z - m), axis=0, keepdims=True)
    h = (z - m) * lax.rsqrt(v + 1e-5) * g_ref[...][None, :] + be_ref[...][None, :]
    if with_relu:
        h = jnp.where(h >= 0, h, 0.01 * h)
    out_ref[...] = h.astype(out_ref.dtype)


def _tc_dense(feat, deg, x, wl, bl, wr, g, be, *, with_relu, out_dtype):
    return pl.pallas_call(
        functools.partial(_tc_dense_body, with_relu),
        out_shape=jax.ShapeDtypeStruct((N, D), out_dtype),
    )(feat, deg, x, wl, bl, wr, g, be)


def kernel(node_feature, edge_index, edge_label_index,
           W1l, b1l, W1r, g1, be1, W2l, b2l, W2r, g2, be2):
    src3 = edge_index[0].astype(jnp.int32).reshape(NW, NA, CA)
    dst3 = edge_index[1].astype(jnp.int32).reshape(NW, NA, CA)
    a2 = edge_label_index[0].astype(jnp.int32).reshape(NW, EPW)
    b2 = edge_label_index[1].astype(jnp.int32).reshape(NW, EPW)
    zeros = jnp.zeros((N, D), jnp.float32)

    feat1, deg = _sc_agg(node_feature, src3, dst3, zeros, with_deg=True)
    h1 = _tc_dense(feat1, deg, node_feature, W1l, b1l, W1r, g1, be1,
                   with_relu=True, out_dtype=jnp.float32)
    (feat2,) = _sc_agg(h1, src3, dst3, zeros, with_deg=False)
    h2 = _tc_dense(feat2, deg, h1, W2l, b2l, W2r, g2, be2, with_relu=False,
                   out_dtype=jnp.bfloat16)
    pred = _sc_linkpred(h2, a2, b2)
    return pred.reshape(L)

# --- scband reference (transcript-rebuilt; emitter-appended) ---
"""Pipeline reference for scband-link-pred-model-79869211836686 (READ-ONLY COPY).

The authoritative reference and input builder live on the scoring server;
editing this copy changes nothing except your own understanding.
"""

import jax, jax.numpy as jnp
import numpy as np

N, E, L, D, H = 10000, 320000, 320000, 128, 128

def setup_inputs(seed: int = 0):
    key = jax.random.key(seed)
    ks = jax.random.split(key, 16)
    x = jax.random.normal(ks[0], (N, D), dtype=jnp.float32)
    edge_index = jax.random.randint(ks[1], (2, E), 0, N)
    edge_label_index = jax.random.randint(ks[2], (2, L), 0, N)
    s1 = 1.0 / np.sqrt(D)
    s2 = 1.0 / np.sqrt(H)
    W1l = jax.random.normal(ks[3], (H, D), dtype=jnp.float32) * s1
    b1l = jnp.zeros((H,), dtype=jnp.float32)
    W1r = jax.random.normal(ks[4], (H, D), dtype=jnp.float32) * s1
    W2l = jax.random.normal(ks[5], (H, H), dtype=jnp.float32) * s2
    b2l = jnp.zeros((H,), dtype=jnp.float32)
    W2r = jax.random.normal(ks[6], (H, H), dtype=jnp.float32) * s2
    g1 = jnp.ones((H,), dtype=jnp.float32)
    be1 = jnp.zeros((H,), dtype=jnp.float32)
    g2 = jnp.ones((H,), dtype=jnp.float32)
    be2 = jnp.zeros((H,), dtype=jnp.float32)
    return {"node_feature": x, "edge_index": edge_index, "edge_label_index": edge_label_index,
            "W1l": W1l, "b1l": b1l, "W1r": W1r, "g1": g1, "be1": be1,
            "W2l": W2l, "b2l": b2l, "W2r": W2r, "g2": g2, "be2": be2}

def _sage(x, edge_index, Wl, bl, Wr):
    # PyG SAGEConv: out = lin_l(mean_agg(x_src -> dst)) + lin_r(x)
    src = edge_index[0]
    dst = edge_index[1]
    msg = jnp.take(x, src, axis=0)
    agg = jax.ops.segment_sum(msg, dst, num_segments=x.shape[0])
    deg = jax.ops.segment_sum(jnp.ones((edge_index.shape[1],), dtype=x.dtype), dst, num_segments=x.shape[0])
    mean = agg / jnp.clip(deg, 1.0)[:, None]
    return mean @ Wl.T + bl + x @ Wr.T

def _bn(x, g, b):
    # BatchNorm1d in training mode: per-batch statistics
    m = jnp.mean(x, axis=0)
    v = jnp.var(x, axis=0)
    return (x - m) / jnp.sqrt(v + 1e-5) * g + b

def reference(node_feature, edge_index, edge_label_index, W1l, b1l, W1r, g1, be1, W2l, b2l, W2r, g2, be2):
    h = _sage(node_feature, edge_index, W1l, b1l, W1r)
    h = _bn(h, g1, be1)
    h = jax.nn.leaky_relu(h, negative_slope=0.01)
    h = _sage(h, edge_index, W2l, b2l, W2r)
    h = _bn(h, g2, be2)
    nodes_first = jnp.take(h, edge_label_index[0], axis=0)
    nodes_second = jnp.take(h, edge_label_index[1], axis=0)
    pred = jnp.sum(nodes_first * nodes_second, axis=-1)
    return pred

if __name__ == "__main__":
    import jax
    _d = setup_inputs()
    print(jax.jit(kernel)(*tuple(_d.values())))

</pallas_src>

<mosaic_0001>
#map = affine_map<(d0, d1) -> (0, 0)>
#map1 = affine_map<(d0, d1) -> (0, 0, 0)>
module attributes {stable_mosaic.version = 14 : i64} {
  func.func @_sc_linkpred_body(%arg0: i32, %arg1: i32, %arg2: memref<10000x128xbf16, #tpu.memory_space<hbm>>, %arg3: memref<32x10000xi32, #tpu.memory_space<hbm>>, %arg4: memref<32x10000xi32, #tpu.memory_space<hbm>>, %arg5: memref<32x125x80xf32, #tpu.memory_space<hbm>>, %arg6: memref<10000xi32, #tpu.memory_space<vmem>>, %arg7: memref<10000xi32, #tpu.memory_space<vmem>>, %arg8: memref<80x128xbf16, #tpu.memory_space<vmem>>, %arg9: memref<80x128xbf16, #tpu.memory_space<vmem>>, %arg10: memref<80x128xbf16, #tpu.memory_space<vmem>>, %arg11: memref<80x128xbf16, #tpu.memory_space<vmem>>, %arg12: memref<80x16xf32, #tpu.memory_space<vmem>>, %arg13: memref<80xf32, #tpu.memory_space<vmem>>, %arg14: memref<80xf32, #tpu.memory_space<vmem>>, %arg15: memref<!tpu.dma_semaphore, #tpu.memory_space<semaphore_mem>>, %arg16: memref<!tpu.dma_semaphore, #tpu.memory_space<semaphore_mem>>, %arg17: memref<!tpu.dma_semaphore, #tpu.memory_space<semaphore_mem>>) attributes {dimension_semantics = [#tpu.dimension_semantics<core_parallel>, #tpu.dimension_semantics<subcore_parallel>], iteration_bounds = array<i64: 2, 16>, scalar_prefetch = 0 : i64, scratch_operands = 12 : i64, tpu.core_type = #tpu.core_type<sc_vector_subcore>, window_params = [{transform_indices = #map}, {transform_indices = #map}, {transform_indices = #map}, {transform_indices = #map1}]} {
    %mul3A = arith.constant 2 : i32
    %mul3A_0 = arith.muli %arg1, %mul3A : i32
    %add3A = arith.addi %mul3A_0, %arg0 : i32
    %iota3A = tpu.iota {dimensions = array<i32: 0>} : vector<16xi32>
    "tpu.region"() ({
      %run_scoped3A = tpu.sem_alloc : memref<!tpu.dma_semaphore, #tpu.memory_space<semaphore_mem>>
      %dma_start3A_53 = arith.constant 0 : i32
      %dma_start3A_54 = tpu.memref_slice %arg3[%add3A, %dma_start3A_53] : memref<32x10000xi32, #tpu.memory_space<hbm>> -> memref<1x10000xi32, #tpu.memory_space<hbm>>
      %dma_start3A_55 = tpu.memref_squeeze %dma_start3A_54 : memref<1x10000xi32, #tpu.memory_space<hbm>> -> memref<10000xi32, #tpu.memory_space<hbm>>
      %dma_start3A_56 = arith.constant 0 : i32
      %dma_start3A_57 = tpu.memref_slice %arg3[%add3A, %dma_start3A_56] : memref<32x10000xi32, #tpu.memory_space<hbm>> -> memref<1x10000xi32, #tpu.memory_space<hbm>>
      %dma_start3A_58 = tpu.memref_squeeze %dma_start3A_57 : memref<1x10000xi32, #tpu.memory_space<hbm>> -> memref<10000xi32, #tpu.memory_space<hbm>>
      tpu.enqueue_dma source(%dma_start3A_58 : memref<10000xi32, #tpu.memory_space<hbm>>) target(%arg6 : memref<10000xi32, #tpu.memory_space<vmem>>) target_semaphore(%run_scoped3A : memref<!tpu.dma_semaphore, #tpu.memory_space<semaphore_mem>>)
      %dma_wait3A_59 = arith.constant 0 : i32
      %dma_wait3A_60 = tpu.memref_slice %arg3[%add3A, %dma_wait3A_59] : memref<32x10000xi32, #tpu.memory_space<hbm>> -> memref<1x10000xi32, #tpu.memory_space<hbm>>
      %dma_wait3A_61 = tpu.memref_squeeze %dma_wait3A_60 : memref<1x10000xi32, #tpu.memory_space<hbm>> -> memref<10000xi32, #tpu.memory_space<hbm>>
      %dma_wait3A_62 = arith.constant 0 : i32
      %dma_wait3A_63 = tpu.memref_slice %arg3[%add3A, %dma_wait3A_62] : memref<32x10000xi32, #tpu.memory_space<hbm>> -> memref<1x10000xi32, #tpu.memory_space<hbm>>
      %dma_wait3A_64 = tpu.memref_squeeze %dma_wait3A_63 : memref<1x10000xi32, #tpu.memory_space<hbm>> -> memref<10000xi32, #tpu.memory_space<hbm>>
      tpu.wait_dma2 semaphore(%run_scoped3A : memref<!tpu.dma_semaphore, #tpu.memory_space<semaphore_mem>>) src(%dma_wait3A_64 : memref<10000xi32, #tpu.memory_space<hbm>>) dst(%arg6 : memref<10000xi32, #tpu.memory_space<vmem>>)
      tpu.yield
    }) : () -> ()
    "tpu.region"() ({
      %run_scoped3A = tpu.sem_alloc : memref<!tpu.dma_semaphore, #tpu.memory_space<semaphore_mem>>
      %dma_start3A_53 = arith.constant 0 : i32
      %dma_start3A_54 = tpu.memref_slice %arg4[%add3A, %dma_start3A_53] : memref<32x10000xi32, #tpu.memory_space<hbm>> -> memref<1x10000xi32, #tpu.memory_space<hbm>>
      %dma_start3A_55 = tpu.memref_squeeze %dma_start3A_54 : memref<1x10000xi32, #tpu.memory_space<hbm>> -> memref<10000xi32, #tpu.memory_space<hbm>>
      %dma_start3A_56 = arith.constant 0 : i32
      %dma_start3A_57 = tpu.memref_slice %arg4[%add3A, %dma_start3A_56] : memref<32x10000xi32, #tpu.memory_space<hbm>> -> memref<1x10000xi32, #tpu.memory_space<hbm>>
      %dma_start3A_58 = tpu.memref_squeeze %dma_start3A_57 : memref<1x10000xi32, #tpu.memory_space<hbm>> -> memref<10000xi32, #tpu.memory_space<hbm>>
      tpu.enqueue_dma source(%dma_start3A_58 : memref<10000xi32, #tpu.memory_space<hbm>>) target(%arg7 : memref<10000xi32, #tpu.memory_space<vmem>>) target_semaphore(%run_scoped3A : memref<!tpu.dma_semaphore, #tpu.memory_space<semaphore_mem>>)
      %dma_wait3A_59 = arith.constant 0 : i32
      %dma_wait3A_60 = tpu.memref_slice %arg4[%add3A, %dma_wait3A_59] : memref<32x10000xi32, #tpu.memory_space<hbm>> -> memref<1x10000xi32, #tpu.memory_space<hbm>>
      %dma_wait3A_61 = tpu.memref_squeeze %dma_wait3A_60 : memref<1x10000xi32, #tpu.memory_space<hbm>> -> memref<10000xi32, #tpu.memory_space<hbm>>
      %dma_wait3A_62 = arith.constant 0 : i32
      %dma_wait3A_63 = tpu.memref_slice %arg4[%add3A, %dma_wait3A_62] : memref<32x10000xi32, #tpu.memory_space<hbm>> -> memref<1x10000xi32, #tpu.memory_space<hbm>>
      %dma_wait3A_64 = tpu.memref_squeeze %dma_wait3A_63 : memref<1x10000xi32, #tpu.memory_space<hbm>> -> memref<10000xi32, #tpu.memory_space<hbm>>
      tpu.wait_dma2 semaphore(%run_scoped3A : memref<!tpu.dma_semaphore, #tpu.memory_space<semaphore_mem>>) src(%dma_wait3A_64 : memref<10000xi32, #tpu.memory_space<hbm>>) dst(%arg7 : memref<10000xi32, #tpu.memory_space<vmem>>)
      tpu.yield
    }) : () -> ()
    %dma_start3A = arith.constant 0 : i32
    %dma_start3A_1 = tpu.memref_slice %arg6[%dma_start3A] : memref<10000xi32, #tpu.memory_space<vmem>> -> memref<80xi32, #tpu.memory_space<vmem>>
    %dma_start3A_2 = arith.constant 0 : i32
    %dma_start3A_3 = arith.constant 0 : i32
    %dma_start3A_4 = tpu.memref_slice %arg2[%dma_start3A_2, %dma_start3A_3] : memref<10000x128xbf16, #tpu.memory_space<hbm>> -> memref<10000x128xbf16, #tpu.memory_space<hbm>>
    tpu.enqueue_indirect_dma source(%dma_start3A_4 : memref<10000x128xbf16, #tpu.memory_space<hbm>>) target(%arg8 : memref<80x128xbf16, #tpu.memory_space<vmem>>) offsets(%dma_start3A_1 : memref<80xi32, #tpu.memory_space<vmem>>) semaphore(%arg15 : memref<!tpu.dma_semaphore, #tpu.memory_space<semaphore_mem>>)
    %dma_start3A_5 = arith.constant 0 : i32
    %dma_start3A_6 = tpu.memref_slice %arg7[%dma_start3A_5] : memref<10000xi32, #tpu.memory_space<vmem>> -> memref<80xi32, #tpu.memory_space<vmem>>
    %dma_start3A_7 = arith.constant 0 : i32
    %dma_start3A_8 = arith.constant 0 : i32
    %dma_start3A_9 = tpu.memref_slice %arg2[%dma_start3A_7, %dma_start3A_8] : memref<10000x128xbf16, #tpu.memory_space<hbm>> -> memref<10000x128xbf16, #tpu.memory_space<hbm>>
    tpu.enqueue_indirect_dma source(%dma_start3A_9 : memref<10000x128xbf16, #tpu.memory_space<hbm>>) target(%arg10 : memref<80x128xbf16, #tpu.memory_space<vmem>>) offsets(%dma_start3A_6 : memref<80xi32, #tpu.memory_space<vmem>>) semaphore(%arg16 : memref<!tpu.dma_semaphore, #tpu.memory_space<semaphore_mem>>)
    %dma_wait3A = arith.constant 0 : i32
    %dma_wait3A_10 = tpu.memref_slice %arg6[%dma_wait3A] : memref<10000xi32, #tpu.memory_space<vmem>> -> memref<80xi32, #tpu.memory_space<vmem>>
    %dma_wait3A_11 = arith.constant 0 : i32
    %dma_wait3A_12 = arith.constant 0 : i32
    %dma_wait3A_13 = tpu.memref_slice %arg2[%dma_wait3A_11, %dma_wait3A_12] : memref<10000x128xbf16, #tpu.memory_space<hbm>> -> memref<10000x128xbf16, #tpu.memory_space<hbm>>
    tpu.wait_indirect_dma semaphore(%arg15 : memref<!tpu.dma_semaphore, #tpu.memory_space<semaphore_mem>>) src(%dma_wait3A_13 : memref<10000x128xbf16, #tpu.memory_space<hbm>>) dst(%arg8 : memref<80x128xbf16, #tpu.memory_space<vmem>>)
    %dma_wait3A_14 = arith.constant 0 : i32
    %dma_wait3A_15 = tpu.memref_slice %arg7[%dma_wait3A_14] : memref<10000xi32, #tpu.memory_space<vmem>> -> memref<80xi32, #tpu.memory_space<vmem>>
    %dma_wait3A_16 = arith.constant 0 : i32
    %dma_wait3A_17 = arith.constant 0 : i32
    %dma_wait3A_18 = tpu.memref_slice %arg2[%dma_wait3A_16, %dma_wait3A_17] : memref<10000x128xbf16, #tpu.memory_space<hbm>> -> memref<10000x128xbf16, #tpu.memory_space<hbm>>
    tpu.wait_indirect_dma semaphore(%arg16 : memref<!tpu.dma_semaphore, #tpu.memory_space<semaphore_mem>>) src(%dma_wait3A_18 : memref<10000x128xbf16, #tpu.memory_space<hbm>>) dst(%arg10 : memref<80x128xbf16, #tpu.memory_space<vmem>>)
    %dma_start3A_19 = arith.constant 80 : i32
    %dma_start3A_20 = tpu.memref_slice %arg6[%dma_start3A_19] : memref<10000xi32, #tpu.memory_space<vmem>> -> memref<80xi32, #tpu.memory_space<vmem>>
    %dma_start3A_21 = arith.constant 0 : i32
    %dma_start3A_22 = arith.constant 0 : i32
    %dma_start3A_23 = tpu.memref_slice %arg2[%dma_start3A_21, %dma_start3A_22] : memref<10000x128xbf16, #tpu.memory_space<hbm>> -> memref<10000x128xbf16, #tpu.memory_space<hbm>>
    tpu.enqueue_indirect_dma source(%dma_start3A_23 : memref<10000x128xbf16, #tpu.memory_space<hbm>>) target(%arg9 : memref<80x128xbf16, #tpu.memory_space<vmem>>) offsets(%dma_start3A_20 : memref<80xi32, #tpu.memory_space<vmem>>) semaphore(%arg15 : memref<!tpu.dma_semaphore, #tpu.memory_space<semaphore_mem>>)
    %dma_start3A_24 = arith.constant 80 : i32
    %dma_start3A_25 = tpu.memref_slice %arg7[%dma_start3A_24] : memref<10000xi32, #tpu.memory_space<vmem>> -> memref<80xi32, #tpu.memory_space<vmem>>
    %dma_start3A_26 = arith.constant 0 : i32
    %dma_start3A_27 = arith.constant 0 : i32
    %dma_start3A_28 = tpu.memref_slice %arg2[%dma_start3A_26, %dma_start3A_27] : memref<10000x128xbf16, #tpu.memory_space<hbm>> -> memref<10000x128xbf16, #tpu.memory_space<hbm>>
    tpu.enqueue_indirect_dma source(%dma_start3A_28 : memref<10000x128xbf16, #tpu.memory_space<hbm>>) target(%arg11 : memref<80x128xbf16, #tpu.memory_space<vmem>>) offsets(%dma_start3A_25 : memref<80xi32, #tpu.memory_space<vmem>>) semaphore(%arg16 : memref<!tpu.dma_semaphore, #tpu.memory_space<semaphore_mem>>)
    %parallel_loop3A = arith.constant 0 : i32
    %parallel_loop3A_29 = arith.constant 80 : i32
    %parallel_loop3A_30 = arith.constant 1 : i32
    scf.for %parallel_loop3A_53 = %parallel_loop3A to %parallel_loop3A_29 step %parallel_loop3A_30  : i32 {
      %parallel_loop3A_54 = arith.constant 0.000000e+00 : f32
      %parallel_loop3A_55 = vector.broadcast %parallel_loop3A_54 : f32 to vector<16xf32>
      %parallel_loop3A_56 = arith.index_cast %parallel_loop3A_53 : i32 to index
      %parallel_loop3A_57 = arith.constant 0 : index
      %parallel_loop3A_58 = tpu.vector_load %arg8[%parallel_loop3A_56, %parallel_loop3A_57] {strides = array<i32>} : memref<80x128xbf16, #tpu.memory_space<vmem>>, vector<32xbf16>,
      %parallel_loop3A_59 = arith.index_cast %parallel_loop3A_53 : i32 to index
      %parallel_loop3A_60 = arith.constant 0 : index
      %parallel_loop3A_61 = tpu.vector_load %arg10[%parallel_loop3A_59, %parallel_loop3A_60] {strides = array<i32>} : memref<80x128xbf16, #tpu.memory_space<vmem>>, vector<32xbf16>,
      %parallel_loop3A_62 = arith.mulf %parallel_loop3A_58, %parallel_loop3A_61 : vector<32xbf16>
      %parallel_loop3A_63 = tpu.unpack_subelements %parallel_loop3A_62, 0 {pack_format = #tpu.pack_format<interleaved>} : vector<32xbf16> -> vector<16xf32>
      %parallel_loop3A_64 = tpu.unpack_subelements %parallel_loop3A_62, 1 {pack_format = #tpu.pack_format<interleaved>} : vector<32xbf16> -> vector<16xf32>
      %parallel_loop3A_65 = arith.addf %parallel_loop3A_55, %parallel_loop3A_63 : vector<16xf32>
      %parallel_loop3A_66 = arith.addf %parallel_loop3A_65, %parallel_loop3A_64 : vector<16xf32>
      %parallel_loop3A_67 = arith.index_cast %parallel_loop3A_53 : i32 to index
      %parallel_loop3A_68 = arith.constant 32 : index
      %parallel_loop3A_69 = tpu.vector_load %arg8[%parallel_loop3A_67, %parallel_loop3A_68] {strides = array<i32>} : memref<80x128xbf16, #tpu.memory_space<vmem>>, vector<32xbf16>,
      %parallel_loop3A_70 = arith.index_cast %parallel_loop3A_53 : i32 to index
      %parallel_loop3A_71 = arith.constant 32 : index
      %parallel_loop3A_72 = tpu.vector_load %arg10[%parallel_loop3A_70, %parallel_loop3A_71] {strides = array<i32>} : memref<80x128xbf16, #tpu.memory_space<vmem>>, vector<32xbf16>,
      %parallel_loop3A_73 = arith.mulf %parallel_loop3A_69, %parallel_loop3A_72 : vector<32xbf16>
      %parallel_loop3A_74 = tpu.unpack_subelements %parallel_loop3A_73, 0 {pack_format = #tpu.pack_format<interleaved>} : vector<32xbf16> -> vector<16xf32>
      %parallel_loop3A_75 = tpu.unpack_subelements %parallel_loop3A_73, 1 {pack_format = #tpu.pack_format<interleaved>} : vector<32xbf16> -> vector<16xf32>
      %parallel_loop3A_76 = arith.addf %parallel_loop3A_66, %parallel_loop3A_74 : vector<16xf32>
      %parallel_loop3A_77 = arith.addf %parallel_loop3A_76, %parallel_loop3A_75 : vector<16xf32>
      %parallel_loop3A_78 = arith.index_cast %parallel_loop3A_53 : i32 to index
      %parallel_loop3A_79 = arith.constant 64 : index
      %parallel_loop3A_80 = tpu.vector_load %arg8[%parallel_loop3A_78, %parallel_loop3A_79] {strides = array<i32>} : memref<80x128xbf16, #tpu.memory_space<vmem>>, vector<32xbf16>,
      %parallel_loop3A_81 = arith.index_cast %parallel_loop3A_53 : i32 to index
      %parallel_loop3A_82 = arith.constant 64 : index
      %parallel_loop3A_83 = tpu.vector_load %arg10[%parallel_loop3A_81, %parallel_loop3A_82] {strides = array<i32>} : memref<80x128xbf16, #tpu.memory_space<vmem>>, vector<32xbf16>,
      %parallel_loop3A_84 = arith.mulf %parallel_loop3A_80, %parallel_loop3A_83 : vector<32xbf16>
      %parallel_loop3A_85 = tpu.unpack_subelements %parallel_loop3A_84, 0 {pack_format = #tpu.pack_format<interleaved>} : vector<32xbf16> -> vector<16xf32>
      %parallel_loop3A_86 = tpu.unpack_subelements %parallel_loop3A_84, 1 {pack_format = #tpu.pack_format<interleaved>} : vector<32xbf16> -> vector<16xf32>
      %parallel_loop3A_87 = arith.addf %parallel_loop3A_77, %parallel_loop3A_85 : vector<16xf32>
      %parallel_loop3A_88 = arith.addf %parallel_loop3A_87, %parallel_loop3A_86 : vector<16xf32>
      %parallel_loop3A_89 = arith.index_cast %parallel_loop3A_53 : i32 to index
      %parallel_loop3A_90 = arith.constant 96 : index
      %parallel_loop3A_91 = tpu.vector_load %arg8[%parallel_loop3A_89, %parallel_loop3A_90] {strides = array<i32>} : memref<80x128xbf16, #tpu.memory_space<vmem>>, vector<32xbf16>,
      %parallel_loop3A_92 = arith.index_cast %parallel_loop3A_53 : i32 to index
      %parallel_loop3A_93 = arith.constant 96 : index
      %parallel_loop3A_94 = tpu.vector_load %arg10[%parallel_loop3A_92, %parallel_loop3A_93] {strides = array<i32>} : memref<80x128xbf16, #tpu.memory_space<vmem>>, vector<32xbf16>,
      %parallel_loop3A_95 = arith.mulf %parallel_loop3A_91, %parallel_loop3A_94 : vector<32xbf16>
      %parallel_loop3A_96 = tpu.unpack_subelements %parallel_loop3A_95, 0 {pack_format = #tpu.pack_format<interleaved>} : vector<32xbf16> -> vector<16xf32>
      %parallel_loop3A_97 = tpu.unpack_subelements %parallel_loop3A_95, 1 {pack_format = #tpu.pack_format<interleaved>} : vector<32xbf16> -> vector<16xf32>
      %parallel_loop3A_98 = arith.addf %parallel_loop3A_88, %parallel_loop3A_96 : vector<16xf32>
      %parallel_loop3A_99 = arith.addf %parallel_loop3A_98, %parallel_loop3A_97 : vector<16xf32>
      %parallel_loop3A_100 = arith.index_cast %parallel_loop3A_53 : i32 to index
      %parallel_loop3A_101 = arith.constant 0 : index
      %parallel_loop3A_102 = tpu.vector_load %arg12[%parallel_loop3A_100, %parallel_loop3A_101] {strides = array<i32>} : memref<80x16xf32, #tpu.memory_space<vmem>>, vector<16xf32>,
      tpu.vector_store %arg12[%parallel_loop3A_100, %parallel_loop3A_101], %parallel_loop3A_99 {strides = array<i32>} : memref<80x16xf32, #tpu.memory_space<vmem>>, vector<16xf32>,
    } {sc.loop_unroll_factor = 4 : i64, sc.parallel_access}
    %parallel_loop3A_31 = arith.constant 0 : i32
    %parallel_loop3A_32 = arith.constant 5 : i32
    %parallel_loop3A_33 = arith.constant 1 : i32
    scf.for %parallel_loop3A_53 = %parallel_loop3A_31 to %parallel_loop3A_32 step %parallel_loop3A_33  : i32 {
      %parallel_loop3A_54 = arith.constant 0.000000e+00 : f32
      %parallel_loop3A_55 = vector.broadcast %parallel_loop3A_54 : f32 to vector<16xf32>
      %parallel_loop3A_56 = arith.constant 16 : i32
      %parallel_loop3A_57 = arith.muli %parallel_loop3A_53, %parallel_loop3A_56 : i32
      %parallel_loop3A_58 = vector.broadcast %parallel_loop3A_57 : i32 to vector<16xi32>
      %parallel_loop3A_59 = arith.addi %iota3A, %parallel_loop3A_58 : vector<16xi32>
      %parallel_loop3A_60 = arith.constant 0 : i32
      %parallel_loop3A_61 = vector.broadcast %parallel_loop3A_60 : i32 to vector<16xi32>
      %parallel_loop3A_62 = tpu.vector_load_idx %arg12[%parallel_loop3A_59, %parallel_loop3A_61] : memref<80x16xf32, #tpu.memory_space<vmem>>[vector<16xi32>, vector<16xi32>], vector<16xf32>,
      %parallel_loop3A_63 = arith.addf %parallel_loop3A_55, %parallel_loop3A_62 : vector<16xf32>
      %parallel_loop3A_64 = arith.constant 1 : i32
      %parallel_loop3A_65 = vector.broadcast %parallel_loop3A_64 : i32 to vector<16xi32>
      %parallel_loop3A_66 = tpu.vector_load_idx %arg12[%parallel_loop3A_59, %parallel_loop3A_65] : memref<80x16xf32, #tpu.memory_space<vmem>>[vector<16xi32>, vector<16xi32>], vector<16xf32>,
      %parallel_loop3A_67 = arith.addf %parallel_loop3A_63, %parallel_loop3A_66 : vector<16xf32>
      %parallel_loop3A_68 = arith.constant 2 : i32
      %parallel_loop3A_69 = vector.broadcast %parallel_loop3A_68 : i32 to vector<16xi32>
      %parallel_loop3A_70 = tpu.vector_load_idx %arg12[%parallel_loop3A_59, %parallel_loop3A_69] : memref<80x16xf32, #tpu.memory_space<vmem>>[vector<16xi32>, vector<16xi32>], vector<16xf32>,
      %parallel_loop3A_71 = arith.addf %parallel_loop3A_67, %parallel_loop3A_70 : vector<16xf32>
      %parallel_loop3A_72 = arith.constant 3 : i32
      %parallel_loop3A_73 = vector.broadcast %parallel_loop3A_72 : i32 to vector<16xi32>
      %parallel_loop3A_74 = tpu.vector_load_idx %arg12[%parallel_loop3A_59, %parallel_loop3A_73] : memref<80x16xf32, #tpu.memory_space<vmem>>[vector<16xi32>, vector<16xi32>], vector<16xf32>,
      %parallel_loop3A_75 = arith.addf %parallel_loop3A_71, %parallel_loop3A_74 : vector<16xf32>
      %parallel_loop3A_76 = arith.constant 4 : i32
      %parallel_loop3A_77 = vector.broadcast %parallel_loop3A_76 : i32 to vector<16xi32>
      %parallel_loop3A_78 = tpu.vector_load_idx %arg12[%parallel_loop3A_59, %parallel_loop3A_77] : memref<80x16xf32, #tpu.memory_space<vmem>>[vector<16xi32>, vector<16xi32>], vector<16xf32>,
      %parallel_loop3A_79 = arith.addf %parallel_loop3A_75, %parallel_loop3A_78 : vector<16xf32>
      %parallel_loop3A_80 = arith.constant 5 : i32
      %parallel_loop3A_81 = vector.broadcast %parallel_loop3A_80 : i32 to vector<16xi32>
      %parallel_loop3A_82 = tpu.vector_load_idx %arg12[%parallel_loop3A_59, %parallel_loop3A_81] : memref<80x16xf32, #tpu.memory_space<vmem>>[vector<16xi32>, vector<16xi32>], vector<16xf32>,
      %parallel_loop3A_83 = arith.addf %parallel_loop3A_79, %parallel_loop3A_82 : vector<16xf32>
      %parallel_loop3A_84 = arith.constant 6 : i32
      %parallel_loop3A_85 = vector.broadcast %parallel_loop3A_84 : i32 to vector<16xi32>
      %parallel_loop3A_86 = tpu.vector_load_idx %arg12[%parallel_loop3A_59, %parallel_loop3A_85] : memref<80x16xf32, #tpu.memory_space<vmem>>[vector<16xi32>, vector<16xi32>], vector<16xf32>,
      %parallel_loop3A_87 = arith.addf %parallel_loop3A_83, %parallel_loop3A_86 : vector<16xf32>
      %parallel_loop3A_88 = arith.constant 7 : i32
      %parallel_loop3A_89 = vector.broadcast %parallel_loop3A_88 : i32 to vector<16xi32>
      %parallel_loop3A_90 = tpu.vector_load_idx %arg12[%parallel_loop3A_59, %parallel_loop3A_89] : memref<80x16xf32, #tpu.memory_space<vmem>>[vector<16xi32>, vector<16xi32>], vector<16xf32>,
      %parallel_loop3A_91 = arith.addf %parallel_loop3A_87, %parallel_loop3A_90 : vector<16xf32>
      %parallel_loop3A_92 = arith.constant 8 : i32
      %parallel_loop3A_93 = vector.broadcast %parallel_loop3A_92 : i32 to vector<16xi32>
      %parallel_loop3A_94 = tpu.vector_load_idx %arg12[%parallel_loop3A_59, %parallel_loop3A_93] : memref<80x16xf32, #tpu.memory_space<vmem>>[vector<16xi32>, vector<16xi32>], vector<16xf32>,
      %parallel_loop3A_95 = arith.addf %parallel_loop3A_91, %parallel_loop3A_94 : vector<16xf32>
      %parallel_loop3A_96 = arith.constant 9 : i32
      %parallel_loop3A_97 = vector.broadcast %parallel_loop3A_96 : i32 to vector<16xi32>
      %parallel_loop3A_98 = tpu.vector_load_idx %arg12[%parallel_loop3A_59, %parallel_loop3A_97] : memref<80x16xf32, #tpu.memory_space<vmem>>[vector<16xi32>, vector<16xi32>], vector<16xf32>,
      %parallel_loop3A_99 = arith.addf %parallel_loop3A_95, %parallel_loop3A_98 : vector<16xf32>
      %parallel_loop3A_100 = arith.constant 10 : i32
      %parallel_loop3A_101 = vector.broadcast %parallel_loop3A_100 : i32 to vector<16xi32>
      %parallel_loop3A_102 = tpu.vector_load_idx %arg12[%parallel_loop3A_59, %parallel_loop3A_101] : memref<80x16xf32, #tpu.memory_space<vmem>>[vector<16xi32>, vector<16xi32>], vector<16xf32>,
      %parallel_loop3A_103 = arith.addf %parallel_loop3A_99, %parallel_loop3A_102 : vector<16xf32>
      %parallel_loop3A_104 = arith.constant 11 : i32
      %parallel_loop3A_105 = vector.broadcast %parallel_loop3A_104 : i32 to vector<16xi32>
      %parallel_loop3A_106 = tpu.vector_load_idx %arg12[%parallel_loop3A_59, %parallel_loop3A_105] : memref<80x16xf32, #tpu.memory_space<vmem>>[vector<16xi32>, vector<16xi32>], vector<16xf32>,
      %parallel_loop3A_107 = arith.addf %parallel_loop3A_103, %parallel_loop3A_106 : vector<16xf32>
      %parallel_loop3A_108 = arith.constant 12 : i32
      %parallel_loop3A_109 = vector.broadcast %parallel_loop3A_108 : i32 to vector<16xi32>
      %parallel_loop3A_110 = tpu.vector_load_idx %arg12[%parallel_loop3A_59, %parallel_loop3A_109] : memref<80x16xf32, #tpu.memory_space<vmem>>[vector<16xi32>, vector<16xi32>], vector<16xf32>,
      %parallel_loop3A_111 = arith.addf %parallel_loop3A_107, %parallel_loop3A_110 : vector<16xf32>
      %parallel_loop3A_112 = arith.constant 13 : i32
      %parallel_loop3A_113 = vector.broadcast %parallel_loop3A_112 : i32 to vector<16xi32>
      %parallel_loop3A_114 = tpu.vector_load_idx %arg12[%parallel_loop3A_59, %parallel_loop3A_113] : memref<80x16xf32, #tpu.memory_space<vmem>>[vector<16xi32>, vector<16xi32>], vector<16xf32>,
      %parallel_loop3A_115 = arith.addf %parallel_loop3A_111, %parallel_loop3A_114 : vector<16xf32>
      %parallel_loop3A_116 = arith.constant 14 : i32
      %parallel_loop3A_117 = vector.broadcast %parallel_loop3A_116 : i32 to vector<16xi32>
      %parallel_loop3A_118 = tpu.vector_load_idx %arg12[%parallel_loop3A_59, %parallel_loop3A_117] : memref<80x16xf32, #tpu.memory_space<vmem>>[vector<16xi32>, vector<16xi32>], vector<16xf32>,
      %parallel_loop3A_119 = arith.addf %parallel_loop3A_115, %parallel_loop3A_118 : vector<16xf32>
      %parallel_loop3A_120 = arith.constant 15 : i32
      %parallel_loop3A_121 = vector.broadcast %parallel_loop3A_120 : i32 to vector<16xi32>
      %parallel_loop3A_122 = tpu.vector_load_idx %arg12[%parallel_loop3A_59, %parallel_loop3A_121] : memref<80x16xf32, #tpu.memory_space<vmem>>[vector<16xi32>, vector<16xi32>], vector<16xf32>,
      %parallel_loop3A_123 = arith.addf %parallel_loop3A_119, %parallel_loop3A_122 : vector<16xf32>
      %parallel_loop3A_124 = arith.constant 16 : i32
      %parallel_loop3A_125 = arith.muli %parallel_loop3A_53, %parallel_loop3A_124 : i32
      %parallel_loop3A_126 = arith.index_cast %parallel_loop3A_125 : i32 to index
      %parallel_loop3A_127 = tpu.vector_load %arg13[%parallel_loop3A_126] {strides = array<i32>} : memref<80xf32, #tpu.memory_space<vmem>>, vector<16xf32>,
      tpu.vector_store %arg13[%parallel_loop3A_126], %parallel_loop3A_123 {strides = array<i32>} : memref<80xf32, #tpu.memory_space<vmem>>, vector<16xf32>,
    } {sc.loop_unroll_factor = 5 : i64, sc.parallel_access}
    %dma_start3A_34 = arith.constant 0 : i32
    %dma_start3A_35 = arith.constant 0 : i32
    %dma_start3A_36 = tpu.memref_slice %arg5[%add3A, %dma_start3A_34, %dma_start3A_35] : memref<32x125x80xf32, #tpu.memory_space<hbm>> -> memref<1x1x80xf32, #tpu.memory_space<hbm>>
    %dma_start3A_37 = tpu.memref_squeeze %dma_start3A_36 : memref<1x1x80xf32, #tpu.memory_space<hbm>> -> memref<80xf32, #tpu.memory_space<hbm>>
    %dma_start3A_38 = arith.constant 0 : i32
    %dma_start3A_39 = tpu.memref_slice %arg5[%add3A, %dma_start3A_34, %dma_start3A_38] : memref<32x125x80xf32, #tpu.memory_space<hbm>> -> memref<1x1x80xf32, #tpu.memory_space<hbm>>
    %dma_start3A_40 = tpu.memref_squeeze %dma_start3A_39 : memref<1x1x80xf32, #tpu.memory_space<hbm>> -> memref<80xf32, #tpu.memory_space<hbm>>
    tpu.enqueue_dma source(%arg13 : memref<80xf32, #tpu.memory_space<vmem>>) target(%dma_start3A_40 : memref<80xf32, #tpu.memory_space<hbm>>) target_semaphore(%arg17 : memref<!tpu.dma_semaphore, #tpu.memory_space<semaphore_mem>>)
    %scan3A = arith.constant 0 : i32
    %scan3A_41 = arith.constant 0 : i32
    %scan3A_42 = arith.constant 62 : i32
    %scan3A_43 = arith.addi %scan3A_41, %scan3A_42 : i32
    %scan3A_44 = arith.constant 1 : i32
    scf.for %scan3A_53 = %scan3A_41 to %scan3A_43 step %scan3A_44  : i32 {
      %mul3A_54 = arith.constant 2 : i32
      %mul3A_55 = arith.muli %mul3A_54, %scan3A_53 : i32
      %add3A_56 = arith.constant 1 : i32
      %add3A_57 = arith.addi %mul3A_55, %add3A_56 : i32
      %mul3A_58 = arith.constant 80 : i32
      %mul3A_59 = arith.muli %add3A_57, %mul3A_58 : i32
      %dma_wait3A_60 = tpu.memref_slice %arg6[%mul3A_59] : memref<10000xi32, #tpu.memory_space<vmem>> -> memref<80xi32, #tpu.memory_space<vmem>>
      %dma_wait3A_61 = arith.constant 0 : i32
      %dma_wait3A_62 = arith.constant 0 : i32
      %dma_wait3A_63 = tpu.memref_slice %arg2[%dma_wait3A_61, %dma_wait3A_62] : memref<10000x128xbf16, #tpu.memory_space<hbm>> -> memref<10000x128xbf16, #tpu.memory_space<hbm>>
      tpu.wait_indirect_dma semaphore(%arg15 : memref<!tpu.dma_semaphore, #tpu.memory_space<semaphore_mem>>) src(%dma_wait3A_63 : memref<10000x128xbf16, #tpu.memory_space<hbm>>) dst(%arg9 : memref<80x128xbf16, #tpu.memory_space<vmem>>)
      %mul3A_64 = arith.constant 80 : i32
      %mul3A_65 = arith.muli %add3A_57, %mul3A_64 : i32
      %dma_wait3A_66 = tpu.memref_slice %arg7[%mul3A_65] : memref<10000xi32, #tpu.memory_space<vmem>> -> memref<80xi32, #tpu.memory_space<vmem>>
      %dma_wait3A_67 = arith.constant 0 : i32
      %dma_wait3A_68 = arith.constant 0 : i32
      %dma_wait3A_69 = tpu.memref_slice %arg2[%dma_wait3A_67, %dma_wait3A_68] : memref<10000x128xbf16, #tpu.memory_space<hbm>> -> memref<10000x128xbf16, #tpu.memory_space<hbm>>
      tpu.wait_indirect_dma semaphore(%arg16 : memref<!tpu.dma_semaphore, #tpu.memory_space<semaphore_mem>>) src(%dma_wait3A_69 : memref<10000x128xbf16, #tpu.memory_space<hbm>>) dst(%arg11 : memref<80x128xbf16, #tpu.memory_space<vmem>>)
      %le3A = arith.constant 123 : i32
      %le3A_70 = arith.cmpi sle, %add3A_57, %le3A : i32
      %convert_element_type3A = arith.extui %le3A_70 : i1 to i32
      %cond3A = arith.constant 0 : i32
      %cond3A_71 = arith.cmpi ne, %convert_element_type3A, %cond3A : i32
      scf.if %cond3A_71 {
        %add3A_126 = arith.constant 1 : i32
        %add3A_127 = arith.addi %add3A_57, %add3A_126 : i32
        %mul3A_128 = arith.constant 80 : i32
        %mul3A_129 = arith.muli %add3A_127, %mul3A_128 : i32
        %dma_start3A_130 = tpu.memref_slice %arg6[%mul3A_129] : memref<10000xi32, #tpu.memory_space<vmem>> -> memref<80xi32, #tpu.memory_space<vmem>>
        %dma_start3A_131 = arith.constant 0 : i32
        %dma_start3A_132 = arith.constant 0 : i32
        %dma_start3A_133 = tpu.memref_slice %arg2[%dma_start3A_131, %dma_start3A_132] : memref<10000x128xbf16, #tpu.memory_space<hbm>> -> memref<10000x128xbf16, #tpu.memory_space<hbm>>
        tpu.enqueue_indirect_dma source(%dma_start3A_133 : memref<10000x128xbf16, #tpu.memory_space<hbm>>) target(%arg8 : memref<80x128xbf16, #tpu.memory_space<vmem>>) offsets(%dma_start3A_130 : memref<80xi32, #tpu.memory_space<vmem>>) semaphore(%arg15 : memref<!tpu.dma_semaphore, #tpu.memory_space<semaphore_mem>>)
        %mul3A_134 = arith.constant 80 : i32
        %mul3A_135 = arith.muli %add3A_127, %mul3A_134 : i32
        %dma_start3A_136 = tpu.memref_slice %arg7[%mul3A_135] : memref<10000xi32, #tpu.memory_space<vmem>> -> memref<80xi32, #tpu.memory_space<vmem>>
        %dma_start3A_137 = arith.constant 0 : i32
        %dma_start3A_138 = arith.constant 0 : i32
        %dma_start3A_139 = tpu.memref_slice %arg2[%dma_start3A_137, %dma_start3A_138] : memref<10000x128xbf16, #tpu.memory_space<hbm>> -> memref<10000x128xbf16, #tpu.memory_space<hbm>>
        tpu.enqueue_indirect_dma source(%dma_start3A_139 : memref<10000x128xbf16, #tpu.memory_space<hbm>>) target(%arg10 : memref<80x128xbf16, #tpu.memory_space<vmem>>) offsets(%dma_start3A_136 : memref<80xi32, #tpu.memory_space<vmem>>) semaphore(%arg16 : memref<!tpu.dma_semaphore, #tpu.memory_space<semaphore_mem>>)
      } else {
      }
      %parallel_loop3A_72 = arith.constant 0 : i32
      %parallel_loop3A_73 = arith.constant 80 : i32
      %parallel_loop3A_74 = arith.constant 1 : i32
      scf.for %parallel_loop3A_126 = %parallel_loop3A_72 to %parallel_loop3A_73 step %parallel_loop3A_74  : i32 {
        %parallel_loop3A_127 = arith.constant 0.000000e+00 : f32
        %parallel_loop3A_128 = vector.broadcast %parallel_loop3A_127 : f32 to vector<16xf32>
        %parallel_loop3A_129 = arith.index_cast %parallel_loop3A_126 : i32 to index
        %parallel_loop3A_130 = arith.constant 0 : index
        %parallel_loop3A_131 = tpu.vector_load %arg9[%parallel_loop3A_129, %parallel_loop3A_130] {strides = array<i32>} : memref<80x128xbf16, #tpu.memory_space<vmem>>, vector<32xbf16>,
        %parallel_loop3A_132 = arith.index_cast %parallel_loop3A_126 : i32 to index
        %parallel_loop3A_133 = arith.constant 0 : index
        %parallel_loop3A_134 = tpu.vector_load %arg11[%parallel_loop3A_132, %parallel_loop3A_133] {strides = array<i32>} : memref<80x128xbf16, #tpu.memory_space<vmem>>, vector<32xbf16>,
        %parallel_loop3A_135 = arith.mulf %parallel_loop3A_131, %parallel_loop3A_134 : vector<32xbf16>
        %parallel_loop3A_136 = tpu.unpack_subelements %parallel_loop3A_135, 0 {pack_format = #tpu.pack_format<interleaved>} : vector<32xbf16> -> vector<16xf32>
        %parallel_loop3A_137 = tpu.unpack_subelements %parallel_loop3A_135, 1 {pack_format = #tpu.pack_format<interleaved>} : vector<32xbf16> -> vector<16xf32>
        %parallel_loop3A_138 = arith.addf %parallel_loop3A_128, %parallel_loop3A_136 : vector<16xf32>
        %parallel_loop3A_139 = arith.addf %parallel_loop3A_138, %parallel_loop3A_137 : vector<16xf32>
        %parallel_loop3A_140 = arith.index_cast %parallel_loop3A_126 : i32 to index
        %parallel_loop3A_141 = arith.constant 32 : index
        %parallel_loop3A_142 = tpu.vector_load %arg9[%parallel_loop3A_140, %parallel_loop3A_141] {strides = array<i32>} : memref<80x128xbf16, #tpu.memory_space<vmem>>, vector<32xbf16>,
        %parallel_loop3A_143 = arith.index_cast %parallel_loop3A_126 : i32 to index
        %parallel_loop3A_144 = arith.constant 32 : index
        %parallel_loop3A_145 = tpu.vector_load %arg11[%parallel_loop3A_143, %parallel_loop3A_144] {strides = array<i32>} : memref<80x128xbf16, #tpu.memory_space<vmem>>, vector<32xbf16>,
        %parallel_loop3A_146 = arith.mulf %parallel_loop3A_142, %parallel_loop3A_145 : vector<32xbf16>
        %parallel_loop3A_147 = tpu.unpack_subelements %parallel_loop3A_146, 0 {pack_format = #tpu.pack_format<interleaved>} : vector<32xbf16> -> vector<16xf32>
        %parallel_loop3A_148 = tpu.unpack_subelements %parallel_loop3A_146, 1 {pack_format = #tpu.pack_format<interleaved>} : vector<32xbf16> -> vector<16xf32>
        %parallel_loop3A_149 = arith.addf %parallel_loop3A_139, %parallel_loop3A_147 : vector<16xf32>
        %parallel_loop3A_150 = arith.addf %parallel_loop3A_149, %parallel_loop3A_148 : vector<16xf32>
        %parallel_loop3A_151 = arith.index_cast %parallel_loop3A_126 : i32 to index
        %parallel_loop3A_152 = arith.constant 64 : index
        %parallel_loop3A_153 = tpu.vector_load %arg9[%parallel_loop3A_151, %parallel_loop3A_152] {strides = array<i32>} : memref<80x128xbf16, #tpu.memory_space<vmem>>, vector<32xbf16>,
        %parallel_loop3A_154 = arith.index_cast %parallel_loop3A_126 : i32 to index
        %parallel_loop3A_155 = arith.constant 64 : index
        %parallel_loop3A_156 = tpu.vector_load %arg11[%parallel_loop3A_154, %parallel_loop3A_155] {strides = array<i32>} : memref<80x128xbf16, #tpu.memory_space<vmem>>, vector<32xbf16>,
        %parallel_loop3A_157 = arith.mulf %parallel_loop3A_153, %parallel_loop3A_156 : vector<32xbf16>
        %parallel_loop3A_158 = tpu.unpack_subelements %parallel_loop3A_157, 0 {pack_format = #tpu.pack_format<interleaved>} : vector<32xbf16> -> vector<16xf32>
        %parallel_loop3A_159 = tpu.unpack_subelements %parallel_loop3A_157, 1 {pack_format = #tpu.pack_format<interleaved>} : vector<32xbf16> -> vector<16xf32>
        %parallel_loop3A_160 = arith.addf %parallel_loop3A_150, %parallel_loop3A_158 : vector<16xf32>
        %parallel_loop3A_161 = arith.addf %parallel_loop3A_160, %parallel_loop3A_159 : vector<16xf32>
        %parallel_loop3A_162 = arith.index_cast %parallel_loop3A_126 : i32 to index
        %parallel_loop3A_163 = arith.constant 96 : index
        %parallel_loop3A_164 = tpu.vector_load %arg9[%parallel_loop3A_162, %parallel_loop3A_163] {strides = array<i32>} : memref<80x128xbf16, #tpu.memory_space<vmem>>, vector<32xbf16>,
        %parallel_loop3A_165 = arith.index_cast %parallel_loop3A_126 : i32 to index
        %parallel_loop3A_166 = arith.constant 96 : index
        %parallel_loop3A_167 = tpu.vector_load %arg11[%parallel_loop3A_165, %parallel_loop3A_166] {strides = array<i32>} : memref<80x128xbf16, #tpu.memory_space<vmem>>, vector<32xbf16>,
        %parallel_loop3A_168 = arith.mulf %parallel_loop3A_164, %parallel_loop3A_167 : vector<32xbf16>
        %parallel_loop3A_169 = tpu.unpack_subelements %parallel_loop3A_168, 0 {pack_format = #tpu.pack_format<interleaved>} : vector<32xbf16> -> vector<16xf32>
        %parallel_loop3A_170 = tpu.unpack_subelements %parallel_loop3A_168, 1 {pack_format = #tpu.pack_format<interleaved>} : vector<32xbf16> -> vector<16xf32>
        %parallel_loop3A_171 = arith.addf %parallel_loop3A_161, %parallel_loop3A_169 : vector<16xf32>
        %parallel_loop3A_172 = arith.addf %parallel_loop3A_171, %parallel_loop3A_170 : vector<16xf32>
        %parallel_loop3A_173 = arith.index_cast %parallel_loop3A_126 : i32 to index
        %parallel_loop3A_174 = arith.constant 0 : index
        %parallel_loop3A_175 = tpu.vector_load %arg12[%parallel_loop3A_173, %parallel_loop3A_174] {strides = array<i32>} : memref<80x16xf32, #tpu.memory_space<vmem>>, vector<16xf32>,
        tpu.vector_store %arg12[%parallel_loop3A_173, %parallel_loop3A_174], %parallel_loop3A_172 {strides = array<i32>} : memref<80x16xf32, #tpu.memory_space<vmem>>, vector<16xf32>,
      } {sc.loop_unroll_factor = 4 : i64, sc.parallel_access}
      %parallel_loop3A_75 = arith.constant 0 : i32
      %parallel_loop3A_76 = arith.constant 5 : i32
      %parallel_loop3A_77 = arith.constant 1 : i32
      scf.for %parallel_loop3A_126 = %parallel_loop3A_75 to %parallel_loop3A_76 step %parallel_loop3A_77  : i32 {
        %parallel_loop3A_127 = arith.constant 0.000000e+00 : f32
        %parallel_loop3A_128 = vector.broadcast %parallel_loop3A_127 : f32 to vector<16xf32>
        %parallel_loop3A_129 = arith.constant 16 : i32
        %parallel_loop3A_130 = arith.muli %parallel_loop3A_126, %parallel_loop3A_129 : i32
        %parallel_loop3A_131 = vector.broadcast %parallel_loop3A_130 : i32 to vector<16xi32>
        %parallel_loop3A_132 = arith.addi %iota3A, %parallel_loop3A_131 : vector<16xi32>
        %parallel_loop3A_133 = arith.constant 0 : i32
        %parallel_loop3A_134 = vector.broadcast %parallel_loop3A_133 : i32 to vector<16xi32>
        %parallel_loop3A_135 = tpu.vector_load_idx %arg12[%parallel_loop3A_132, %parallel_loop3A_134] : memref<80x16xf32, #tpu.memory_space<vmem>>[vector<16xi32>, vector<16xi32>], vector<16xf32>,
        %parallel_loop3A_136 = arith.addf %parallel_loop3A_128, %parallel_loop3A_135 : vector<16xf32>
        %parallel_loop3A_137 = arith.constant 1 : i32
        %parallel_loop3A_138 = vector.broadcast %parallel_loop3A_137 : i32 to vector<16xi32>
        %parallel_loop3A_139 = tpu.vector_load_idx %arg12[%parallel_loop3A_132, %parallel_loop3A_138] : memref<80x16xf32, #tpu.memory_space<vmem>>[vector<16xi32>, vector<16xi32>], vector<16xf32>,
        %parallel_loop3A_140 = arith.addf %parallel_loop3A_136, %parallel_loop3A_139 : vector<16xf32>
        %parallel_loop3A_141 = arith.constant 2 : i32
        %parallel_loop3A_142 = vector.broadcast %parallel_loop3A_141 : i32 to vector<16xi32>
        %parallel_loop3A_143 = tpu.vector_load_idx %arg12[%parallel_loop3A_132, %parallel_loop3A_142] : memref<80x16xf32, #tpu.memory_space<vmem>>[vector<16xi32>, vector<16xi32>], vector<16xf32>,
        %parallel_loop3A_144 = arith.addf %parallel_loop3A_140, %parallel_loop3A_143 : vector<16xf32>
        %parallel_loop3A_145 = arith.constant 3 : i32
        %parallel_loop3A_146 = vector.broadcast %parallel_loop3A_145 : i32 to vector<16xi32>
        %parallel_loop3A_147 = tpu.vector_load_idx %arg12[%parallel_loop3A_132, %parallel_loop3A_146] : memref<80x16xf32, #tpu.memory_space<vmem>>[vector<16xi32>, vector<16xi32>], vector<16xf32>,
        %parallel_loop3A_148 = arith.addf %parallel_loop3A_144, %parallel_loop3A_147 : vector<16xf32>
        %parallel_loop3A_149 = arith.constant 4 : i32
        %parallel_loop3A_150 = vector.broadcast %parallel_loop3A_149 : i32 to vector<16xi32>
        %parallel_loop3A_151 = tpu.vector_load_idx %arg12[%parallel_loop3A_132, %parallel_loop3A_150] : memref<80x16xf32, #tpu.memory_space<vmem>>[vector<16xi32>, vector<16xi32>], vector<16xf32>,
        %parallel_loop3A_152 = arith.addf %parallel_loop3A_148, %parallel_loop3A_151 : vector<16xf32>
        %parallel_loop3A_153 = arith.constant 5 : i32
        %parallel_loop3A_154 = vector.broadcast %parallel_loop3A_153 : i32 to vector<16xi32>
        %parallel_loop3A_155 = tpu.vector_load_idx %arg12[%parallel_loop3A_132, %parallel_loop3A_154] : memref<80x16xf32, #tpu.memory_space<vmem>>[vector<16xi32>, vector<16xi32>], vector<16xf32>,
        %parallel_loop3A_156 = arith.addf %parallel_loop3A_152, %parallel_loop3A_155 : vector<16xf32>
        %parallel_loop3A_157 = arith.constant 6 : i32
        %parallel_loop3A_158 = vector.broadcast %parallel_loop3A_157 : i32 to vector<16xi32>
        %parallel_loop3A_159 = tpu.vector_load_idx %arg12[%parallel_loop3A_132, %parallel_loop3A_158] : memref<80x16xf32, #tpu.memory_space<vmem>>[vector<16xi32>, vector<16xi32>], vector<16xf32>,
        %parallel_loop3A_160 = arith.addf %parallel_loop3A_156, %parallel_loop3A_159 : vector<16xf32>
        %parallel_loop3A_161 = arith.constant 7 : i32
        %parallel_loop3A_162 = vector.broadcast %parallel_loop3A_161 : i32 to vector<16xi32>
        %parallel_loop3A_163 = tpu.vector_load_idx %arg12[%parallel_loop3A_132, %parallel_loop3A_162] : memref<80x16xf32, #tpu.memory_space<vmem>>[vector<16xi32>, vector<16xi32>], vector<16xf32>,
        %parallel_loop3A_164 = arith.addf %parallel_loop3A_160, %parallel_loop3A_163 : vector<16xf32>
        %parallel_loop3A_165 = arith.constant 8 : i32
        %parallel_loop3A_166 = vector.broadcast %parallel_loop3A_165 : i32 to vector<16xi32>
        %parallel_loop3A_167 = tpu.vector_load_idx %arg12[%parallel_loop3A_132, %parallel_loop3A_166] : memref<80x16xf32, #tpu.memory_space<vmem>>[vector<16xi32>, vector<16xi32>], vector<16xf32>,
        %parallel_loop3A_168 = arith.addf %parallel_loop3A_164, %parallel_loop3A_167 : vector<16xf32>
        %parallel_loop3A_169 = arith.constant 9 : i32
        %parallel_loop3A_170 = vector.broadcast %parallel_loop3A_169 : i32 to vector<16xi32>
        %parallel_loop3A_171 = tpu.vector_load_idx %arg12[%parallel_loop3A_132, %parallel_loop3A_170] : memref<80x16xf32, #tpu.memory_space<vmem>>[vector<16xi32>, vector<16xi32>], vector<16xf32>,
        %parallel_loop3A_172 = arith.addf %parallel_loop3A_168, %parallel_loop3A_171 : vector<16xf32>
        %parallel_loop3A_173 = arith.constant 10 : i32
        %parallel_loop3A_174 = vector.broadcast %parallel_loop3A_173 : i32 to vector<16xi32>
        %parallel_loop3A_175 = tpu.vector_load_idx %arg12[%parallel_loop3A_132, %parallel_loop3A_174] : memref<80x16xf32, #tpu.memory_space<vmem>>[vector<16xi32>, vector<16xi32>], vector<16xf32>,
        %parallel_loop3A_176 = arith.addf %parallel_loop3A_172, %parallel_loop3A_175 : vector<16xf32>
        %parallel_loop3A_177 = arith.constant 11 : i32
        %parallel_loop3A_178 = vector.broadcast %parallel_loop3A_177 : i32 to vector<16xi32>
        %parallel_loop3A_179 = tpu.vector_load_idx %arg12[%parallel_loop3A_132, %parallel_loop3A_178] : memref<80x16xf32, #tpu.memory_space<vmem>>[vector<16xi32>, vector<16xi32>], vector<16xf32>,
        %parallel_loop3A_180 = arith.addf %parallel_loop3A_176, %parallel_loop3A_179 : vector<16xf32>
        %parallel_loop3A_181 = arith.constant 12 : i32
        %parallel_loop3A_182 = vector.broadcast %parallel_loop3A_181 : i32 to vector<16xi32>
        %parallel_loop3A_183 = tpu.vector_load_idx %arg12[%parallel_loop3A_132, %parallel_loop3A_182] : memref<80x16xf32, #tpu.memory_space<vmem>>[vector<16xi32>, vector<16xi32>], vector<16xf32>,
        %parallel_loop3A_184 = arith.addf %parallel_loop3A_180, %parallel_loop3A_183 : vector<16xf32>
        %parallel_loop3A_185 = arith.constant 13 : i32
        %parallel_loop3A_186 = vector.broadcast %parallel_loop3A_185 : i32 to vector<16xi32>
        %parallel_loop3A_187 = tpu.vector_load_idx %arg12[%parallel_loop3A_132, %parallel_loop3A_186] : memref<80x16xf32, #tpu.memory_space<vmem>>[vector<16xi32>, vector<16xi32>], vector<16xf32>,
        %parallel_loop3A_188 = arith.addf %parallel_loop3A_184, %parallel_loop3A_187 : vector<16xf32>
        %parallel_loop3A_189 = arith.constant 14 : i32
        %parallel_loop3A_190 = vector.broadcast %parallel_loop3A_189 : i32 to vector<16xi32>
        %parallel_loop3A_191 = tpu.vector_load_idx %arg12[%parallel_loop3A_132, %parallel_loop3A_190] : memref<80x16xf32, #tpu.memory_space<vmem>>[vector<16xi32>, vector<16xi32>], vector<16xf32>,
        %parallel_loop3A_192 = arith.addf %parallel_loop3A_188, %parallel_loop3A_191 : vector<16xf32>
        %parallel_loop3A_193 = arith.constant 15 : i32
        %parallel_loop3A_194 = vector.broadcast %parallel_loop3A_193 : i32 to vector<16xi32>
        %parallel_loop3A_195 = tpu.vector_load_idx %arg12[%parallel_loop3A_132, %parallel_loop3A_194] : memref<80x16xf32, #tpu.memory_space<vmem>>[vector<16xi32>, vector<16xi32>], vector<16xf32>,
        %parallel_loop3A_196 = arith.addf %parallel_loop3A_192, %parallel_loop3A_195 : vector<16xf32>
        %parallel_loop3A_197 = arith.constant 16 : i32
        %parallel_loop3A_198 = arith.muli %parallel_loop3A_126, %parallel_loop3A_197 : i32
        %parallel_loop3A_199 = arith.index_cast %parallel_loop3A_198 : i32 to index
        %parallel_loop3A_200 = tpu.vector_load %arg14[%parallel_loop3A_199] {strides = array<i32>} : memref<80xf32, #tpu.memory_space<vmem>>, vector<16xf32>,
        tpu.vector_store %arg14[%parallel_loop3A_199], %parallel_loop3A_196 {strides = array<i32>} : memref<80xf32, #tpu.memory_space<vmem>>, vector<16xf32>,
      } {sc.loop_unroll_factor = 5 : i64, sc.parallel_access}
      %ge3A = arith.constant 1 : i32
      %ge3A_78 = arith.cmpi sge, %add3A_57, %ge3A : i32
      %convert_element_type3A_79 = arith.extui %ge3A_78 : i1 to i32
      %cond3A_80 = arith.constant 0 : i32
      %cond3A_81 = arith.cmpi ne, %convert_element_type3A_79, %cond3A_80 : i32
      scf.if %cond3A_81 {
        %sub3A = arith.constant 1 : i32
        %sub3A_126 = arith.subi %add3A_57, %sub3A : i32
        %dma_wait3A_127 = arith.constant 0 : i32
        %dma_wait3A_128 = tpu.memref_slice %arg5[%add3A, %sub3A_126, %dma_wait3A_127] : memref<32x125x80xf32, #tpu.memory_space<hbm>> -> memref<1x1x80xf32, #tpu.memory_space<hbm>>
        %dma_wait3A_129 = tpu.memref_squeeze %dma_wait3A_128 : memref<1x1x80xf32, #tpu.memory_space<hbm>> -> memref<80xf32, #tpu.memory_space<hbm>>
        %dma_wait3A_130 = arith.constant 0 : i32
        %dma_wait3A_131 = tpu.memref_slice %arg5[%add3A, %sub3A_126, %dma_wait3A_130] : memref<32x125x80xf32, #tpu.memory_space<hbm>> -> memref<1x1x80xf32, #tpu.memory_space<hbm>>
        %dma_wait3A_132 = tpu.memref_squeeze %dma_wait3A_131 : memref<1x1x80xf32, #tpu.memory_space<hbm>> -> memref<80xf32, #tpu.memory_space<hbm>>
        tpu.wait_dma2 semaphore(%arg17 : memref<!tpu.dma_semaphore, #tpu.memory_space<semaphore_mem>>) src(%arg13 : memref<80xf32, #tpu.memory_space<vmem>>) dst(%dma_wait3A_132 : memref<80xf32, #tpu.memory_space<hbm>>)
      } else {
      }
      %dma_start3A_82 = arith.constant 0 : i32
      %dma_start3A_83 = tpu.memref_slice %arg5[%add3A, %add3A_57, %dma_start3A_82] : memref<32x125x80xf32, #tpu.memory_space<hbm>> -> memref<1x1x80xf32, #tpu.memory_space<hbm>>
      %dma_start3A_84 = tpu.memref_squeeze %dma_start3A_83 : memref<1x1x80xf32, #tpu.memory_space<hbm>> -> memref<80xf32, #tpu.memory_space<hbm>>
      %dma_start3A_85 = arith.constant 0 : i32
      %dma_start3A_86 = tpu.memref_slice %arg5[%add3A, %add3A_57, %dma_start3A_85] : memref<32x125x80xf32, #tpu.memory_space<hbm>> -> memref<1x1x80xf32, #tpu.memory_space<hbm>>
      %dma_start3A_87 = tpu.memref_squeeze %dma_start3A_86 : memref<1x1x80xf32, #tpu.memory_space<hbm>> -> memref<80xf32, #tpu.memory_space<hbm>>
      tpu.enqueue_dma source(%arg14 : memref<80xf32, #tpu.memory_space<vmem>>) target(%dma_start3A_87 : memref<80xf32, #tpu.memory_space<hbm>>) target_semaphore(%arg17 : memref<!tpu.dma_semaphore, #tpu.memory_space<semaphore_mem>>)
      %mul3A_88 = arith.constant 2 : i32
      %mul3A_89 = arith.muli %mul3A_88, %scan3A_53 : i32
      %add3A_90 = arith.constant 2 : i32
      %add3A_91 = arith.addi %mul3A_89, %add3A_90 : i32
      %mul3A_92 = arith.constant 80 : i32
      %mul3A_93 = arith.muli %add3A_91, %mul3A_92 : i32
      %dma_wait3A_94 = tpu.memref_slice %arg6[%mul3A_93] : memref<10000xi32, #tpu.memory_space<vmem>> -> memref<80xi32, #tpu.memory_space<vmem>>
      %dma_wait3A_95 = arith.constant 0 : i32
      %dma_wait3A_96 = arith.constant 0 : i32
      %dma_wait3A_97 = tpu.memref_slice %arg2[%dma_wait3A_95, %dma_wait3A_96] : memref<10000x128xbf16, #tpu.memory_space<hbm>> -> memref<10000x128xbf16, #tpu.memory_space<hbm>>
      tpu.wait_indirect_dma semaphore(%arg15 : memref<!tpu.dma_semaphore, #tpu.memory_space<semaphore_mem>>) src(%dma_wait3A_97 : memref<10000x128xbf16, #tpu.memory_space<hbm>>) dst(%arg8 : memref<80x128xbf16, #tpu.memory_space<vmem>>)
      %mul3A_98 = arith.constant 80 : i32
      %mul3A_99 = arith.muli %add3A_91, %mul3A_98 : i32
      %dma_wait3A_100 = tpu.memref_slice %arg7[%mul3A_99] : memref<10000xi32, #tpu.memory_space<vmem>> -> memref<80xi32, #tpu.memory_space<vmem>>
      %dma_wait3A_101 = arith.constant 0 : i32
      %dma_wait3A_102 = arith.constant 0 : i32
      %dma_wait3A_103 = tpu.memref_slice %arg2[%dma_wait3A_101, %dma_wait3A_102] : memref<10000x128xbf16, #tpu.memory_space<hbm>> -> memref<10000x128xbf16, #tpu.memory_space<hbm>>
      tpu.wait_indirect_dma semaphore(%arg16 : memref<!tpu.dma_semaphore, #tpu.memory_space<semaphore_mem>>) src(%dma_wait3A_103 : memref<10000x128xbf16, #tpu.memory_space<hbm>>) dst(%arg10 : memref<80x128xbf16, #tpu.memory_space<vmem>>)
      %le3A_104 = arith.constant 123 : i32
      %le3A_105 = arith.cmpi sle, %add3A_91, %le3A_104 : i32
      %convert_element_type3A_106 = arith.extui %le3A_105 : i1 to i32
      %cond3A_107 = arith.constant 0 : i32
      %cond3A_108 = arith.cmpi ne, %convert_element_type3A_106, %cond3A_107 : i32
      scf.if %cond3A_108 {
        %add3A_126 = arith.constant 1 : i32
        %add3A_127 = arith.addi %add3A_91, %add3A_126 : i32
        %mul3A_128 = arith.constant 80 : i32
        %mul3A_129 = arith.muli %add3A_127, %mul3A_128 : i32
        %dma_start3A_130 = tpu.memref_slice %arg6[%mul3A_129] : memref<10000xi32, #tpu.memory_space<vmem>> -> memref<80xi32, #tpu.memory_space<vmem>>
        %dma_start3A_131 = arith.constant 0 : i32
        %dma_start3A_132 = arith.constant 0 : i32
        %dma_start3A_133 = tpu.memref_slice %arg2[%dma_start3A_131, %dma_start3A_132] : memref<10000x128xbf16, #tpu.memory_space<hbm>> -> memref<10000x128xbf16, #tpu.memory_space<hbm>>
        tpu.enqueue_indirect_dma source(%dma_start3A_133 : memref<10000x128xbf16, #tpu.memory_space<hbm>>) target(%arg9 : memref<80x128xbf16, #tpu.memory_space<vmem>>) offsets(%dma_start3A_130 : memref<80xi32, #tpu.memory_space<vmem>>) semaphore(%arg15 : memref<!tpu.dma_semaphore, #tpu.memory_space<semaphore_mem>>)
        %mul3A_134 = arith.constant 80 : i32
        %mul3A_135 = arith.muli %add3A_127, %mul3A_134 : i32
        %dma_start3A_136 = tpu.memref_slice %arg7[%mul3A_135] : memref<10000xi32, #tpu.memory_space<vmem>> -> memref<80xi32, #tpu.memory_space<vmem>>
        %dma_start3A_137 = arith.constant 0 : i32
        %dma_start3A_138 = arith.constant 0 : i32
        %dma_start3A_139 = tpu.memref_slice %arg2[%dma_start3A_137, %dma_start3A_138] : memref<10000x128xbf16, #tpu.memory_space<hbm>> -> memref<10000x128xbf16, #tpu.memory_space<hbm>>
        tpu.enqueue_indirect_dma source(%dma_start3A_139 : memref<10000x128xbf16, #tpu.memory_space<hbm>>) target(%arg11 : memref<80x128xbf16, #tpu.memory_space<vmem>>) offsets(%dma_start3A_136 : memref<80xi32, #tpu.memory_space<vmem>>) semaphore(%arg16 : memref<!tpu.dma_semaphore, #tpu.memory_space<semaphore_mem>>)
      } else {
      }
      %parallel_loop3A_109 = arith.constant 0 : i32
      %parallel_loop3A_110 = arith.constant 80 : i32
      %parallel_loop3A_111 = arith.constant 1 : i32
      scf.for %parallel_loop3A_126 = %parallel_loop3A_109 to %parallel_loop3A_110 step %parallel_loop3A_111  : i32 {
        %parallel_loop3A_127 = arith.constant 0.000000e+00 : f32
        %parallel_loop3A_128 = vector.broadcast %parallel_loop3A_127 : f32 to vector<16xf32>
        %parallel_loop3A_129 = arith.index_cast %parallel_loop3A_126 : i32 to index
        %parallel_loop3A_130 = arith.constant 0 : index
        %parallel_loop3A_131 = tpu.vector_load %arg8[%parallel_loop3A_129, %parallel_loop3A_130] {strides = array<i32>} : memref<80x128xbf16, #tpu.memory_space<vmem>>, vector<32xbf16>,
        %parallel_loop3A_132 = arith.index_cast %parallel_loop3A_126 : i32 to index
        %parallel_loop3A_133 = arith.constant 0 : index
        %parallel_loop3A_134 = tpu.vector_load %arg10[%parallel_loop3A_132, %parallel_loop3A_133] {strides = array<i32>} : memref<80x128xbf16, #tpu.memory_space<vmem>>, vector<32xbf16>,
        %parallel_loop3A_135 = arith.mulf %parallel_loop3A_131, %parallel_loop3A_134 : vector<32xbf16>
        %parallel_loop3A_136 = tpu.unpack_subelements %parallel_loop3A_135, 0 {pack_format = #tpu.pack_format<interleaved>} : vector<32xbf16> -> vector<16xf32>
        %parallel_loop3A_137 = tpu.unpack_subelements %parallel_loop3A_135, 1 {pack_format = #tpu.pack_format<interleaved>} : vector<32xbf16> -> vector<16xf32>
        %parallel_loop3A_138 = arith.addf %parallel_loop3A_128, %parallel_loop3A_136 : vector<16xf32>
        %parallel_loop3A_139 = arith.addf %parallel_loop3A_138, %parallel_loop3A_137 : vector<16xf32>
        %parallel_loop3A_140 = arith.index_cast %parallel_loop3A_126 : i32 to index
        %parallel_loop3A_141 = arith.constant 32 : index
        %parallel_loop3A_142 = tpu.vector_load %arg8[%parallel_loop3A_140, %parallel_loop3A_141] {strides = array<i32>} : memref<80x128xbf16, #tpu.memory_space<vmem>>, vector<32xbf16>,
        %parallel_loop3A_143 = arith.index_cast %parallel_loop3A_126 : i32 to index
        %parallel_loop3A_144 = arith.constant 32 : index
        %parallel_loop3A_145 = tpu.vector_load %arg10[%parallel_loop3A_143, %parallel_loop3A_144] {strides = array<i32>} : memref<80x128xbf16, #tpu.memory_space<vmem>>, vector<32xbf16>,
        %parallel_loop3A_146 = arith.mulf %parallel_loop3A_142, %parallel_loop3A_145 : vector<32xbf16>
        %parallel_loop3A_147 = tpu.unpack_subelements %parallel_loop3A_146, 0 {pack_format = #tpu.pack_format<interleaved>} : vector<32xbf16> -> vector<16xf32>
        %parallel_loop3A_148 = tpu.unpack_subelements %parallel_loop3A_146, 1 {pack_format = #tpu.pack_format<interleaved>} : vector<32xbf16> -> vector<16xf32>
        %parallel_loop3A_149 = arith.addf %parallel_loop3A_139, %parallel_loop3A_147 : vector<16xf32>
        %parallel_loop3A_150 = arith.addf %parallel_loop3A_149, %parallel_loop3A_148 : vector<16xf32>
        %parallel_loop3A_151 = arith.index_cast %parallel_loop3A_126 : i32 to index
        %parallel_loop3A_152 = arith.constant 64 : index
        %parallel_loop3A_153 = tpu.vector_load %arg8[%parallel_loop3A_151, %parallel_loop3A_152] {strides = array<i32>} : memref<80x128xbf16, #tpu.memory_space<vmem>>, vector<32xbf16>,
        %parallel_loop3A_154 = arith.index_cast %parallel_loop3A_126 : i32 to index
        %parallel_loop3A_155 = arith.constant 64 : index
        %parallel_loop3A_156 = tpu.vector_load %arg10[%parallel_loop3A_154, %parallel_loop3A_155] {strides = array<i32>} : memref<80x128xbf16, #tpu.memory_space<vmem>>, vector<32xbf16>,
        %parallel_loop3A_157 = arith.mulf %parallel_loop3A_153, %parallel_loop3A_156 : vector<32xbf16>
        %parallel_loop3A_158 = tpu.unpack_subelements %parallel_loop3A_157, 0 {pack_format = #tpu.pack_format<interleaved>} : vector<32xbf16> -> vector<16xf32>
        %parallel_loop3A_159 = tpu.unpack_subelements %parallel_loop3A_157, 1 {pack_format = #tpu.pack_format<interleaved>} : vector<32xbf16> -> vector<16xf32>
        %parallel_loop3A_160 = arith.addf %parallel_loop3A_150, %parallel_loop3A_158 : vector<16xf32>
        %parallel_loop3A_161 = arith.addf %parallel_loop3A_160, %parallel_loop3A_159 : vector<16xf32>
        %parallel_loop3A_162 = arith.index_cast %parallel_loop3A_126 : i32 to index
        %parallel_loop3A_163 = arith.constant 96 : index
        %parallel_loop3A_164 = tpu.vector_load %arg8[%parallel_loop3A_162, %parallel_loop3A_163] {strides = array<i32>} : memref<80x128xbf16, #tpu.memory_space<vmem>>, vector<32xbf16>,
        %parallel_loop3A_165 = arith.index_cast %parallel_loop3A_126 : i32 to index
        %parallel_loop3A_166 = arith.constant 96 : index
        %parallel_loop3A_167 = tpu.vector_load %arg10[%parallel_loop3A_165, %parallel_loop3A_166] {strides = array<i32>} : memref<80x128xbf16, #tpu.memory_space<vmem>>, vector<32xbf16>,
        %parallel_loop3A_168 = arith.mulf %parallel_loop3A_164, %parallel_loop3A_167 : vector<32xbf16>
        %parallel_loop3A_169 = tpu.unpack_subelements %parallel_loop3A_168, 0 {pack_format = #tpu.pack_format<interleaved>} : vector<32xbf16> -> vector<16xf32>
        %parallel_loop3A_170 = tpu.unpack_subelements %parallel_loop3A_168, 1 {pack_format = #tpu.pack_format<interleaved>} : vector<32xbf16> -> vector<16xf32>
        %parallel_loop3A_171 = arith.addf %parallel_loop3A_161, %parallel_loop3A_169 : vector<16xf32>
        %parallel_loop3A_172 = arith.addf %parallel_loop3A_171, %parallel_loop3A_170 : vector<16xf32>
        %parallel_loop3A_173 = arith.index_cast %parallel_loop3A_126 : i32 to index
        %parallel_loop3A_174 = arith.constant 0 : index
        %parallel_loop3A_175 = tpu.vector_load %arg12[%parallel_loop3A_173, %parallel_loop3A_174] {strides = array<i32>} : memref<80x16xf32, #tpu.memory_space<vmem>>, vector<16xf32>,
        tpu.vector_store %arg12[%parallel_loop3A_173, %parallel_loop3A_174], %parallel_loop3A_172 {strides = array<i32>} : memref<80x16xf32, #tpu.memory_space<vmem>>, vector<16xf32>,
      } {sc.loop_unroll_factor = 4 : i64, sc.parallel_access}
      %parallel_loop3A_112 = arith.constant 0 : i32
      %parallel_loop3A_113 = arith.constant 5 : i32
      %parallel_loop3A_114 = arith.constant 1 : i32
      scf.for %parallel_loop3A_126 = %parallel_loop3A_112 to %parallel_loop3A_113 step %parallel_loop3A_114  : i32 {
        %parallel_loop3A_127 = arith.constant 0.000000e+00 : f32
        %parallel_loop3A_128 = vector.broadcast %parallel_loop3A_127 : f32 to vector<16xf32>
        %parallel_loop3A_129 = arith.constant 16 : i32
        %parallel_loop3A_130 = arith.muli %parallel_loop3A_126, %parallel_loop3A_129 : i32
        %parallel_loop3A_131 = vector.broadcast %parallel_loop3A_130 : i32 to vector<16xi32>
        %parallel_loop3A_132 = arith.addi %iota3A, %parallel_loop3A_131 : vector<16xi32>
        %parallel_loop3A_133 = arith.constant 0 : i32
        %parallel_loop3A_134 = vector.broadcast %parallel_loop3A_133 : i32 to vector<16xi32>
        %parallel_loop3A_135 = tpu.vector_load_idx %arg12[%parallel_loop3A_132, %parallel_loop3A_134] : memref<80x16xf32, #tpu.memory_space<vmem>>[vector<16xi32>, vector<16xi32>], vector<16xf32>,
        %parallel_loop3A_136 = arith.addf %parallel_loop3A_128, %parallel_loop3A_135 : vector<16xf32>
        %parallel_loop3A_137 = arith.constant 1 : i32
        %parallel_loop3A_138 = vector.broadcast %parallel_loop3A_137 : i32 to vector<16xi32>
        %parallel_loop3A_139 = tpu.vector_load_idx %arg12[%parallel_loop3A_132, %parallel_loop3A_138] : memref<80x16xf32, #tpu.memory_space<vmem>>[vector<16xi32>, vector<16xi32>], vector<16xf32>,
        %parallel_loop3A_140 = arith.addf %parallel_loop3A_136, %parallel_loop3A_139 : vector<16xf32>
        %parallel_loop3A_141 = arith.constant 2 : i32
        %parallel_loop3A_142 = vector.broadcast %parallel_loop3A_141 : i32 to vector<16xi32>
        %parallel_loop3A_143 = tpu.vector_load_idx %arg12[%parallel_loop3A_132, %parallel_loop3A_142] : memref<80x16xf32, #tpu.memory_space<vmem>>[vector<16xi32>, vector<16xi32>], vector<16xf32>,
        %parallel_loop3A_144 = arith.addf %parallel_loop3A_140, %parallel_loop3A_143 : vector<16xf32>
        %parallel_loop3A_145 = arith.constant 3 : i32
        %parallel_loop3A_146 = vector.broadcast %parallel_loop3A_145 : i32 to vector<16xi32>
        %parallel_loop3A_147 = tpu.vector_load_idx %arg12[%parallel_loop3A_132, %parallel_loop3A_146] : memref<80x16xf32, #tpu.memory_space<vmem>>[vector<16xi32>, vector<16xi32>], vector<16xf32>,
        %parallel_loop3A_148 = arith.addf %parallel_loop3A_144, %parallel_loop3A_147 : vector<16xf32>
        %parallel_loop3A_149 = arith.constant 4 : i32
        %parallel_loop3A_150 = vector.broadcast %parallel_loop3A_149 : i32 to vector<16xi32>
        %parallel_loop3A_151 = tpu.vector_load_idx %arg12[%parallel_loop3A_132, %parallel_loop3A_150] : memref<80x16xf32, #tpu.memory_space<vmem>>[vector<16xi32>, vector<16xi32>], vector<16xf32>,
        %parallel_loop3A_152 = arith.addf %parallel_loop3A_148, %parallel_loop3A_151 : vector<16xf32>
        %parallel_loop3A_153 = arith.constant 5 : i32
        %parallel_loop3A_154 = vector.broadcast %parallel_loop3A_153 : i32 to vector<16xi32>
        %parallel_loop3A_155 = tpu.vector_load_idx %arg12[%parallel_loop3A_132, %parallel_loop3A_154] : memref<80x16xf32, #tpu.memory_space<vmem>>[vector<16xi32>, vector<16xi32>], vector<16xf32>,
        %parallel_loop3A_156 = arith.addf %parallel_loop3A_152, %parallel_loop3A_155 : vector<16xf32>
        %parallel_loop3A_157 = arith.constant 6 : i32
        %parallel_loop3A_158 = vector.broadcast %parallel_loop3A_157 : i32 to vector<16xi32>
        %parallel_loop3A_159 = tpu.vector_load_idx %arg12[%parallel_loop3A_132, %parallel_loop3A_158] : memref<80x16xf32, #tpu.memory_space<vmem>>[vector<16xi32>, vector<16xi32>], vector<16xf32>,
        %parallel_loop3A_160 = arith.addf %parallel_loop3A_156, %parallel_loop3A_159 : vector<16xf32>
        %parallel_loop3A_161 = arith.constant 7 : i32
        %parallel_loop3A_162 = vector.broadcast %parallel_loop3A_161 : i32 to vector<16xi32>
        %parallel_loop3A_163 = tpu.vector_load_idx %arg12[%parallel_loop3A_132, %parallel_loop3A_162] : memref<80x16xf32, #tpu.memory_space<vmem>>[vector<16xi32>, vector<16xi32>], vector<16xf32>,
        %parallel_loop3A_164 = arith.addf %parallel_loop3A_160, %parallel_loop3A_163 : vector<16xf32>
        %parallel_loop3A_165 = arith.constant 8 : i32
        %parallel_loop3A_166 = vector.broadcast %parallel_loop3A_165 : i32 to vector<16xi32>
        %parallel_loop3A_167 = tpu.vector_load_idx %arg12[%parallel_loop3A_132, %parallel_loop3A_166] : memref<80x16xf32, #tpu.memory_space<vmem>>[vector<16xi32>, vector<16xi32>], vector<16xf32>,
        %parallel_loop3A_168 = arith.addf %parallel_loop3A_164, %parallel_loop3A_167 : vector<16xf32>
        %parallel_loop3A_169 = arith.constant 9 : i32
        %parallel_loop3A_170 = vector.broadcast %parallel_loop3A_169 : i32 to vector<16xi32>
        %parallel_loop3A_171 = tpu.vector_load_idx %arg12[%parallel_loop3A_132, %parallel_loop3A_170] : memref<80x16xf32, #tpu.memory_space<vmem>>[vector<16xi32>, vector<16xi32>], vector<16xf32>,
        %parallel_loop3A_172 = arith.addf %parallel_loop3A_168, %parallel_loop3A_171 : vector<16xf32>
        %parallel_loop3A_173 = arith.constant 10 : i32
        %parallel_loop3A_174 = vector.broadcast %parallel_loop3A_173 : i32 to vector<16xi32>
        %parallel_loop3A_175 = tpu.vector_load_idx %arg12[%parallel_loop3A_132, %parallel_loop3A_174] : memref<80x16xf32, #tpu.memory_space<vmem>>[vector<16xi32>, vector<16xi32>], vector<16xf32>,
        %parallel_loop3A_176 = arith.addf %parallel_loop3A_172, %parallel_loop3A_175 : vector<16xf32>
        %parallel_loop3A_177 = arith.constant 11 : i32
        %parallel_loop3A_178 = vector.broadcast %parallel_loop3A_177 : i32 to vector<16xi32>
        %parallel_loop3A_179 = tpu.vector_load_idx %arg12[%parallel_loop3A_132, %parallel_loop3A_178] : memref<80x16xf32, #tpu.memory_space<vmem>>[vector<16xi32>, vector<16xi32>], vector<16xf32>,
        %parallel_loop3A_180 = arith.addf %parallel_loop3A_176, %parallel_loop3A_179 : vector<16xf32>
        %parallel_loop3A_181 = arith.constant 12 : i32
        %parallel_loop3A_182 = vector.broadcast %parallel_loop3A_181 : i32 to vector<16xi32>
        %parallel_loop3A_183 = tpu.vector_load_idx %arg12[%parallel_loop3A_132, %parallel_loop3A_182] : memref<80x16xf32, #tpu.memory_space<vmem>>[vector<16xi32>, vector<16xi32>], vector<16xf32>,
        %parallel_loop3A_184 = arith.addf %parallel_loop3A_180, %parallel_loop3A_183 : vector<16xf32>
        %parallel_loop3A_185 = arith.constant 13 : i32
        %parallel_loop3A_186 = vector.broadcast %parallel_loop3A_185 : i32 to vector<16xi32>
        %parallel_loop3A_187 = tpu.vector_load_idx %arg12[%parallel_loop3A_132, %parallel_loop3A_186] : memref<80x16xf32, #tpu.memory_space<vmem>>[vector<16xi32>, vector<16xi32>], vector<16xf32>,
        %parallel_loop3A_188 = arith.addf %parallel_loop3A_184, %parallel_loop3A_187 : vector<16xf32>
        %parallel_loop3A_189 = arith.constant 14 : i32
        %parallel_loop3A_190 = vector.broadcast %parallel_loop3A_189 : i32 to vector<16xi32>
        %parallel_loop3A_191 = tpu.vector_load_idx %arg12[%parallel_loop3A_132, %parallel_loop3A_190] : memref<80x16xf32, #tpu.memory_space<vmem>>[vector<16xi32>, vector<16xi32>], vector<16xf32>,
        %parallel_loop3A_192 = arith.addf %parallel_loop3A_188, %parallel_loop3A_191 : vector<16xf32>
        %parallel_loop3A_193 = arith.constant 15 : i32
        %parallel_loop3A_194 = vector.broadcast %parallel_loop3A_193 : i32 to vector<16xi32>
        %parallel_loop3A_195 = tpu.vector_load_idx %arg12[%parallel_loop3A_132, %parallel_loop3A_194] : memref<80x16xf32, #tpu.memory_space<vmem>>[vector<16xi32>, vector<16xi32>], vector<16xf32>,
        %parallel_loop3A_196 = arith.addf %parallel_loop3A_192, %parallel_loop3A_195 : vector<16xf32>
        %parallel_loop3A_197 = arith.constant 16 : i32
        %parallel_loop3A_198 = arith.muli %parallel_loop3A_126, %parallel_loop3A_197 : i32
        %parallel_loop3A_199 = arith.index_cast %parallel_loop3A_198 : i32 to index
        %parallel_loop3A_200 = tpu.vector_load %arg13[%parallel_loop3A_199] {strides = array<i32>} : memref<80xf32, #tpu.memory_space<vmem>>, vector<16xf32>,
        tpu.vector_store %arg13[%parallel_loop3A_199], %parallel_loop3A_196 {strides = array<i32>} : memref<80xf32, #tpu.memory_space<vmem>>, vector<16xf32>,
      } {sc.loop_unroll_factor = 5 : i64, sc.parallel_access}
      %ge3A_115 = arith.constant 1 : i32
      %ge3A_116 = arith.cmpi sge, %add3A_91, %ge3A_115 : i32
      %convert_element_type3A_117 = arith.extui %ge3A_116 : i1 to i32
      %cond3A_118 = arith.constant 0 : i32
      %cond3A_119 = arith.cmpi ne, %convert_element_type3A_117, %cond3A_118 : i32
      scf.if %cond3A_119 {
        %sub3A = arith.constant 1 : i32
        %sub3A_126 = arith.subi %add3A_91, %sub3A : i32
        %dma_wait3A_127 = arith.constant 0 : i32
        %dma_wait3A_128 = tpu.memref_slice %arg5[%add3A, %sub3A_126, %dma_wait3A_127] : memref<32x125x80xf32, #tpu.memory_space<hbm>> -> memref<1x1x80xf32, #tpu.memory_space<hbm>>
        %dma_wait3A_129 = tpu.memref_squeeze %dma_wait3A_128 : memref<1x1x80xf32, #tpu.memory_space<hbm>> -> memref<80xf32, #tpu.memory_space<hbm>>
        %dma_wait3A_130 = arith.constant 0 : i32
        %dma_wait3A_131 = tpu.memref_slice %arg5[%add3A, %sub3A_126, %dma_wait3A_130] : memref<32x125x80xf32, #tpu.memory_space<hbm>> -> memref<1x1x80xf32, #tpu.memory_space<hbm>>
        %dma_wait3A_132 = tpu.memref_squeeze %dma_wait3A_131 : memref<1x1x80xf32, #tpu.memory_space<hbm>> -> memref<80xf32, #tpu.memory_space<hbm>>
        tpu.wait_dma2 semaphore(%arg17 : memref<!tpu.dma_semaphore, #tpu.memory_space<semaphore_mem>>) src(%arg14 : memref<80xf32, #tpu.memory_space<vmem>>) dst(%dma_wait3A_132 : memref<80xf32, #tpu.memory_space<hbm>>)
      } else {
      }
      %dma_start3A_120 = arith.constant 0 : i32
      %dma_start3A_121 = tpu.memref_slice %arg5[%add3A, %add3A_91, %dma_start3A_120] : memref<32x125x80xf32, #tpu.memory_space<hbm>> -> memref<1x1x80xf32, #tpu.memory_space<hbm>>
      %dma_start3A_122 = tpu.memref_squeeze %dma_start3A_121 : memref<1x1x80xf32, #tpu.memory_space<hbm>> -> memref<80xf32, #tpu.memory_space<hbm>>
      %dma_start3A_123 = arith.constant 0 : i32
      %dma_start3A_124 = tpu.memref_slice %arg5[%add3A, %add3A_91, %dma_start3A_123] : memref<32x125x80xf32, #tpu.memory_space<hbm>> -> memref<1x1x80xf32, #tpu.memory_space<hbm>>
      %dma_start3A_125 = tpu.memref_squeeze %dma_start3A_124 : memref<1x1x80xf32, #tpu.memory_space<hbm>> -> memref<80xf32, #tpu.memory_space<hbm>>
      tpu.enqueue_dma source(%arg13 : memref<80xf32, #tpu.memory_space<vmem>>) target(%dma_start3A_125 : memref<80xf32, #tpu.memory_space<hbm>>) target_semaphore(%arg17 : memref<!tpu.dma_semaphore, #tpu.memory_space<semaphore_mem>>)
    }
    %scan3A_45 = arith.constant 62 : i32
    %dma_wait3A_46 = arith.constant 124 : i32
    %dma_wait3A_47 = arith.constant 0 : i32
    %dma_wait3A_48 = tpu.memref_slice %arg5[%add3A, %dma_wait3A_46, %dma_wait3A_47] : memref<32x125x80xf32, #tpu.memory_space<hbm>> -> memref<1x1x80xf32, #tpu.memory_space<hbm>>
    %dma_wait3A_49 = tpu.memref_squeeze %dma_wait3A_48 : memref<1x1x80xf32, #tpu.memory_space<hbm>> -> memref<80xf32, #tpu.memory_space<hbm>>
    %dma_wait3A_50 = arith.constant 0 : i32
    %dma_wait3A_51 = tpu.memref_slice %arg5[%add3A, %dma_wait3A_46, %dma_wait3A_50] : memref<32x125x80xf32, #tpu.memory_space<hbm>> -> memref<1x1x80xf32, #tpu.memory_space<hbm>>
    %dma_wait3A_52 = tpu.memref_squeeze %dma_wait3A_51 : memref<1x1x80xf32, #tpu.memory_space<hbm>> -> memref<80xf32, #tpu.memory_space<hbm>>
    tpu.wait_dma2 semaphore(%arg17 : memref<!tpu.dma_semaphore, #tpu.memory_space<semaphore_mem>>) src(%arg13 : memref<80xf32, #tpu.memory_space<vmem>>) dst(%dma_wait3A_52 : memref<80xf32, #tpu.memory_space<hbm>>)
    return
  }
}

#map = affine_map<(d0, d1) -> (0, 0)>
#map1 = affine_map<(d0, d1) -> (0, 0, 0)>
module attributes {stable_mosaic.version = 14 : i64} {
  func.func @body(%arg0: i32, %arg1: i32, %arg2: memref<10000x128xf32, #tpu.memory_space<hbm>>, %arg3: memref<32x125x80xi32, #tpu.memory_space<hbm>>, %arg4: memref<32x125x80xi32, #tpu.memory_space<hbm>>, %arg5: memref<10000x128xf32, #tpu.memory_space<hbm>>, %arg6: memref<2x10000x128xf32, #tpu.memory_space<hbm>>, %arg7: memref<2x10000x16xf32, #tpu.memory_space<hbm>>, %arg8: memref<125x80xi32, #tpu.memory_space<vmem>>, %arg9: memref<80xi32, #tpu.memory_space<vmem>>, %arg10: memref<80xi32, #tpu.memory_space<vmem>>, %arg11: memref<80x128xf32, #tpu.memory_space<vmem>>, %arg12: memref<80x128xf32, #tpu.memory_space<vmem>>, %arg13: memref<80x16xf32, #tpu.memory_space<vmem>>, %arg14: memref<10000x128xf32, #tpu.memory_space<vmem_shared>>, %arg15: memref<10000x16xf32, #tpu.memory_space<vmem_shared>>, %arg16: memref<!tpu.dma_semaphore, #tpu.memory_space<semaphore_mem>>, %arg17: memref<!tpu.dma_semaphore, #tpu.memory_space<semaphore_mem>>, %arg18: memref<!tpu.dma_semaphore, #tpu.memory_space<semaphore_mem>>) attributes {dimension_semantics = [#tpu.dimension_semantics<core_parallel>, #tpu.dimension_semantics<subcore_parallel>], iteration_bounds = array<i64: 2, 16>, scalar_prefetch = 0 : i64, scratch_operands = 11 : i64, tpu.core_type = #tpu.core_type<sc_vector_subcore>, window_params = [{transform_indices = #map}, {transform_indices = #map1}, {transform_indices = #map1}, {transform_indices = #map}, {transform_indices = #map1}, {transform_indices = #map1}]} {
    %mul3A = arith.constant 2 : i32
    %mul3A_0 = arith.muli %arg1, %mul3A : i32
    %add3A = arith.addi %mul3A_0, %arg0 : i32
    %mul3A_1 = arith.constant 625 : i32
    %mul3A_2 = arith.muli %arg1, %mul3A_1 : i32
    %mul3A_3 = arith.constant 625 : i32
    %mul3A_4 = arith.muli %arg1, %mul3A_3 : i32
    "tpu.region"() ({
      %run_scoped3A = tpu.sem_alloc : memref<!tpu.dma_semaphore, #tpu.memory_space<semaphore_mem>>
      %dma_start3A_99 = arith.constant 0 : i32
      %dma_start3A_100 = tpu.memref_slice %arg14[%mul3A_4, %dma_start3A_99] : memref<10000x128xf32, #tpu.memory_space<vmem_shared>> -> memref<625x128xf32, #tpu.memory_space<vmem_shared>>
      %dma_start3A_101 = arith.constant 0 : i32
      %dma_start3A_102 = tpu.memref_slice %arg5[%mul3A_2, %dma_start3A_101] : memref<10000x128xf32, #tpu.memory_space<hbm>> -> memref<625x128xf32, #tpu.memory_space<hbm>>
      tpu.enqueue_dma source(%dma_start3A_102 : memref<625x128xf32, #tpu.memory_space<hbm>>) target(%dma_start3A_100 : memref<625x128xf32, #tpu.memory_space<vmem_shared>>) target_semaphore(%run_scoped3A : memref<!tpu.dma_semaphore, #tpu.memory_space<semaphore_mem>>)
      %dma_wait3A_103 = arith.constant 0 : i32
      %dma_wait3A_104 = tpu.memref_slice %arg14[%mul3A_4, %dma_wait3A_103] : memref<10000x128xf32, #tpu.memory_space<vmem_shared>> -> memref<625x128xf32, #tpu.memory_space<vmem_shared>>
      %dma_wait3A_105 = arith.constant 0 : i32
      %dma_wait3A_106 = tpu.memref_slice %arg5[%mul3A_2, %dma_wait3A_105] : memref<10000x128xf32, #tpu.memory_space<hbm>> -> memref<625x128xf32, #tpu.memory_space<hbm>>
      tpu.wait_dma2 semaphore(%run_scoped3A : memref<!tpu.dma_semaphore, #tpu.memory_space<semaphore_mem>>) src(%dma_wait3A_106 : memref<625x128xf32, #tpu.memory_space<hbm>>) dst(%dma_wait3A_104 : memref<625x128xf32, #tpu.memory_space<vmem_shared>>)
      tpu.yield
    }) : () -> ()
    %mul3A_5 = arith.constant 625 : i32
    %mul3A_6 = arith.muli %arg1, %mul3A_5 : i32
    %mul3A_7 = arith.constant 625 : i32
    %mul3A_8 = arith.muli %arg1, %mul3A_7 : i32
    "tpu.region"() ({
      %run_scoped3A = tpu.sem_alloc : memref<!tpu.dma_semaphore, #tpu.memory_space<semaphore_mem>>
      %dma_start3A_99 = arith.constant 0 : i32
      %dma_start3A_100 = tpu.memref_slice %arg15[%mul3A_8, %dma_start3A_99] : memref<10000x16xf32, #tpu.memory_space<vmem_shared>> -> memref<625x16xf32, #tpu.memory_space<vmem_shared>>
      %dma_start3A_101 = arith.constant 0 : i32
      %dma_start3A_102 = tpu.memref_slice %arg5[%mul3A_6, %dma_start3A_101] : memref<10000x128xf32, #tpu.memory_space<hbm>> -> memref<625x16xf32, #tpu.memory_space<hbm>>
      tpu.enqueue_dma source(%dma_start3A_102 : memref<625x16xf32, #tpu.memory_space<hbm>>) target(%dma_start3A_100 : memref<625x16xf32, #tpu.memory_space<vmem_shared>>) target_semaphore(%run_scoped3A : memref<!tpu.dma_semaphore, #tpu.memory_space<semaphore_mem>>)
      %dma_wait3A_103 = arith.constant 0 : i32
      %dma_wait3A_104 = tpu.memref_slice %arg15[%mul3A_8, %dma_wait3A_103] : memref<10000x16xf32, #tpu.memory_space<vmem_shared>> -> memref<625x16xf32, #tpu.memory_space<vmem_shared>>
      %dma_wait3A_105 = arith.constant 0 : i32
      %dma_wait3A_106 = tpu.memref_slice %arg5[%mul3A_6, %dma_wait3A_105] : memref<10000x128xf32, #tpu.memory_space<hbm>> -> memref<625x16xf32, #tpu.memory_space<hbm>>
      tpu.wait_dma2 semaphore(%run_scoped3A : memref<!tpu.dma_semaphore, #tpu.memory_space<semaphore_mem>>) src(%dma_wait3A_106 : memref<625x16xf32, #tpu.memory_space<hbm>>) dst(%dma_wait3A_104 : memref<625x16xf32, #tpu.memory_space<vmem_shared>>)
      tpu.yield
    }) : () -> ()
    %scan3A = arith.constant 0 : i32
    %scan3A_9 = arith.constant 0 : i32
    %scan3A_10 = arith.constant 80 : i32
    %scan3A_11 = arith.addi %scan3A_9, %scan3A_10 : i32
    %scan3A_12 = arith.constant 1 : i32
    scf.for %scan3A_99 = %scan3A_9 to %scan3A_11 step %scan3A_12  : i32 {
      %broadcast_in_dim3A = arith.constant 1.000000e+00 : f32
      %broadcast_in_dim3A_100 = vector.broadcast %broadcast_in_dim3A : f32 to vector<16xf32>
      %swap3A = arith.index_cast %scan3A_99 : i32 to index
      %swap3A_101 = arith.constant 0 : index
      %swap3A_102 = tpu.vector_load %arg13[%swap3A, %swap3A_101] {strides = array<i32>} : memref<80x16xf32, #tpu.memory_space<vmem>>, vector<1x16xf32>,
      %swap3A_103 = vector.shape_cast %swap3A_102 : vector<1x16xf32> to vector<16xf32>
      %swap3A_104 = vector.shape_cast %broadcast_in_dim3A_100 : vector<16xf32> to vector<1x16xf32>
      tpu.vector_store %arg13[%swap3A, %swap3A_101], %swap3A_104 {strides = array<i32>} : memref<80x16xf32, #tpu.memory_space<vmem>>, vector<1x16xf32>,
    }
    %scan3A_13 = arith.constant 80 : i32
    "tpu.region"() ({
      %run_scoped3A = tpu.sem_alloc : memref<!tpu.dma_semaphore, #tpu.memory_space<semaphore_mem>>
      %dma_start3A_99 = arith.constant 0 : i32
      %dma_start3A_100 = arith.constant 0 : i32
      %dma_start3A_101 = tpu.memref_slice %arg4[%add3A, %dma_start3A_99, %dma_start3A_100] : memref<32x125x80xi32, #tpu.memory_space<hbm>> -> memref<1x125x80xi32, #tpu.memory_space<hbm>>
      %dma_start3A_102 = tpu.memref_squeeze %dma_start3A_101 : memref<1x125x80xi32, #tpu.memory_space<hbm>> -> memref<125x80xi32, #tpu.memory_space<hbm>>
      %dma_start3A_103 = arith.constant 0 : i32
      %dma_start3A_104 = arith.constant 0 : i32
      %dma_start3A_105 = tpu.memref_slice %arg4[%add3A, %dma_start3A_103, %dma_start3A_104] : memref<32x125x80xi32, #tpu.memory_space<hbm>> -> memref<1x125x80xi32, #tpu.memory_space<hbm>>
      %dma_start3A_106 = tpu.memref_squeeze %dma_start3A_105 : memref<1x125x80xi32, #tpu.memory_space<hbm>> -> memref<125x80xi32, #tpu.memory_space<hbm>>
      tpu.enqueue_dma source(%dma_start3A_106 : memref<125x80xi32, #tpu.memory_space<hbm>>) target(%arg8 : memref<125x80xi32, #tpu.memory_space<vmem>>) target_semaphore(%run_scoped3A : memref<!tpu.dma_semaphore, #tpu.memory_space<semaphore_mem>>)
      %dma_wait3A_107 = arith.constant 0 : i32
      %dma_wait3A_108 = arith.constant 0 : i32
      %dma_wait3A_109 = tpu.memref_slice %arg4[%add3A, %dma_wait3A_107, %dma_wait3A_108] : memref<32x125x80xi32, #tpu.memory_space<hbm>> -> memref<1x125x80xi32, #tpu.memory_space<hbm>>
      %dma_wait3A_110 = tpu.memref_squeeze %dma_wait3A_109 : memref<1x125x80xi32, #tpu.memory_space<hbm>> -> memref<125x80xi32, #tpu.memory_space<hbm>>
      %dma_wait3A_111 = arith.constant 0 : i32
      %dma_wait3A_112 = arith.constant 0 : i32
      %dma_wait3A_113 = tpu.memref_slice %arg4[%add3A, %dma_wait3A_111, %dma_wait3A_112] : memref<32x125x80xi32, #tpu.memory_space<hbm>> -> memref<1x125x80xi32, #tpu.memory_space<hbm>>
      %dma_wait3A_114 = tpu.memref_squeeze %dma_wait3A_113 : memref<1x125x80xi32, #tpu.memory_space<hbm>> -> memref<125x80xi32, #tpu.memory_space<hbm>>
      tpu.wait_dma2 semaphore(%run_scoped3A : memref<!tpu.dma_semaphore, #tpu.memory_space<semaphore_mem>>) src(%dma_wait3A_114 : memref<125x80xi32, #tpu.memory_space<hbm>>) dst(%arg8 : memref<125x80xi32, #tpu.memory_space<vmem>>)
      tpu.yield
    }) : () -> ()
    %dma_start3A = arith.constant 0 : i32
    %dma_start3A_14 = arith.constant 0 : i32
    %dma_start3A_15 = tpu.memref_slice %arg3[%add3A, %dma_start3A, %dma_start3A_14] : memref<32x125x80xi32, #tpu.memory_space<hbm>> -> memref<1x1x80xi32, #tpu.memory_space<hbm>>
    %dma_start3A_16 = tpu.memref_squeeze %dma_start3A_15 : memref<1x1x80xi32, #tpu.memory_space<hbm>> -> memref<80xi32, #tpu.memory_space<hbm>>
    %dma_start3A_17 = arith.constant 0 : i32
    %dma_start3A_18 = tpu.memref_slice %arg3[%add3A, %dma_start3A, %dma_start3A_17] : memref<32x125x80xi32, #tpu.memory_space<hbm>> -> memref<1x1x80xi32, #tpu.memory_space<hbm>>
    %dma_start3A_19 = tpu.memref_squeeze %dma_start3A_18 : memref<1x1x80xi32, #tpu.memory_space<hbm>> -> memref<80xi32, #tpu.memory_space<hbm>>
    tpu.enqueue_dma source(%dma_start3A_19 : memref<80xi32, #tpu.memory_space<hbm>>) target(%arg9 : memref<80xi32, #tpu.memory_space<vmem>>) target_semaphore(%arg16 : memref<!tpu.dma_semaphore, #tpu.memory_space<semaphore_mem>>)
    %dma_wait3A = arith.constant 0 : i32
    %dma_wait3A_20 = arith.constant 0 : i32
    %dma_wait3A_21 = tpu.memref_slice %arg3[%add3A, %dma_wait3A, %dma_wait3A_20] : memref<32x125x80xi32, #tpu.memory_space<hbm>> -> memref<1x1x80xi32, #tpu.memory_space<hbm>>
    %dma_wait3A_22 = tpu.memref_squeeze %dma_wait3A_21 : memref<1x1x80xi32, #tpu.memory_space<hbm>> -> memref<80xi32, #tpu.memory_space<hbm>>
    %dma_wait3A_23 = arith.constant 0 : i32
    %dma_wait3A_24 = tpu.memref_slice %arg3[%add3A, %dma_wait3A, %dma_wait3A_23] : memref<32x125x80xi32, #tpu.memory_space<hbm>> -> memref<1x1x80xi32, #tpu.memory_space<hbm>>
    %dma_wait3A_25 = tpu.memref_squeeze %dma_wait3A_24 : memref<1x1x80xi32, #tpu.memory_space<hbm>> -> memref<80xi32, #tpu.memory_space<hbm>>
    tpu.wait_dma2 semaphore(%arg16 : memref<!tpu.dma_semaphore, #tpu.memory_space<semaphore_mem>>) src(%dma_wait3A_25 : memref<80xi32, #tpu.memory_space<hbm>>) dst(%arg9 : memref<80xi32, #tpu.memory_space<vmem>>)
    %dma_start3A_26 = arith.constant 0 : i32
    %dma_start3A_27 = arith.constant 0 : i32
    %dma_start3A_28 = tpu.memref_slice %arg2[%dma_start3A_26, %dma_start3A_27] : memref<10000x128xf32, #tpu.memory_space<hbm>> -> memref<10000x128xf32, #tpu.memory_space<hbm>>
    tpu.enqueue_indirect_dma source(%dma_start3A_28 : memref<10000x128xf32, #tpu.memory_space<hbm>>) target(%arg11 : memref<80x128xf32, #tpu.memory_space<vmem>>) offsets(%arg9 : memref<80xi32, #tpu.memory_space<vmem>>) semaphore(%arg17 : memref<!tpu.dma_semaphore, #tpu.memory_space<semaphore_mem>>)
    %dma_start3A_29 = arith.constant 1 : i32
    %dma_start3A_30 = arith.constant 0 : i32
    %dma_start3A_31 = tpu.memref_slice %arg3[%add3A, %dma_start3A_29, %dma_start3A_30] : memref<32x125x80xi32, #tpu.memory_space<hbm>> -> memref<1x1x80xi32, #tpu.memory_space<hbm>>
    %dma_start3A_32 = tpu.memref_squeeze %dma_start3A_31 : memref<1x1x80xi32, #tpu.memory_space<hbm>> -> memref<80xi32, #tpu.memory_space<hbm>>
    %dma_start3A_33 = arith.constant 0 : i32
    %dma_start3A_34 = tpu.memref_slice %arg3[%add3A, %dma_start3A_29, %dma_start3A_33] : memref<32x125x80xi32, #tpu.memory_space<hbm>> -> memref<1x1x80xi32, #tpu.memory_space<hbm>>
    %dma_start3A_35 = tpu.memref_squeeze %dma_start3A_34 : memref<1x1x80xi32, #tpu.memory_space<hbm>> -> memref<80xi32, #tpu.memory_space<hbm>>
    tpu.enqueue_dma source(%dma_start3A_35 : memref<80xi32, #tpu.memory_space<hbm>>) target(%arg10 : memref<80xi32, #tpu.memory_space<vmem>>) target_semaphore(%arg16 : memref<!tpu.dma_semaphore, #tpu.memory_space<semaphore_mem>>)
    %barrier3A = arith.constant 0 : index
    tpu.barrier barrier_id(%barrier3A)
    %dma_wait3A_36 = arith.constant 0 : i32
    %dma_wait3A_37 = arith.constant 0 : i32
    %dma_wait3A_38 = tpu.memref_slice %arg2[%dma_wait3A_36, %dma_wait3A_37] : memref<10000x128xf32, #tpu.memory_space<hbm>> -> memref<10000x128xf32, #tpu.memory_space<hbm>>
    tpu.wait_indirect_dma semaphore(%arg17 : memref<!tpu.dma_semaphore, #tpu.memory_space<semaphore_mem>>) src(%dma_wait3A_38 : memref<10000x128xf32, #tpu.memory_space<hbm>>) dst(%arg11 : memref<80x128xf32, #tpu.memory_space<vmem>>)
    %dma_wait3A_39 = arith.constant 1 : i32
    %dma_wait3A_40 = arith.constant 0 : i32
    %dma_wait3A_41 = tpu.memref_slice %arg3[%add3A, %dma_wait3A_39, %dma_wait3A_40] : memref<32x125x80xi32, #tpu.memory_space<hbm>> -> memref<1x1x80xi32, #tpu.memory_space<hbm>>
    %dma_wait3A_42 = tpu.memref_squeeze %dma_wait3A_41 : memref<1x1x80xi32, #tpu.memory_space<hbm>> -> memref<80xi32, #tpu.memory_space<hbm>>
    %dma_wait3A_43 = arith.constant 0 : i32
    %dma_wait3A_44 = tpu.memref_slice %arg3[%add3A, %dma_wait3A_39, %dma_wait3A_43] : memref<32x125x80xi32, #tpu.memory_space<hbm>> -> memref<1x1x80xi32, #tpu.memory_space<hbm>>
    %dma_wait3A_45 = tpu.memref_squeeze %dma_wait3A_44 : memref<1x1x80xi32, #tpu.memory_space<hbm>> -> memref<80xi32, #tpu.memory_space<hbm>>
    tpu.wait_dma2 semaphore(%arg16 : memref<!tpu.dma_semaphore, #tpu.memory_space<semaphore_mem>>) src(%dma_wait3A_45 : memref<80xi32, #tpu.memory_space<hbm>>) dst(%arg10 : memref<80xi32, #tpu.memory_space<vmem>>)
    %dma_start3A_46 = arith.constant 0 : i32
    %dma_start3A_47 = arith.constant 0 : i32
    %dma_start3A_48 = tpu.memref_slice %arg2[%dma_start3A_46, %dma_start3A_47] : memref<10000x128xf32, #tpu.memory_space<hbm>> -> memref<10000x128xf32, #tpu.memory_space<hbm>>
    tpu.enqueue_indirect_dma source(%dma_start3A_48 : memref<10000x128xf32, #tpu.memory_space<hbm>>) target(%arg12 : memref<80x128xf32, #tpu.memory_space<vmem>>) offsets(%arg10 : memref<80xi32, #tpu.memory_space<vmem>>) semaphore(%arg17 : memref<!tpu.dma_semaphore, #tpu.memory_space<semaphore_mem>>)
    %dma_start3A_49 = arith.constant 2 : i32
    %dma_start3A_50 = arith.constant 0 : i32
    %dma_start3A_51 = tpu.memref_slice %arg3[%add3A, %dma_start3A_49, %dma_start3A_50] : memref<32x125x80xi32, #tpu.memory_space<hbm>> -> memref<1x1x80xi32, #tpu.memory_space<hbm>>
    %dma_start3A_52 = tpu.memref_squeeze %dma_start3A_51 : memref<1x1x80xi32, #tpu.memory_space<hbm>> -> memref<80xi32, #tpu.memory_space<hbm>>
    %dma_start3A_53 = arith.constant 0 : i32
    %dma_start3A_54 = tpu.memref_slice %arg3[%add3A, %dma_start3A_49, %dma_start3A_53] : memref<32x125x80xi32, #tpu.memory_space<hbm>> -> memref<1x1x80xi32, #tpu.memory_space<hbm>>
    %dma_start3A_55 = tpu.memref_squeeze %dma_start3A_54 : memref<1x1x80xi32, #tpu.memory_space<hbm>> -> memref<80xi32, #tpu.memory_space<hbm>>
    tpu.enqueue_dma source(%dma_start3A_55 : memref<80xi32, #tpu.memory_space<hbm>>) target(%arg9 : memref<80xi32, #tpu.memory_space<vmem>>) target_semaphore(%arg16 : memref<!tpu.dma_semaphore, #tpu.memory_space<semaphore_mem>>)
    %dma_start3A_56 = arith.constant 0 : i32
    %dma_start3A_57 = arith.constant 0 : i32
    %dma_start3A_58 = tpu.memref_slice %arg8[%dma_start3A_56, %dma_start3A_57] : memref<125x80xi32, #tpu.memory_space<vmem>> -> memref<1x80xi32, #tpu.memory_space<vmem>>
    %dma_start3A_59 = tpu.memref_squeeze %dma_start3A_58 : memref<1x80xi32, #tpu.memory_space<vmem>> -> memref<80xi32, #tpu.memory_space<vmem>>
    %dma_start3A_60 = arith.constant 0 : i32
    %dma_start3A_61 = arith.constant 0 : i32
    %dma_start3A_62 = tpu.memref_slice %arg14[%dma_start3A_60, %dma_start3A_61] : memref<10000x128xf32, #tpu.memory_space<vmem_shared>> -> memref<10000x128xf32, #tpu.memory_space<vmem_shared>>
    tpu.enqueue_indirect_dma source(%arg11 : memref<80x128xf32, #tpu.memory_space<vmem>>) target(%dma_start3A_62 : memref<10000x128xf32, #tpu.memory_space<vmem_shared>>) offsets(%dma_start3A_59 : memref<80xi32, #tpu.memory_space<vmem>>) semaphore(%arg18 : memref<!tpu.dma_semaphore, #tpu.memory_space<semaphore_mem>>) {add = true}
    %dma_start3A_63 = arith.constant 0 : i32
    %dma_start3A_64 = arith.constant 0 : i32
    %dma_start3A_65 = tpu.memref_slice %arg8[%dma_start3A_63, %dma_start3A_64] : memref<125x80xi32, #tpu.memory_space<vmem>> -> memref<1x80xi32, #tpu.memory_space<vmem>>
    %dma_start3A_66 = tpu.memref_squeeze %dma_start3A_65 : memref<1x80xi32, #tpu.memory_space<vmem>> -> memref<80xi32, #tpu.memory_space<vmem>>
    %dma_start3A_67 = arith.constant 0 : i32
    %dma_start3A_68 = arith.constant 0 : i32
    %dma_start3A_69 = tpu.memref_slice %arg15[%dma_start3A_67, %dma_start3A_68] : memref<10000x16xf32, #tpu.memory_space<vmem_shared>> -> memref<10000x16xf32, #tpu.memory_space<vmem_shared>>
    tpu.enqueue_indirect_dma source(%arg13 : memref<80x16xf32, #tpu.memory_space<vmem>>) target(%dma_start3A_69 : memref<10000x16xf32, #tpu.memory_space<vmem_shared>>) offsets(%dma_start3A_66 : memref<80xi32, #tpu.memory_space<vmem>>) semaphore(%arg18 : memref<!tpu.dma_semaphore, #tpu.memory_space<semaphore_mem>>) {add = true}
    %scan3A_70 = arith.constant 0 : i32
    %scan3A_71 = arith.constant 0 : i32
    %scan3A_72 = arith.constant 62 : i32
    %scan3A_73 = arith.addi %scan3A_71, %scan3A_72 : i32
    %scan3A_74 = arith.constant 1 : i32
    scf.for %scan3A_99 = %scan3A_71 to %scan3A_73 step %scan3A_74  : i32 {
      %mul3A_100 = arith.constant 2 : i32
      %mul3A_101 = arith.muli %mul3A_100, %scan3A_99 : i32
      %add3A_102 = arith.constant 1 : i32
      %add3A_103 = arith.addi %mul3A_101, %add3A_102 : i32
      %dma_wait3A_104 = arith.constant 0 : i32
      %dma_wait3A_105 = arith.constant 0 : i32
      %dma_wait3A_106 = tpu.memref_slice %arg2[%dma_wait3A_104, %dma_wait3A_105] : memref<10000x128xf32, #tpu.memory_space<hbm>> -> memref<10000x128xf32, #tpu.memory_space<hbm>>
      tpu.wait_indirect_dma semaphore(%arg17 : memref<!tpu.dma_semaphore, #tpu.memory_space<semaphore_mem>>) src(%dma_wait3A_106 : memref<10000x128xf32, #tpu.memory_space<hbm>>) dst(%arg12 : memref<80x128xf32, #tpu.memory_space<vmem>>)
      %ge3A = arith.constant 1 : i32
      %ge3A_107 = arith.cmpi sge, %add3A_103, %ge3A : i32
      %convert_element_type3A = arith.extui %ge3A_107 : i1 to i32
      %cond3A = arith.constant 0 : i32
      %cond3A_108 = arith.cmpi ne, %convert_element_type3A, %cond3A : i32
      scf.if %cond3A_108 {
        %sub3A = arith.constant 1 : i32
        %sub3A_164 = arith.subi %add3A_103, %sub3A : i32
        %dma_wait3A_165 = arith.constant 0 : i32
        %dma_wait3A_166 = tpu.memref_slice %arg8[%sub3A_164, %dma_wait3A_165] : memref<125x80xi32, #tpu.memory_space<vmem>> -> memref<1x80xi32, #tpu.memory_space<vmem>>
        %dma_wait3A_167 = tpu.memref_squeeze %dma_wait3A_166 : memref<1x80xi32, #tpu.memory_space<vmem>> -> memref<80xi32, #tpu.memory_space<vmem>>
        %dma_wait3A_168 = arith.constant 0 : i32
        %dma_wait3A_169 = arith.constant 0 : i32
        %dma_wait3A_170 = tpu.memref_slice %arg14[%dma_wait3A_168, %dma_wait3A_169] : memref<10000x128xf32, #tpu.memory_space<vmem_shared>> -> memref<10000x128xf32, #tpu.memory_space<vmem_shared>>
        tpu.wait_indirect_dma semaphore(%arg18 : memref<!tpu.dma_semaphore, #tpu.memory_space<semaphore_mem>>) src(%arg11 : memref<80x128xf32, #tpu.memory_space<vmem>>) dst(%dma_wait3A_170 : memref<10000x128xf32, #tpu.memory_space<vmem_shared>>)
        %dma_wait3A_171 = arith.constant 0 : i32
        %dma_wait3A_172 = tpu.memref_slice %arg8[%sub3A_164, %dma_wait3A_171] : memref<125x80xi32, #tpu.memory_space<vmem>> -> memref<1x80xi32, #tpu.memory_space<vmem>>
        %dma_wait3A_173 = tpu.memref_squeeze %dma_wait3A_172 : memref<1x80xi32, #tpu.memory_space<vmem>> -> memref<80xi32, #tpu.memory_space<vmem>>
        %dma_wait3A_174 = arith.constant 0 : i32
        %dma_wait3A_175 = arith.constant 0 : i32
        %dma_wait3A_176 = tpu.memref_slice %arg15[%dma_wait3A_174, %dma_wait3A_175] : memref<10000x16xf32, #tpu.memory_space<vmem_shared>> -> memref<10000x16xf32, #tpu.memory_space<vmem_shared>>
        tpu.wait_indirect_dma semaphore(%arg18 : memref<!tpu.dma_semaphore, #tpu.memory_space<semaphore_mem>>) src(%arg13 : memref<80x16xf32, #tpu.memory_space<vmem>>) dst(%dma_wait3A_176 : memref<10000x16xf32, #tpu.memory_space<vmem_shared>>)
      } else {
      }
      %le3A = arith.constant 123 : i32
      %le3A_109 = arith.cmpi sle, %add3A_103, %le3A : i32
      %convert_element_type3A_110 = arith.extui %le3A_109 : i1 to i32
      %cond3A_111 = arith.constant 0 : i32
      %cond3A_112 = arith.cmpi ne, %convert_element_type3A_110, %cond3A_111 : i32
      scf.if %cond3A_112 {
        %add3A_164 = arith.constant 1 : i32
        %add3A_165 = arith.addi %add3A_103, %add3A_164 : i32
        %dma_wait3A_166 = arith.constant 0 : i32
        %dma_wait3A_167 = tpu.memref_slice %arg3[%add3A, %add3A_165, %dma_wait3A_166] : memref<32x125x80xi32, #tpu.memory_space<hbm>> -> memref<1x1x80xi32, #tpu.memory_space<hbm>>
        %dma_wait3A_168 = tpu.memref_squeeze %dma_wait3A_167 : memref<1x1x80xi32, #tpu.memory_space<hbm>> -> memref<80xi32, #tpu.memory_space<hbm>>
        %dma_wait3A_169 = arith.constant 0 : i32
        %dma_wait3A_170 = tpu.memref_slice %arg3[%add3A, %add3A_165, %dma_wait3A_169] : memref<32x125x80xi32, #tpu.memory_space<hbm>> -> memref<1x1x80xi32, #tpu.memory_space<hbm>>
        %dma_wait3A_171 = tpu.memref_squeeze %dma_wait3A_170 : memref<1x1x80xi32, #tpu.memory_space<hbm>> -> memref<80xi32, #tpu.memory_space<hbm>>
        tpu.wait_dma2 semaphore(%arg16 : memref<!tpu.dma_semaphore, #tpu.memory_space<semaphore_mem>>) src(%dma_wait3A_171 : memref<80xi32, #tpu.memory_space<hbm>>) dst(%arg9 : memref<80xi32, #tpu.memory_space<vmem>>)
        %add3A_172 = arith.constant 1 : i32
        %add3A_173 = arith.addi %add3A_103, %add3A_172 : i32
        %dma_start3A_174 = arith.constant 0 : i32
        %dma_start3A_175 = arith.constant 0 : i32
        %dma_start3A_176 = tpu.memref_slice %arg2[%dma_start3A_174, %dma_start3A_175] : memref<10000x128xf32, #tpu.memory_space<hbm>> -> memref<10000x128xf32, #tpu.memory_space<hbm>>
        tpu.enqueue_indirect_dma source(%dma_start3A_176 : memref<10000x128xf32, #tpu.memory_space<hbm>>) target(%arg11 : memref<80x128xf32, #tpu.memory_space<vmem>>) offsets(%arg9 : memref<80xi32, #tpu.memory_space<vmem>>) semaphore(%arg17 : memref<!tpu.dma_semaphore, #tpu.memory_space<semaphore_mem>>)
      } else {
      }
      %le3A_113 = arith.constant 122 : i32
      %le3A_114 = arith.cmpi sle, %add3A_103, %le3A_113 : i32
      %convert_element_type3A_115 = arith.extui %le3A_114 : i1 to i32
      %cond3A_116 = arith.constant 0 : i32
      %cond3A_117 = arith.cmpi ne, %convert_element_type3A_115, %cond3A_116 : i32
      scf.if %cond3A_117 {
        %add3A_164 = arith.constant 2 : i32
        %add3A_165 = arith.addi %add3A_103, %add3A_164 : i32
        %dma_start3A_166 = arith.constant 0 : i32
        %dma_start3A_167 = tpu.memref_slice %arg3[%add3A, %add3A_165, %dma_start3A_166] : memref<32x125x80xi32, #tpu.memory_space<hbm>> -> memref<1x1x80xi32, #tpu.memory_space<hbm>>
        %dma_start3A_168 = tpu.memref_squeeze %dma_start3A_167 : memref<1x1x80xi32, #tpu.memory_space<hbm>> -> memref<80xi32, #tpu.memory_space<hbm>>
        %dma_start3A_169 = arith.constant 0 : i32
        %dma_start3A_170 = tpu.memref_slice %arg3[%add3A, %add3A_165, %dma_start3A_169] : memref<32x125x80xi32, #tpu.memory_space<hbm>> -> memref<1x1x80xi32, #tpu.memory_space<hbm>>
        %dma_start3A_171 = tpu.memref_squeeze %dma_start3A_170 : memref<1x1x80xi32, #tpu.memory_space<hbm>> -> memref<80xi32, #tpu.memory_space<hbm>>
        tpu.enqueue_dma source(%dma_start3A_171 : memref<80xi32, #tpu.memory_space<hbm>>) target(%arg10 : memref<80xi32, #tpu.memory_space<vmem>>) target_semaphore(%arg16 : memref<!tpu.dma_semaphore, #tpu.memory_space<semaphore_mem>>)
      } else {
      }
      %dma_start3A_118 = arith.constant 0 : i32
      %dma_start3A_119 = tpu.memref_slice %arg8[%add3A_103, %dma_start3A_118] : memref<125x80xi32, #tpu.memory_space<vmem>> -> memref<1x80xi32, #tpu.memory_space<vmem>>
      %dma_start3A_120 = tpu.memref_squeeze %dma_start3A_119 : memref<1x80xi32, #tpu.memory_space<vmem>> -> memref<80xi32, #tpu.memory_space<vmem>>
      %dma_start3A_121 = arith.constant 0 : i32
      %dma_start3A_122 = arith.constant 0 : i32
      %dma_start3A_123 = tpu.memref_slice %arg14[%dma_start3A_121, %dma_start3A_122] : memref<10000x128xf32, #tpu.memory_space<vmem_shared>> -> memref<10000x128xf32, #tpu.memory_space<vmem_shared>>
      tpu.enqueue_indirect_dma source(%arg12 : memref<80x128xf32, #tpu.memory_space<vmem>>) target(%dma_start3A_123 : memref<10000x128xf32, #tpu.memory_space<vmem_shared>>) offsets(%dma_start3A_120 : memref<80xi32, #tpu.memory_space<vmem>>) semaphore(%arg18 : memref<!tpu.dma_semaphore, #tpu.memory_space<semaphore_mem>>) {add = true}
      %dma_start3A_124 = arith.constant 0 : i32
      %dma_start3A_125 = tpu.memref_slice %arg8[%add3A_103, %dma_start3A_124] : memref<125x80xi32, #tpu.memory_space<vmem>> -> memref<1x80xi32, #tpu.memory_space<vmem>>
      %dma_start3A_126 = tpu.memref_squeeze %dma_start3A_125 : memref<1x80xi32, #tpu.memory_space<vmem>> -> memref<80xi32, #tpu.memory_space<vmem>>
      %dma_start3A_127 = arith.constant 0 : i32
      %dma_start3A_128 = arith.constant 0 : i32
      %dma_start3A_129 = tpu.memref_slice %arg15[%dma_start3A_127, %dma_start3A_128] : memref<10000x16xf32, #tpu.memory_space<vmem_shared>> -> memref<10000x16xf32, #tpu.memory_space<vmem_shared>>
      tpu.enqueue_indirect_dma source(%arg13 : memref<80x16xf32, #tpu.memory_space<vmem>>) target(%dma_start3A_129 : memref<10000x16xf32, #tpu.memory_space<vmem_shared>>) offsets(%dma_start3A_126 : memref<80xi32, #tpu.memory_space<vmem>>) semaphore(%arg18 : memref<!tpu.dma_semaphore, #tpu.memory_space<semaphore_mem>>) {add = true}
      %mul3A_130 = arith.constant 2 : i32
      %mul3A_131 = arith.muli %mul3A_130, %scan3A_99 : i32
      %add3A_132 = arith.constant 2 : i32
      %add3A_133 = arith.addi %mul3A_131, %add3A_132 : i32
      %dma_wait3A_134 = arith.constant 0 : i32
      %dma_wait3A_135 = arith.constant 0 : i32
      %dma_wait3A_136 = tpu.memref_slice %arg2[%dma_wait3A_134, %dma_wait3A_135] : memref<10000x128xf32, #tpu.memory_space<hbm>> -> memref<10000x128xf32, #tpu.memory_space<hbm>>
      tpu.wait_indirect_dma semaphore(%arg17 : memref<!tpu.dma_semaphore, #tpu.memory_space<semaphore_mem>>) src(%dma_wait3A_136 : memref<10000x128xf32, #tpu.memory_space<hbm>>) dst(%arg11 : memref<80x128xf32, #tpu.memory_space<vmem>>)
      %ge3A_137 = arith.constant 1 : i32
      %ge3A_138 = arith.cmpi sge, %add3A_133, %ge3A_137 : i32
      %convert_element_type3A_139 = arith.extui %ge3A_138 : i1 to i32
      %cond3A_140 = arith.constant 0 : i32
      %cond3A_141 = arith.cmpi ne, %convert_element_type3A_139, %cond3A_140 : i32
      scf.if %cond3A_141 {
        %sub3A = arith.constant 1 : i32
        %sub3A_164 = arith.subi %add3A_133, %sub3A : i32
        %dma_wait3A_165 = arith.constant 0 : i32
        %dma_wait3A_166 = tpu.memref_slice %arg8[%sub3A_164, %dma_wait3A_165] : memref<125x80xi32, #tpu.memory_space<vmem>> -> memref<1x80xi32, #tpu.memory_space<vmem>>
        %dma_wait3A_167 = tpu.memref_squeeze %dma_wait3A_166 : memref<1x80xi32, #tpu.memory_space<vmem>> -> memref<80xi32, #tpu.memory_space<vmem>>
        %dma_wait3A_168 = arith.constant 0 : i32
        %dma_wait3A_169 = arith.constant 0 : i32
        %dma_wait3A_170 = tpu.memref_slice %arg14[%dma_wait3A_168, %dma_wait3A_169] : memref<10000x128xf32, #tpu.memory_space<vmem_shared>> -> memref<10000x128xf32, #tpu.memory_space<vmem_shared>>
        tpu.wait_indirect_dma semaphore(%arg18 : memref<!tpu.dma_semaphore, #tpu.memory_space<semaphore_mem>>) src(%arg12 : memref<80x128xf32, #tpu.memory_space<vmem>>) dst(%dma_wait3A_170 : memref<10000x128xf32, #tpu.memory_space<vmem_shared>>)
        %dma_wait3A_171 = arith.constant 0 : i32
        %dma_wait3A_172 = tpu.memref_slice %arg8[%sub3A_164, %dma_wait3A_171] : memref<125x80xi32, #tpu.memory_space<vmem>> -> memref<1x80xi32, #tpu.memory_space<vmem>>
        %dma_wait3A_173 = tpu.memref_squeeze %dma_wait3A_172 : memref<1x80xi32, #tpu.memory_space<vmem>> -> memref<80xi32, #tpu.memory_space<vmem>>
        %dma_wait3A_174 = arith.constant 0 : i32
        %dma_wait3A_175 = arith.constant 0 : i32
        %dma_wait3A_176 = tpu.memref_slice %arg15[%dma_wait3A_174, %dma_wait3A_175] : memref<10000x16xf32, #tpu.memory_space<vmem_shared>> -> memref<10000x16xf32, #tpu.memory_space<vmem_shared>>
        tpu.wait_indirect_dma semaphore(%arg18 : memref<!tpu.dma_semaphore, #tpu.memory_space<semaphore_mem>>) src(%arg13 : memref<80x16xf32, #tpu.memory_space<vmem>>) dst(%dma_wait3A_176 : memref<10000x16xf32, #tpu.memory_space<vmem_shared>>)
      } else {
      }
      %le3A_142 = arith.constant 123 : i32
      %le3A_143 = arith.cmpi sle, %add3A_133, %le3A_142 : i32
      %convert_element_type3A_144 = arith.extui %le3A_143 : i1 to i32
      %cond3A_145 = arith.constant 0 : i32
      %cond3A_146 = arith.cmpi ne, %convert_element_type3A_144, %cond3A_145 : i32
      scf.if %cond3A_146 {
        %add3A_164 = arith.constant 1 : i32
        %add3A_165 = arith.addi %add3A_133, %add3A_164 : i32
        %dma_wait3A_166 = arith.constant 0 : i32
        %dma_wait3A_167 = tpu.memref_slice %arg3[%add3A, %add3A_165, %dma_wait3A_166] : memref<32x125x80xi32, #tpu.memory_space<hbm>> -> memref<1x1x80xi32, #tpu.memory_space<hbm>>
        %dma_wait3A_168 = tpu.memref_squeeze %dma_wait3A_167 : memref<1x1x80xi32, #tpu.memory_space<hbm>> -> memref<80xi32, #tpu.memory_space<hbm>>
        %dma_wait3A_169 = arith.constant 0 : i32
        %dma_wait3A_170 = tpu.memref_slice %arg3[%add3A, %add3A_165, %dma_wait3A_169] : memref<32x125x80xi32, #tpu.memory_space<hbm>> -> memref<1x1x80xi32, #tpu.memory_space<hbm>>
        %dma_wait3A_171 = tpu.memref_squeeze %dma_wait3A_170 : memref<1x1x80xi32, #tpu.memory_space<hbm>> -> memref<80xi32, #tpu.memory_space<hbm>>
        tpu.wait_dma2 semaphore(%arg16 : memref<!tpu.dma_semaphore, #tpu.memory_space<semaphore_mem>>) src(%dma_wait3A_171 : memref<80xi32, #tpu.memory_space<hbm>>) dst(%arg10 : memref<80xi32, #tpu.memory_space<vmem>>)
        %add3A_172 = arith.constant 1 : i32
        %add3A_173 = arith.addi %add3A_133, %add3A_172 : i32
        %dma_start3A_174 = arith.constant 0 : i32
        %dma_start3A_175 = arith.constant 0 : i32
        %dma_start3A_176 = tpu.memref_slice %arg2[%dma_start3A_174, %dma_start3A_175] : memref<10000x128xf32, #tpu.memory_space<hbm>> -> memref<10000x128xf32, #tpu.memory_space<hbm>>
        tpu.enqueue_indirect_dma source(%dma_start3A_176 : memref<10000x128xf32, #tpu.memory_space<hbm>>) target(%arg12 : memref<80x128xf32, #tpu.memory_space<vmem>>) offsets(%arg10 : memref<80xi32, #tpu.memory_space<vmem>>) semaphore(%arg17 : memref<!tpu.dma_semaphore, #tpu.memory_space<semaphore_mem>>)
      } else {
      }
      %le3A_147 = arith.constant 122 : i32
      %le3A_148 = arith.cmpi sle, %add3A_133, %le3A_147 : i32
      %convert_element_type3A_149 = arith.extui %le3A_148 : i1 to i32
      %cond3A_150 = arith.constant 0 : i32
      %cond3A_151 = arith.cmpi ne, %convert_element_type3A_149, %cond3A_150 : i32
      scf.if %cond3A_151 {
        %add3A_164 = arith.constant 2 : i32
        %add3A_165 = arith.addi %add3A_133, %add3A_164 : i32
        %dma_start3A_166 = arith.constant 0 : i32
        %dma_start3A_167 = tpu.memref_slice %arg3[%add3A, %add3A_165, %dma_start3A_166] : memref<32x125x80xi32, #tpu.memory_space<hbm>> -> memref<1x1x80xi32, #tpu.memory_space<hbm>>
        %dma_start3A_168 = tpu.memref_squeeze %dma_start3A_167 : memref<1x1x80xi32, #tpu.memory_space<hbm>> -> memref<80xi32, #tpu.memory_space<hbm>>
        %dma_start3A_169 = arith.constant 0 : i32
        %dma_start3A_170 = tpu.memref_slice %arg3[%add3A, %add3A_165, %dma_start3A_169] : memref<32x125x80xi32, #tpu.memory_space<hbm>> -> memref<1x1x80xi32, #tpu.memory_space<hbm>>
        %dma_start3A_171 = tpu.memref_squeeze %dma_start3A_170 : memref<1x1x80xi32, #tpu.memory_space<hbm>> -> memref<80xi32, #tpu.memory_space<hbm>>
        tpu.enqueue_dma source(%dma_start3A_171 : memref<80xi32, #tpu.memory_space<hbm>>) target(%arg9 : memref<80xi32, #tpu.memory_space<vmem>>) target_semaphore(%arg16 : memref<!tpu.dma_semaphore, #tpu.memory_space<semaphore_mem>>)
      } else {
      }
      %dma_start3A_152 = arith.constant 0 : i32
      %dma_start3A_153 = tpu.memref_slice %arg8[%add3A_133, %dma_start3A_152] : memref<125x80xi32, #tpu.memory_space<vmem>> -> memref<1x80xi32, #tpu.memory_space<vmem>>
      %dma_start3A_154 = tpu.memref_squeeze %dma_start3A_153 : memref<1x80xi32, #tpu.memory_space<vmem>> -> memref<80xi32, #tpu.memory_space<vmem>>
      %dma_start3A_155 = arith.constant 0 : i32
      %dma_start3A_156 = arith.constant 0 : i32
      %dma_start3A_157 = tpu.memref_slice %arg14[%dma_start3A_155, %dma_start3A_156] : memref<10000x128xf32, #tpu.memory_space<vmem_shared>> -> memref<10000x128xf32, #tpu.memory_space<vmem_shared>>
      tpu.enqueue_indirect_dma source(%arg11 : memref<80x128xf32, #tpu.memory_space<vmem>>) target(%dma_start3A_157 : memref<10000x128xf32, #tpu.memory_space<vmem_shared>>) offsets(%dma_start3A_154 : memref<80xi32, #tpu.memory_space<vmem>>) semaphore(%arg18 : memref<!tpu.dma_semaphore, #tpu.memory_space<semaphore_mem>>) {add = true}
      %dma_start3A_158 = arith.constant 0 : i32
      %dma_start3A_159 = tpu.memref_slice %arg8[%add3A_133, %dma_start3A_158] : memref<125x80xi32, #tpu.memory_space<vmem>> -> memref<1x80xi32, #tpu.memory_space<vmem>>
      %dma_start3A_160 = tpu.memref_squeeze %dma_start3A_159 : memref<1x80xi32, #tpu.memory_space<vmem>> -> memref<80xi32, #tpu.memory_space<vmem>>
      %dma_start3A_161 = arith.constant 0 : i32
      %dma_start3A_162 = arith.constant 0 : i32
      %dma_start3A_163 = tpu.memref_slice %arg15[%dma_start3A_161, %dma_start3A_162] : memref<10000x16xf32, #tpu.memory_space<vmem_shared>> -> memref<10000x16xf32, #tpu.memory_space<vmem_shared>>
      tpu.enqueue_indirect_dma source(%arg13 : memref<80x16xf32, #tpu.memory_space<vmem>>) target(%dma_start3A_163 : memref<10000x16xf32, #tpu.memory_space<vmem_shared>>) offsets(%dma_start3A_160 : memref<80xi32, #tpu.memory_space<vmem>>) semaphore(%arg18 : memref<!tpu.dma_semaphore, #tpu.memory_space<semaphore_mem>>) {add = true}
    }
    %scan3A_75 = arith.constant 62 : i32
    %dma_wait3A_76 = arith.constant 124 : i32
    %dma_wait3A_77 = arith.constant 0 : i32
    %dma_wait3A_78 = tpu.memref_slice %arg8[%dma_wait3A_76, %dma_wait3A_77] : memref<125x80xi32, #tpu.memory_space<vmem>> -> memref<1x80xi32, #tpu.memory_space<vmem>>
    %dma_wait3A_79 = tpu.memref_squeeze %dma_wait3A_78 : memref<1x80xi32, #tpu.memory_space<vmem>> -> memref<80xi32, #tpu.memory_space<vmem>>
    %dma_wait3A_80 = arith.constant 0 : i32
    %dma_wait3A_81 = arith.constant 0 : i32
    %dma_wait3A_82 = tpu.memref_slice %arg14[%dma_wait3A_80, %dma_wait3A_81] : memref<10000x128xf32, #tpu.memory_space<vmem_shared>> -> memref<10000x128xf32, #tpu.memory_space<vmem_shared>>
    tpu.wait_indirect_dma semaphore(%arg18 : memref<!tpu.dma_semaphore, #tpu.memory_space<semaphore_mem>>) src(%arg11 : memref<80x128xf32, #tpu.memory_space<vmem>>) dst(%dma_wait3A_82 : memref<10000x128xf32, #tpu.memory_space<vmem_shared>>)
    %dma_wait3A_83 = arith.constant 124 : i32
    %dma_wait3A_84 = arith.constant 0 : i32
    %dma_wait3A_85 = tpu.memref_slice %arg8[%dma_wait3A_83, %dma_wait3A_84] : memref<125x80xi32, #tpu.memory_space<vmem>> -> memref<1x80xi32, #tpu.memory_space<vmem>>
    %dma_wait3A_86 = tpu.memref_squeeze %dma_wait3A_85 : memref<1x80xi32, #tpu.memory_space<vmem>> -> memref<80xi32, #tpu.memory_space<vmem>>
    %dma_wait3A_87 = arith.constant 0 : i32
    %dma_wait3A_88 = arith.constant 0 : i32
    %dma_wait3A_89 = tpu.memref_slice %arg15[%dma_wait3A_87, %dma_wait3A_88] : memref<10000x16xf32, #tpu.memory_space<vmem_shared>> -> memref<10000x16xf32, #tpu.memory_space<vmem_shared>>
    tpu.wait_indirect_dma semaphore(%arg18 : memref<!tpu.dma_semaphore, #tpu.memory_space<semaphore_mem>>) src(%arg13 : memref<80x16xf32, #tpu.memory_space<vmem>>) dst(%dma_wait3A_89 : memref<10000x16xf32, #tpu.memory_space<vmem_shared>>)
    %barrier3A_90 = arith.constant 0 : index
    tpu.barrier barrier_id(%barrier3A_90)
    %mul3A_91 = arith.constant 625 : i32
    %mul3A_92 = arith.muli %arg1, %mul3A_91 : i32
    %mul3A_93 = arith.constant 625 : i32
    %mul3A_94 = arith.muli %arg1, %mul3A_93 : i32
    "tpu.region"() ({
      %run_scoped3A = tpu.sem_alloc : memref<!tpu.dma_semaphore, #tpu.memory_space<semaphore_mem>>
      %dma_start3A_99 = arith.constant 0 : i32
      %dma_start3A_100 = tpu.memref_slice %arg6[%arg0, %mul3A_94, %dma_start3A_99] : memref<2x10000x128xf32, #tpu.memory_space<hbm>> -> memref<1x625x128xf32, #tpu.memory_space<hbm>>
      %dma_start3A_101 = tpu.memref_squeeze %dma_start3A_100 : memref<1x625x128xf32, #tpu.memory_space<hbm>> -> memref<625x128xf32, #tpu.memory_space<hbm>>
      %dma_start3A_102 = arith.constant 0 : i32
      %dma_start3A_103 = tpu.memref_slice %arg14[%mul3A_92, %dma_start3A_102] : memref<10000x128xf32, #tpu.memory_space<vmem_shared>> -> memref<625x128xf32, #tpu.memory_space<vmem_shared>>
      tpu.enqueue_dma source(%dma_start3A_103 : memref<625x128xf32, #tpu.memory_space<vmem_shared>>) target(%dma_start3A_101 : memref<625x128xf32, #tpu.memory_space<hbm>>) target_semaphore(%run_scoped3A : memref<!tpu.dma_semaphore, #tpu.memory_space<semaphore_mem>>)
      %dma_wait3A_104 = arith.constant 0 : i32
      %dma_wait3A_105 = tpu.memref_slice %arg6[%arg0, %mul3A_94, %dma_wait3A_104] : memref<2x10000x128xf32, #tpu.memory_space<hbm>> -> memref<1x625x128xf32, #tpu.memory_space<hbm>>
      %dma_wait3A_106 = tpu.memref_squeeze %dma_wait3A_105 : memref<1x625x128xf32, #tpu.memory_space<hbm>> -> memref<625x128xf32, #tpu.memory_space<hbm>>
      %dma_wait3A_107 = arith.constant 0 : i32
      %dma_wait3A_108 = tpu.memref_slice %arg14[%mul3A_92, %dma_wait3A_107] : memref<10000x128xf32, #tpu.memory_space<vmem_shared>> -> memref<625x128xf32, #tpu.memory_space<vmem_shared>>
      tpu.wait_dma2 semaphore(%run_scoped3A : memref<!tpu.dma_semaphore, #tpu.memory_space<semaphore_mem>>) src(%dma_wait3A_108 : memref<625x128xf32, #tpu.memory_space<vmem_shared>>) dst(%dma_wait3A_106 : memref<625x128xf32, #tpu.memory_space<hbm>>)
      tpu.yield
    }) : () -> ()
    %mul3A_95 = arith.constant 625 : i32
    %mul3A_96 = arith.muli %arg1, %mul3A_95 : i32
    %mul3A_97 = arith.constant 625 : i32
    %mul3A_98 = arith.muli %arg1, %mul3A_97 : i32
    "tpu.region"() ({
      %run_scoped3A = tpu.sem_alloc : memref<!tpu.dma_semaphore, #tpu.memory_space<semaphore_mem>>
      %dma_start3A_99 = arith.constant 0 : i32
      %dma_start3A_100 = tpu.memref_slice %arg7[%arg0, %mul3A_98, %dma_start3A_99] : memref<2x10000x16xf32, #tpu.memory_space<hbm>> -> memref<1x625x16xf32, #tpu.memory_space<hbm>>
      %dma_start3A_101 = tpu.memref_squeeze %dma_start3A_100 : memref<1x625x16xf32, #tpu.memory_space<hbm>> -> memref<625x16xf32, #tpu.memory_space<hbm>>
      %dma_start3A_102 = arith.constant 0 : i32
      %dma_start3A_103 = tpu.memref_slice %arg15[%mul3A_96, %dma_start3A_102] : memref<10000x16xf32, #tpu.memory_space<vmem_shared>> -> memref<625x16xf32, #tpu.memory_space<vmem_shared>>
      tpu.enqueue_dma source(%dma_start3A_103 : memref<625x16xf32, #tpu.memory_space<vmem_shared>>) target(%dma_start3A_101 : memref<625x16xf32, #tpu.memory_space<hbm>>) target_semaphore(%run_scoped3A : memref<!tpu.dma_semaphore, #tpu.memory_space<semaphore_mem>>)
      %dma_wait3A_104 = arith.constant 0 : i32
      %dma_wait3A_105 = tpu.memref_slice %arg7[%arg0, %mul3A_98, %dma_wait3A_104] : memref<2x10000x16xf32, #tpu.memory_space<hbm>> -> memref<1x625x16xf32, #tpu.memory_space<hbm>>
      %dma_wait3A_106 = tpu.memref_squeeze %dma_wait3A_105 : memref<1x625x16xf32, #tpu.memory_space<hbm>> -> memref<625x16xf32, #tpu.memory_space<hbm>>
      %dma_wait3A_107 = arith.constant 0 : i32
      %dma_wait3A_108 = tpu.memref_slice %arg15[%mul3A_96, %dma_wait3A_107] : memref<10000x16xf32, #tpu.memory_space<vmem_shared>> -> memref<625x16xf32, #tpu.memory_space<vmem_shared>>
      tpu.wait_dma2 semaphore(%run_scoped3A : memref<!tpu.dma_semaphore, #tpu.memory_space<semaphore_mem>>) src(%dma_wait3A_108 : memref<625x16xf32, #tpu.memory_space<vmem_shared>>) dst(%dma_wait3A_106 : memref<625x16xf32, #tpu.memory_space<hbm>>)
      tpu.yield
    }) : () -> ()
    return
  }
}

#map = affine_map<(d0, d1) -> (0, 0)>
#map1 = affine_map<(d0, d1) -> (0, 0, 0)>
module attributes {stable_mosaic.version = 14 : i64} {
  func.func @body(%arg0: i32, %arg1: i32, %arg2: memref<10000x128xf32, #tpu.memory_space<hbm>>, %arg3: memref<32x125x80xi32, #tpu.memory_space<hbm>>, %arg4: memref<32x125x80xi32, #tpu.memory_space<hbm>>, %arg5: memref<10000x128xf32, #tpu.memory_space<hbm>>, %arg6: memref<2x10000x128xf32, #tpu.memory_space<hbm>>, %arg7: memref<125x80xi32, #tpu.memory_space<vmem>>, %arg8: memref<80xi32, #tpu.memory_space<vmem>>, %arg9: memref<80xi32, #tpu.memory_space<vmem>>, %arg10: memref<80x128xf32, #tpu.memory_space<vmem>>, %arg11: memref<80x128xf32, #tpu.memory_space<vmem>>, %arg12: memref<10000x128xf32, #tpu.memory_space<vmem_shared>>, %arg13: memref<!tpu.dma_semaphore, #tpu.memory_space<semaphore_mem>>, %arg14: memref<!tpu.dma_semaphore, #tpu.memory_space<semaphore_mem>>, %arg15: memref<!tpu.dma_semaphore, #tpu.memory_space<semaphore_mem>>) attributes {dimension_semantics = [#tpu.dimension_semantics<core_parallel>, #tpu.dimension_semantics<subcore_parallel>], iteration_bounds = array<i64: 2, 16>, scalar_prefetch = 0 : i64, scratch_operands = 9 : i64, tpu.core_type = #tpu.core_type<sc_vector_subcore>, window_params = [{transform_indices = #map}, {transform_indices = #map1}, {transform_indices = #map1}, {transform_indices = #map}, {transform_indices = #map1}]} {
    %mul3A = arith.constant 2 : i32
    %mul3A_0 = arith.muli %arg1, %mul3A : i32
    %add3A = arith.addi %mul3A_0, %arg0 : i32
    %mul3A_1 = arith.constant 625 : i32
    %mul3A_2 = arith.muli %arg1, %mul3A_1 : i32
    %mul3A_3 = arith.constant 625 : i32
    %mul3A_4 = arith.muli %arg1, %mul3A_3 : i32
    "tpu.region"() ({
      %run_scoped3A = tpu.sem_alloc : memref<!tpu.dma_semaphore, #tpu.memory_space<semaphore_mem>>
      %dma_start3A_71 = arith.constant 0 : i32
      %dma_start3A_72 = tpu.memref_slice %arg12[%mul3A_4, %dma_start3A_71] : memref<10000x128xf32, #tpu.memory_space<vmem_shared>> -> memref<625x128xf32, #tpu.memory_space<vmem_shared>>
      %dma_start3A_73 = arith.constant 0 : i32
      %dma_start3A_74 = tpu.memref_slice %arg5[%mul3A_2, %dma_start3A_73] : memref<10000x128xf32, #tpu.memory_space<hbm>> -> memref<625x128xf32, #tpu.memory_space<hbm>>
      tpu.enqueue_dma source(%dma_start3A_74 : memref<625x128xf32, #tpu.memory_space<hbm>>) target(%dma_start3A_72 : memref<625x128xf32, #tpu.memory_space<vmem_shared>>) target_semaphore(%run_scoped3A : memref<!tpu.dma_semaphore, #tpu.memory_space<semaphore_mem>>)
      %dma_wait3A_75 = arith.constant 0 : i32
      %dma_wait3A_76 = tpu.memref_slice %arg12[%mul3A_4, %dma_wait3A_75] : memref<10000x128xf32, #tpu.memory_space<vmem_shared>> -> memref<625x128xf32, #tpu.memory_space<vmem_shared>>
      %dma_wait3A_77 = arith.constant 0 : i32
      %dma_wait3A_78 = tpu.memref_slice %arg5[%mul3A_2, %dma_wait3A_77] : memref<10000x128xf32, #tpu.memory_space<hbm>> -> memref<625x128xf32, #tpu.memory_space<hbm>>
      tpu.wait_dma2 semaphore(%run_scoped3A : memref<!tpu.dma_semaphore, #tpu.memory_space<semaphore_mem>>) src(%dma_wait3A_78 : memref<625x128xf32, #tpu.memory_space<hbm>>) dst(%dma_wait3A_76 : memref<625x128xf32, #tpu.memory_space<vmem_shared>>)
      tpu.yield
    }) : () -> ()
    "tpu.region"() ({
      %run_scoped3A = tpu.sem_alloc : memref<!tpu.dma_semaphore, #tpu.memory_space<semaphore_mem>>
      %dma_start3A_71 = arith.constant 0 : i32
      %dma_start3A_72 = arith.constant 0 : i32
      %dma_start3A_73 = tpu.memref_slice %arg4[%add3A, %dma_start3A_71, %dma_start3A_72] : memref<32x125x80xi32, #tpu.memory_space<hbm>> -> memref<1x125x80xi32, #tpu.memory_space<hbm>>
      %dma_start3A_74 = tpu.memref_squeeze %dma_start3A_73 : memref<1x125x80xi32, #tpu.memory_space<hbm>> -> memref<125x80xi32, #tpu.memory_space<hbm>>
      %dma_start3A_75 = arith.constant 0 : i32
      %dma_start3A_76 = arith.constant 0 : i32
      %dma_start3A_77 = tpu.memref_slice %arg4[%add3A, %dma_start3A_75, %dma_start3A_76] : memref<32x125x80xi32, #tpu.memory_space<hbm>> -> memref<1x125x80xi32, #tpu.memory_space<hbm>>
      %dma_start3A_78 = tpu.memref_squeeze %dma_start3A_77 : memref<1x125x80xi32, #tpu.memory_space<hbm>> -> memref<125x80xi32, #tpu.memory_space<hbm>>
      tpu.enqueue_dma source(%dma_start3A_78 : memref<125x80xi32, #tpu.memory_space<hbm>>) target(%arg7 : memref<125x80xi32, #tpu.memory_space<vmem>>) target_semaphore(%run_scoped3A : memref<!tpu.dma_semaphore, #tpu.memory_space<semaphore_mem>>)
      %dma_wait3A_79 = arith.constant 0 : i32
      %dma_wait3A_80 = arith.constant 0 : i32
      %dma_wait3A_81 = tpu.memref_slice %arg4[%add3A, %dma_wait3A_79, %dma_wait3A_80] : memref<32x125x80xi32, #tpu.memory_space<hbm>> -> memref<1x125x80xi32, #tpu.memory_space<hbm>>
      %dma_wait3A_82 = tpu.memref_squeeze %dma_wait3A_81 : memref<1x125x80xi32, #tpu.memory_space<hbm>> -> memref<125x80xi32, #tpu.memory_space<hbm>>
      %dma_wait3A_83 = arith.constant 0 : i32
      %dma_wait3A_84 = arith.constant 0 : i32
      %dma_wait3A_85 = tpu.memref_slice %arg4[%add3A, %dma_wait3A_83, %dma_wait3A_84] : memref<32x125x80xi32, #tpu.memory_space<hbm>> -> memref<1x125x80xi32, #tpu.memory_space<hbm>>
      %dma_wait3A_86 = tpu.memref_squeeze %dma_wait3A_85 : memref<1x125x80xi32, #tpu.memory_space<hbm>> -> memref<125x80xi32, #tpu.memory_space<hbm>>
      tpu.wait_dma2 semaphore(%run_scoped3A : memref<!tpu.dma_semaphore, #tpu.memory_space<semaphore_mem>>) src(%dma_wait3A_86 : memref<125x80xi32, #tpu.memory_space<hbm>>) dst(%arg7 : memref<125x80xi32, #tpu.memory_space<vmem>>)
      tpu.yield
    }) : () -> ()
    %dma_start3A = arith.constant 0 : i32
    %dma_start3A_5 = arith.constant 0 : i32
    %dma_start3A_6 = tpu.memref_slice %arg3[%add3A, %dma_start3A, %dma_start3A_5] : memref<32x125x80xi32, #tpu.memory_space<hbm>> -> memref<1x1x80xi32, #tpu.memory_space<hbm>>
    %dma_start3A_7 = tpu.memref_squeeze %dma_start3A_6 : memref<1x1x80xi32, #tpu.memory_space<hbm>> -> memref<80xi32, #tpu.memory_space<hbm>>
    %dma_start3A_8 = arith.constant 0 : i32
    %dma_start3A_9 = tpu.memref_slice %arg3[%add3A, %dma_start3A, %dma_start3A_8] : memref<32x125x80xi32, #tpu.memory_space<hbm>> -> memref<1x1x80xi32, #tpu.memory_space<hbm>>
    %dma_start3A_10 = tpu.memref_squeeze %dma_start3A_9 : memref<1x1x80xi32, #tpu.memory_space<hbm>> -> memref<80xi32, #tpu.memory_space<hbm>>
    tpu.enqueue_dma source(%dma_start3A_10 : memref<80xi32, #tpu.memory_space<hbm>>) target(%arg8 : memref<80xi32, #tpu.memory_space<vmem>>) target_semaphore(%arg13 : memref<!tpu.dma_semaphore, #tpu.memory_space<semaphore_mem>>)
    %dma_wait3A = arith.constant 0 : i32
    %dma_wait3A_11 = arith.constant 0 : i32
    %dma_wait3A_12 = tpu.memref_slice %arg3[%add3A, %dma_wait3A, %dma_wait3A_11] : memref<32x125x80xi32, #tpu.memory_space<hbm>> -> memref<1x1x80xi32, #tpu.memory_space<hbm>>
    %dma_wait3A_13 = tpu.memref_squeeze %dma_wait3A_12 : memref<1x1x80xi32, #tpu.memory_space<hbm>> -> memref<80xi32, #tpu.memory_space<hbm>>
    %dma_wait3A_14 = arith.constant 0 : i32
    %dma_wait3A_15 = tpu.memref_slice %arg3[%add3A, %dma_wait3A, %dma_wait3A_14] : memref<32x125x80xi32, #tpu.memory_space<hbm>> -> memref<1x1x80xi32, #tpu.memory_space<hbm>>
    %dma_wait3A_16 = tpu.memref_squeeze %dma_wait3A_15 : memref<1x1x80xi32, #tpu.memory_space<hbm>> -> memref<80xi32, #tpu.memory_space<hbm>>
    tpu.wait_dma2 semaphore(%arg13 : memref<!tpu.dma_semaphore, #tpu.memory_space<semaphore_mem>>) src(%dma_wait3A_16 : memref<80xi32, #tpu.memory_space<hbm>>) dst(%arg8 : memref<80xi32, #tpu.memory_space<vmem>>)
    %dma_start3A_17 = arith.constant 0 : i32
    %dma_start3A_18 = arith.constant 0 : i32
    %dma_start3A_19 = tpu.memref_slice %arg2[%dma_start3A_17, %dma_start3A_18] : memref<10000x128xf32, #tpu.memory_space<hbm>> -> memref<10000x128xf32, #tpu.memory_space<hbm>>
    tpu.enqueue_indirect_dma source(%dma_start3A_19 : memref<10000x128xf32, #tpu.memory_space<hbm>>) target(%arg10 : memref<80x128xf32, #tpu.memory_space<vmem>>) offsets(%arg8 : memref<80xi32, #tpu.memory_space<vmem>>) semaphore(%arg14 : memref<!tpu.dma_semaphore, #tpu.memory_space<semaphore_mem>>)
    %dma_start3A_20 = arith.constant 1 : i32
    %dma_start3A_21 = arith.constant 0 : i32
    %dma_start3A_22 = tpu.memref_slice %arg3[%add3A, %dma_start3A_20, %dma_start3A_21] : memref<32x125x80xi32, #tpu.memory_space<hbm>> -> memref<1x1x80xi32, #tpu.memory_space<hbm>>
    %dma_start3A_23 = tpu.memref_squeeze %dma_start3A_22 : memref<1x1x80xi32, #tpu.memory_space<hbm>> -> memref<80xi32, #tpu.memory_space<hbm>>
    %dma_start3A_24 = arith.constant 0 : i32
    %dma_start3A_25 = tpu.memref_slice %arg3[%add3A, %dma_start3A_20, %dma_start3A_24] : memref<32x125x80xi32, #tpu.memory_space<hbm>> -> memref<1x1x80xi32, #tpu.memory_space<hbm>>
    %dma_start3A_26 = tpu.memref_squeeze %dma_start3A_25 : memref<1x1x80xi32, #tpu.memory_space<hbm>> -> memref<80xi32, #tpu.memory_space<hbm>>
    tpu.enqueue_dma source(%dma_start3A_26 : memref<80xi32, #tpu.memory_space<hbm>>) target(%arg9 : memref<80xi32, #tpu.memory_space<vmem>>) target_semaphore(%arg13 : memref<!tpu.dma_semaphore, #tpu.memory_space<semaphore_mem>>)
    %barrier3A = arith.constant 0 : index
    tpu.barrier barrier_id(%barrier3A)
    %dma_wait3A_27 = arith.constant 0 : i32
    %dma_wait3A_28 = arith.constant 0 : i32
    %dma_wait3A_29 = tpu.memref_slice %arg2[%dma_wait3A_27, %dma_wait3A_28] : memref<10000x128xf32, #tpu.memory_space<hbm>> -> memref<10000x128xf32, #tpu.memory_space<hbm>>
    tpu.wait_indirect_dma semaphore(%arg14 : memref<!tpu.dma_semaphore, #tpu.memory_space<semaphore_mem>>) src(%dma_wait3A_29 : memref<10000x128xf32, #tpu.memory_space<hbm>>) dst(%arg10 : memref<80x128xf32, #tpu.memory_space<vmem>>)
    %dma_wait3A_30 = arith.constant 1 : i32
    %dma_wait3A_31 = arith.constant 0 : i32
    %dma_wait3A_32 = tpu.memref_slice %arg3[%add3A, %dma_wait3A_30, %dma_wait3A_31] : memref<32x125x80xi32, #tpu.memory_space<hbm>> -> memref<1x1x80xi32, #tpu.memory_space<hbm>>
    %dma_wait3A_33 = tpu.memref_squeeze %dma_wait3A_32 : memref<1x1x80xi32, #tpu.memory_space<hbm>> -> memref<80xi32, #tpu.memory_space<hbm>>
    %dma_wait3A_34 = arith.constant 0 : i32
    %dma_wait3A_35 = tpu.memref_slice %arg3[%add3A, %dma_wait3A_30, %dma_wait3A_34] : memref<32x125x80xi32, #tpu.memory_space<hbm>> -> memref<1x1x80xi32, #tpu.memory_space<hbm>>
    %dma_wait3A_36 = tpu.memref_squeeze %dma_wait3A_35 : memref<1x1x80xi32, #tpu.memory_space<hbm>> -> memref<80xi32, #tpu.memory_space<hbm>>
    tpu.wait_dma2 semaphore(%arg13 : memref<!tpu.dma_semaphore, #tpu.memory_space<semaphore_mem>>) src(%dma_wait3A_36 : memref<80xi32, #tpu.memory_space<hbm>>) dst(%arg9 : memref<80xi32, #tpu.memory_space<vmem>>)
    %dma_start3A_37 = arith.constant 0 : i32
    %dma_start3A_38 = arith.constant 0 : i32
    %dma_start3A_39 = tpu.memref_slice %arg2[%dma_start3A_37, %dma_start3A_38] : memref<10000x128xf32, #tpu.memory_space<hbm>> -> memref<10000x128xf32, #tpu.memory_space<hbm>>
    tpu.enqueue_indirect_dma source(%dma_start3A_39 : memref<10000x128xf32, #tpu.memory_space<hbm>>) target(%arg11 : memref<80x128xf32, #tpu.memory_space<vmem>>) offsets(%arg9 : memref<80xi32, #tpu.memory_space<vmem>>) semaphore(%arg14 : memref<!tpu.dma_semaphore, #tpu.memory_space<semaphore_mem>>)
    %dma_start3A_40 = arith.constant 2 : i32
    %dma_start3A_41 = arith.constant 0 : i32
    %dma_start3A_42 = tpu.memref_slice %arg3[%add3A, %dma_start3A_40, %dma_start3A_41] : memref<32x125x80xi32, #tpu.memory_space<hbm>> -> memref<1x1x80xi32, #tpu.memory_space<hbm>>
    %dma_start3A_43 = tpu.memref_squeeze %dma_start3A_42 : memref<1x1x80xi32, #tpu.memory_space<hbm>> -> memref<80xi32, #tpu.memory_space<hbm>>
    %dma_start3A_44 = arith.constant 0 : i32
    %dma_start3A_45 = tpu.memref_slice %arg3[%add3A, %dma_start3A_40, %dma_start3A_44] : memref<32x125x80xi32, #tpu.memory_space<hbm>> -> memref<1x1x80xi32, #tpu.memory_space<hbm>>
    %dma_start3A_46 = tpu.memref_squeeze %dma_start3A_45 : memref<1x1x80xi32, #tpu.memory_space<hbm>> -> memref<80xi32, #tpu.memory_space<hbm>>
    tpu.enqueue_dma source(%dma_start3A_46 : memref<80xi32, #tpu.memory_space<hbm>>) target(%arg8 : memref<80xi32, #tpu.memory_space<vmem>>) target_semaphore(%arg13 : memref<!tpu.dma_semaphore, #tpu.memory_space<semaphore_mem>>)
    %dma_start3A_47 = arith.constant 0 : i32
    %dma_start3A_48 = arith.constant 0 : i32
    %dma_start3A_49 = tpu.memref_slice %arg7[%dma_start3A_47, %dma_start3A_48] : memref<125x80xi32, #tpu.memory_space<vmem>> -> memref<1x80xi32, #tpu.memory_space<vmem>>
    %dma_start3A_50 = tpu.memref_squeeze %dma_start3A_49 : memref<1x80xi32, #tpu.memory_space<vmem>> -> memref<80xi32, #tpu.memory_space<vmem>>
    %dma_start3A_51 = arith.constant 0 : i32
    %dma_start3A_52 = arith.constant 0 : i32
    %dma_start3A_53 = tpu.memref_slice %arg12[%dma_start3A_51, %dma_start3A_52] : memref<10000x128xf32, #tpu.memory_space<vmem_shared>> -> memref<10000x128xf32, #tpu.memory_space<vmem_shared>>
    tpu.enqueue_indirect_dma source(%arg10 : memref<80x128xf32, #tpu.memory_space<vmem>>) target(%dma_start3A_53 : memref<10000x128xf32, #tpu.memory_space<vmem_shared>>) offsets(%dma_start3A_50 : memref<80xi32, #tpu.memory_space<vmem>>) semaphore(%arg15 : memref<!tpu.dma_semaphore, #tpu.memory_space<semaphore_mem>>) {add = true}
    %scan3A = arith.constant 0 : i32
    %scan3A_54 = arith.constant 0 : i32
    %scan3A_55 = arith.constant 62 : i32
    %scan3A_56 = arith.addi %scan3A_54, %scan3A_55 : i32
    %scan3A_57 = arith.constant 1 : i32
    scf.for %scan3A_71 = %scan3A_54 to %scan3A_56 step %scan3A_57  : i32 {
      %mul3A_72 = arith.constant 2 : i32
      %mul3A_73 = arith.muli %mul3A_72, %scan3A_71 : i32
      %add3A_74 = arith.constant 1 : i32
      %add3A_75 = arith.addi %mul3A_73, %add3A_74 : i32
      %dma_wait3A_76 = arith.constant 0 : i32
      %dma_wait3A_77 = arith.constant 0 : i32
      %dma_wait3A_78 = tpu.memref_slice %arg2[%dma_wait3A_76, %dma_wait3A_77] : memref<10000x128xf32, #tpu.memory_space<hbm>> -> memref<10000x128xf32, #tpu.memory_space<hbm>>
      tpu.wait_indirect_dma semaphore(%arg14 : memref<!tpu.dma_semaphore, #tpu.memory_space<semaphore_mem>>) src(%dma_wait3A_78 : memref<10000x128xf32, #tpu.memory_space<hbm>>) dst(%arg11 : memref<80x128xf32, #tpu.memory_space<vmem>>)
      %ge3A = arith.constant 1 : i32
      %ge3A_79 = arith.cmpi sge, %add3A_75, %ge3A : i32
      %convert_element_type3A = arith.extui %ge3A_79 : i1 to i32
      %cond3A = arith.constant 0 : i32
      %cond3A_80 = arith.cmpi ne, %convert_element_type3A, %cond3A : i32
      scf.if %cond3A_80 {
        %sub3A = arith.constant 1 : i32
        %sub3A_124 = arith.subi %add3A_75, %sub3A : i32
        %dma_wait3A_125 = arith.constant 0 : i32
        %dma_wait3A_126 = tpu.memref_slice %arg7[%sub3A_124, %dma_wait3A_125] : memref<125x80xi32, #tpu.memory_space<vmem>> -> memref<1x80xi32, #tpu.memory_space<vmem>>
        %dma_wait3A_127 = tpu.memref_squeeze %dma_wait3A_126 : memref<1x80xi32, #tpu.memory_space<vmem>> -> memref<80xi32, #tpu.memory_space<vmem>>
        %dma_wait3A_128 = arith.constant 0 : i32
        %dma_wait3A_129 = arith.constant 0 : i32
        %dma_wait3A_130 = tpu.memref_slice %arg12[%dma_wait3A_128, %dma_wait3A_129] : memref<10000x128xf32, #tpu.memory_space<vmem_shared>> -> memref<10000x128xf32, #tpu.memory_space<vmem_shared>>
        tpu.wait_indirect_dma semaphore(%arg15 : memref<!tpu.dma_semaphore, #tpu.memory_space<semaphore_mem>>) src(%arg10 : memref<80x128xf32, #tpu.memory_space<vmem>>) dst(%dma_wait3A_130 : memref<10000x128xf32, #tpu.memory_space<vmem_shared>>)
      } else {
      }
      %le3A = arith.constant 123 : i32
      %le3A_81 = arith.cmpi sle, %add3A_75, %le3A : i32
      %convert_element_type3A_82 = arith.extui %le3A_81 : i1 to i32
      %cond3A_83 = arith.constant 0 : i32
      %cond3A_84 = arith.cmpi ne, %convert_element_type3A_82, %cond3A_83 : i32
      scf.if %cond3A_84 {
        %add3A_124 = arith.constant 1 : i32
        %add3A_125 = arith.addi %add3A_75, %add3A_124 : i32
        %dma_wait3A_126 = arith.constant 0 : i32
        %dma_wait3A_127 = tpu.memref_slice %arg3[%add3A, %add3A_125, %dma_wait3A_126] : memref<32x125x80xi32, #tpu.memory_space<hbm>> -> memref<1x1x80xi32, #tpu.memory_space<hbm>>
        %dma_wait3A_128 = tpu.memref_squeeze %dma_wait3A_127 : memref<1x1x80xi32, #tpu.memory_space<hbm>> -> memref<80xi32, #tpu.memory_space<hbm>>
        %dma_wait3A_129 = arith.constant 0 : i32
        %dma_wait3A_130 = tpu.memref_slice %arg3[%add3A, %add3A_125, %dma_wait3A_129] : memref<32x125x80xi32, #tpu.memory_space<hbm>> -> memref<1x1x80xi32, #tpu.memory_space<hbm>>
        %dma_wait3A_131 = tpu.memref_squeeze %dma_wait3A_130 : memref<1x1x80xi32, #tpu.memory_space<hbm>> -> memref<80xi32, #tpu.memory_space<hbm>>
        tpu.wait_dma2 semaphore(%arg13 : memref<!tpu.dma_semaphore, #tpu.memory_space<semaphore_mem>>) src(%dma_wait3A_131 : memref<80xi32, #tpu.memory_space<hbm>>) dst(%arg8 : memref<80xi32, #tpu.memory_space<vmem>>)
        %add3A_132 = arith.constant 1 : i32
        %add3A_133 = arith.addi %add3A_75, %add3A_132 : i32
        %dma_start3A_134 = arith.constant 0 : i32
        %dma_start3A_135 = arith.constant 0 : i32
        %dma_start3A_136 = tpu.memref_slice %arg2[%dma_start3A_134, %dma_start3A_135] : memref<10000x128xf32, #tpu.memory_space<hbm>> -> memref<10000x128xf32, #tpu.memory_space<hbm>>
        tpu.enqueue_indirect_dma source(%dma_start3A_136 : memref<10000x128xf32, #tpu.memory_space<hbm>>) target(%arg10 : memref<80x128xf32, #tpu.memory_space<vmem>>) offsets(%arg8 : memref<80xi32, #tpu.memory_space<vmem>>) semaphore(%arg14 : memref<!tpu.dma_semaphore, #tpu.memory_space<semaphore_mem>>)
      } else {
      }
      %le3A_85 = arith.constant 122 : i32
      %le3A_86 = arith.cmpi sle, %add3A_75, %le3A_85 : i32
      %convert_element_type3A_87 = arith.extui %le3A_86 : i1 to i32
      %cond3A_88 = arith.constant 0 : i32
      %cond3A_89 = arith.cmpi ne, %convert_element_type3A_87, %cond3A_88 : i32
      scf.if %cond3A_89 {
        %add3A_124 = arith.constant 2 : i32
        %add3A_125 = arith.addi %add3A_75, %add3A_124 : i32
        %dma_start3A_126 = arith.constant 0 : i32
        %dma_start3A_127 = tpu.memref_slice %arg3[%add3A, %add3A_125, %dma_start3A_126] : memref<32x125x80xi32, #tpu.memory_space<hbm>> -> memref<1x1x80xi32, #tpu.memory_space<hbm>>
        %dma_start3A_128 = tpu.memref_squeeze %dma_start3A_127 : memref<1x1x80xi32, #tpu.memory_space<hbm>> -> memref<80xi32, #tpu.memory_space<hbm>>
        %dma_start3A_129 = arith.constant 0 : i32
        %dma_start3A_130 = tpu.memref_slice %arg3[%add3A, %add3A_125, %dma_start3A_129] : memref<32x125x80xi32, #tpu.memory_space<hbm>> -> memref<1x1x80xi32, #tpu.memory_space<hbm>>
        %dma_start3A_131 = tpu.memref_squeeze %dma_start3A_130 : memref<1x1x80xi32, #tpu.memory_space<hbm>> -> memref<80xi32, #tpu.memory_space<hbm>>
        tpu.enqueue_dma source(%dma_start3A_131 : memref<80xi32, #tpu.memory_space<hbm>>) target(%arg9 : memref<80xi32, #tpu.memory_space<vmem>>) target_semaphore(%arg13 : memref<!tpu.dma_semaphore, #tpu.memory_space<semaphore_mem>>)
      } else {
      }
      %dma_start3A_90 = arith.constant 0 : i32
      %dma_start3A_91 = tpu.memref_slice %arg7[%add3A_75, %dma_start3A_90] : memref<125x80xi32, #tpu.memory_space<vmem>> -> memref<1x80xi32, #tpu.memory_space<vmem>>
      %dma_start3A_92 = tpu.memref_squeeze %dma_start3A_91 : memref<1x80xi32, #tpu.memory_space<vmem>> -> memref<80xi32, #tpu.memory_space<vmem>>
      %dma_start3A_93 = arith.constant 0 : i32
      %dma_start3A_94 = arith.constant 0 : i32
      %dma_start3A_95 = tpu.memref_slice %arg12[%dma_start3A_93, %dma_start3A_94] : memref<10000x128xf32, #tpu.memory_space<vmem_shared>> -> memref<10000x128xf32, #tpu.memory_space<vmem_shared>>
      tpu.enqueue_indirect_dma source(%arg11 : memref<80x128xf32, #tpu.memory_space<vmem>>) target(%dma_start3A_95 : memref<10000x128xf32, #tpu.memory_space<vmem_shared>>) offsets(%dma_start3A_92 : memref<80xi32, #tpu.memory_space<vmem>>) semaphore(%arg15 : memref<!tpu.dma_semaphore, #tpu.memory_space<semaphore_mem>>) {add = true}
      %mul3A_96 = arith.constant 2 : i32
      %mul3A_97 = arith.muli %mul3A_96, %scan3A_71 : i32
      %add3A_98 = arith.constant 2 : i32
      %add3A_99 = arith.addi %mul3A_97, %add3A_98 : i32
      %dma_wait3A_100 = arith.constant 0 : i32
      %dma_wait3A_101 = arith.constant 0 : i32
      %dma_wait3A_102 = tpu.memref_slice %arg2[%dma_wait3A_100, %dma_wait3A_101] : memref<10000x128xf32, #tpu.memory_space<hbm>> -> memref<10000x128xf32, #tpu.memory_space<hbm>>
      tpu.wait_indirect_dma semaphore(%arg14 : memref<!tpu.dma_semaphore, #tpu.memory_space<semaphore_mem>>) src(%dma_wait3A_102 : memref<10000x128xf32, #tpu.memory_space<hbm>>) dst(%arg10 : memref<80x128xf32, #tpu.memory_space<vmem>>)
      %ge3A_103 = arith.constant 1 : i32
      %ge3A_104 = arith.cmpi sge, %add3A_99, %ge3A_103 : i32
      %convert_element_type3A_105 = arith.extui %ge3A_104 : i1 to i32
      %cond3A_106 = arith.constant 0 : i32
      %cond3A_107 = arith.cmpi ne, %convert_element_type3A_105, %cond3A_106 : i32
      scf.if %cond3A_107 {
        %sub3A = arith.constant 1 : i32
        %sub3A_124 = arith.subi %add3A_99, %sub3A : i32
        %dma_wait3A_125 = arith.constant 0 : i32
        %dma_wait3A_126 = tpu.memref_slice %arg7[%sub3A_124, %dma_wait3A_125] : memref<125x80xi32, #tpu.memory_space<vmem>> -> memref<1x80xi32, #tpu.memory_space<vmem>>
        %dma_wait3A_127 = tpu.memref_squeeze %dma_wait3A_126 : memref<1x80xi32, #tpu.memory_space<vmem>> -> memref<80xi32, #tpu.memory_space<vmem>>
        %dma_wait3A_128 = arith.constant 0 : i32
        %dma_wait3A_129 = arith.constant 0 : i32
        %dma_wait3A_130 = tpu.memref_slice %arg12[%dma_wait3A_128, %dma_wait3A_129] : memref<10000x128xf32, #tpu.memory_space<vmem_shared>> -> memref<10000x128xf32, #tpu.memory_space<vmem_shared>>
        tpu.wait_indirect_dma semaphore(%arg15 : memref<!tpu.dma_semaphore, #tpu.memory_space<semaphore_mem>>) src(%arg11 : memref<80x128xf32, #tpu.memory_space<vmem>>) dst(%dma_wait3A_130 : memref<10000x128xf32, #tpu.memory_space<vmem_shared>>)
      } else {
      }
      %le3A_108 = arith.constant 123 : i32
      %le3A_109 = arith.cmpi sle, %add3A_99, %le3A_108 : i32
      %convert_element_type3A_110 = arith.extui %le3A_109 : i1 to i32
      %cond3A_111 = arith.constant 0 : i32
      %cond3A_112 = arith.cmpi ne, %convert_element_type3A_110, %cond3A_111 : i32
      scf.if %cond3A_112 {
        %add3A_124 = arith.constant 1 : i32
        %add3A_125 = arith.addi %add3A_99, %add3A_124 : i32
        %dma_wait3A_126 = arith.constant 0 : i32
        %dma_wait3A_127 = tpu.memref_slice %arg3[%add3A, %add3A_125, %dma_wait3A_126] : memref<32x125x80xi32, #tpu.memory_space<hbm>> -> memref<1x1x80xi32, #tpu.memory_space<hbm>>
        %dma_wait3A_128 = tpu.memref_squeeze %dma_wait3A_127 : memref<1x1x80xi32, #tpu.memory_space<hbm>> -> memref<80xi32, #tpu.memory_space<hbm>>
        %dma_wait3A_129 = arith.constant 0 : i32
        %dma_wait3A_130 = tpu.memref_slice %arg3[%add3A, %add3A_125, %dma_wait3A_129] : memref<32x125x80xi32, #tpu.memory_space<hbm>> -> memref<1x1x80xi32, #tpu.memory_space<hbm>>
        %dma_wait3A_131 = tpu.memref_squeeze %dma_wait3A_130 : memref<1x1x80xi32, #tpu.memory_space<hbm>> -> memref<80xi32, #tpu.memory_space<hbm>>
        tpu.wait_dma2 semaphore(%arg13 : memref<!tpu.dma_semaphore, #tpu.memory_space<semaphore_mem>>) src(%dma_wait3A_131 : memref<80xi32, #tpu.memory_space<hbm>>) dst(%arg9 : memref<80xi32, #tpu.memory_space<vmem>>)
        %add3A_132 = arith.constant 1 : i32
        %add3A_133 = arith.addi %add3A_99, %add3A_132 : i32
        %dma_start3A_134 = arith.constant 0 : i32
        %dma_start3A_135 = arith.constant 0 : i32
        %dma_start3A_136 = tpu.memref_slice %arg2[%dma_start3A_134, %dma_start3A_135] : memref<10000x128xf32, #tpu.memory_space<hbm>> -> memref<10000x128xf32, #tpu.memory_space<hbm>>
        tpu.enqueue_indirect_dma source(%dma_start3A_136 : memref<10000x128xf32, #tpu.memory_space<hbm>>) target(%arg11 : memref<80x128xf32, #tpu.memory_space<vmem>>) offsets(%arg9 : memref<80xi32, #tpu.memory_space<vmem>>) semaphore(%arg14 : memref<!tpu.dma_semaphore, #tpu.memory_space<semaphore_mem>>)
      } else {
      }
      %le3A_113 = arith.constant 122 : i32
      %le3A_114 = arith.cmpi sle, %add3A_99, %le3A_113 : i32
      %convert_element_type3A_115 = arith.extui %le3A_114 : i1 to i32
      %cond3A_116 = arith.constant 0 : i32
      %cond3A_117 = arith.cmpi ne, %convert_element_type3A_115, %cond3A_116 : i32
      scf.if %cond3A_117 {
        %add3A_124 = arith.constant 2 : i32
        %add3A_125 = arith.addi %add3A_99, %add3A_124 : i32
        %dma_start3A_126 = arith.constant 0 : i32
        %dma_start3A_127 = tpu.memref_slice %arg3[%add3A, %add3A_125, %dma_start3A_126] : memref<32x125x80xi32, #tpu.memory_space<hbm>> -> memref<1x1x80xi32, #tpu.memory_space<hbm>>
        %dma_start3A_128 = tpu.memref_squeeze %dma_start3A_127 : memref<1x1x80xi32, #tpu.memory_space<hbm>> -> memref<80xi32, #tpu.memory_space<hbm>>
        %dma_start3A_129 = arith.constant 0 : i32
        %dma_start3A_130 = tpu.memref_slice %arg3[%add3A, %add3A_125, %dma_start3A_129] : memref<32x125x80xi32, #tpu.memory_space<hbm>> -> memref<1x1x80xi32, #tpu.memory_space<hbm>>
        %dma_start3A_131 = tpu.memref_squeeze %dma_start3A_130 : memref<1x1x80xi32, #tpu.memory_space<hbm>> -> memref<80xi32, #tpu.memory_space<hbm>>
        tpu.enqueue_dma source(%dma_start3A_131 : memref<80xi32, #tpu.memory_space<hbm>>) target(%arg8 : memref<80xi32, #tpu.memory_space<vmem>>) target_semaphore(%arg13 : memref<!tpu.dma_semaphore, #tpu.memory_space<semaphore_mem>>)
      } else {
      }
      %dma_start3A_118 = arith.constant 0 : i32
      %dma_start3A_119 = tpu.memref_slice %arg7[%add3A_99, %dma_start3A_118] : memref<125x80xi32, #tpu.memory_space<vmem>> -> memref<1x80xi32, #tpu.memory_space<vmem>>
      %dma_start3A_120 = tpu.memref_squeeze %dma_start3A_119 : memref<1x80xi32, #tpu.memory_space<vmem>> -> memref<80xi32, #tpu.memory_space<vmem>>
      %dma_start3A_121 = arith.constant 0 : i32
      %dma_start3A_122 = arith.constant 0 : i32
      %dma_start3A_123 = tpu.memref_slice %arg12[%dma_start3A_121, %dma_start3A_122] : memref<10000x128xf32, #tpu.memory_space<vmem_shared>> -> memref<10000x128xf32, #tpu.memory_space<vmem_shared>>
      tpu.enqueue_indirect_dma source(%arg10 : memref<80x128xf32, #tpu.memory_space<vmem>>) target(%dma_start3A_123 : memref<10000x128xf32, #tpu.memory_space<vmem_shared>>) offsets(%dma_start3A_120 : memref<80xi32, #tpu.memory_space<vmem>>) semaphore(%arg15 : memref<!tpu.dma_semaphore, #tpu.memory_space<semaphore_mem>>) {add = true}
    }
    %scan3A_58 = arith.constant 62 : i32
    %dma_wait3A_59 = arith.constant 124 : i32
    %dma_wait3A_60 = arith.constant 0 : i32
    %dma_wait3A_61 = tpu.memref_slice %arg7[%dma_wait3A_59, %dma_wait3A_60] : memref<125x80xi32, #tpu.memory_space<vmem>> -> memref<1x80xi32, #tpu.memory_space<vmem>>
    %dma_wait3A_62 = tpu.memref_squeeze %dma_wait3A_61 : memref<1x80xi32, #tpu.memory_space<vmem>> -> memref<80xi32, #tpu.memory_space<vmem>>
    %dma_wait3A_63 = arith.constant 0 : i32
    %dma_wait3A_64 = arith.constant 0 : i32
    %dma_wait3A_65 = tpu.memref_slice %arg12[%dma_wait3A_63, %dma_wait3A_64] : memref<10000x128xf32, #tpu.memory_space<vmem_shared>> -> memref<10000x128xf32, #tpu.memory_space<vmem_shared>>
    tpu.wait_indirect_dma semaphore(%arg15 : memref<!tpu.dma_semaphore, #tpu.memory_space<semaphore_mem>>) src(%arg10 : memref<80x128xf32, #tpu.memory_space<vmem>>) dst(%dma_wait3A_65 : memref<10000x128xf32, #tpu.memory_space<vmem_shared>>)
    %barrier3A_66 = arith.constant 0 : index
    tpu.barrier barrier_id(%barrier3A_66)
    %mul3A_67 = arith.constant 625 : i32
    %mul3A_68 = arith.muli %arg1, %mul3A_67 : i32
    %mul3A_69 = arith.constant 625 : i32
    %mul3A_70 = arith.muli %arg1, %mul3A_69 : i32
    "tpu.region"() ({
      %run_scoped3A = tpu.sem_alloc : memref<!tpu.dma_semaphore, #tpu.memory_space<semaphore_mem>>
      %dma_start3A_71 = arith.constant 0 : i32
      %dma_start3A_72 = tpu.memref_slice %arg6[%arg0, %mul3A_70, %dma_start3A_71] : memref<2x10000x128xf32, #tpu.memory_space<hbm>> -> memref<1x625x128xf32, #tpu.memory_space<hbm>>
      %dma_start3A_73 = tpu.memref_squeeze %dma_start3A_72 : memref<1x625x128xf32, #tpu.memory_space<hbm>> -> memref<625x128xf32, #tpu.memory_space<hbm>>
      %dma_start3A_74 = arith.constant 0 : i32
      %dma_start3A_75 = tpu.memref_slice %arg12[%mul3A_68, %dma_start3A_74] : memref<10000x128xf32, #tpu.memory_space<vmem_shared>> -> memref<625x128xf32, #tpu.memory_space<vmem_shared>>
      tpu.enqueue_dma source(%dma_start3A_75 : memref<625x128xf32, #tpu.memory_space<vmem_shared>>) target(%dma_start3A_73 : memref<625x128xf32, #tpu.memory_space<hbm>>) target_semaphore(%run_scoped3A : memref<!tpu.dma_semaphore, #tpu.memory_space<semaphore_mem>>)
      %dma_wait3A_76 = arith.constant 0 : i32
      %dma_wait3A_77 = tpu.memref_slice %arg6[%arg0, %mul3A_70, %dma_wait3A_76] : memref<2x10000x128xf32, #tpu.memory_space<hbm>> -> memref<1x625x128xf32, #tpu.memory_space<hbm>>
      %dma_wait3A_78 = tpu.memref_squeeze %dma_wait3A_77 : memref<1x625x128xf32, #tpu.memory_space<hbm>> -> memref<625x128xf32, #tpu.memory_space<hbm>>
      %dma_wait3A_79 = arith.constant 0 : i32
      %dma_wait3A_80 = tpu.memref_slice %arg12[%mul3A_68, %dma_wait3A_79] : memref<10000x128xf32, #tpu.memory_space<vmem_shared>> -> memref<625x128xf32, #tpu.memory_space<vmem_shared>>
      tpu.wait_dma2 semaphore(%run_scoped3A : memref<!tpu.dma_semaphore, #tpu.memory_space<semaphore_mem>>) src(%dma_wait3A_80 : memref<625x128xf32, #tpu.memory_space<vmem_shared>>) dst(%dma_wait3A_78 : memref<625x128xf32, #tpu.memory_space<hbm>>)
      tpu.yield
    }) : () -> ()
    return
  }
}

module attributes {stable_mosaic.version = 14 : i64} {
  func.func @_tc_dense_body(%arg0: memref<2x10000x128xf32, #tpu.memory_space<vmem>>, %arg1: memref<2x10000x16xf32, #tpu.memory_space<vmem>>, %arg2: memref<10000x128xf32, #tpu.memory_space<vmem>>, %arg3: memref<128x128xf32, #tpu.memory_space<vmem>>, %arg4: memref<128xf32, #tpu.memory_space<vmem>>, %arg5: memref<128x128xf32, #tpu.memory_space<vmem>>, %arg6: memref<128xf32, #tpu.memory_space<vmem>>, %arg7: memref<128xf32, #tpu.memory_space<vmem>>, %arg8: memref<10000x128xf32, #tpu.memory_space<vmem>>) attributes {dimension_semantics = [], scalar_prefetch = 0 : i64, scratch_operands = 0 : i64, tpu.core_type = #tpu.core_type<tc>} {
    %get3A = arith.constant 0 : index
    %get3A_0 = arith.constant 0 : index
    %get3A_1 = arith.constant 0 : index
    %get3A_2 = vector.load %arg0[%get3A, %get3A_0, %get3A_1] : memref<2x10000x128xf32, #tpu.memory_space<vmem>>, vector<1x10000x128xf32>
    %get3A_3 = vector.shape_cast %get3A_2 : vector<1x10000x128xf32> to vector<10000x128xf32>
    %get3A_4 = arith.constant 1 : index
    %get3A_5 = arith.constant 0 : index
    %get3A_6 = arith.constant 0 : index
    %get3A_7 = vector.load %arg0[%get3A_4, %get3A_5, %get3A_6] : memref<2x10000x128xf32, #tpu.memory_space<vmem>>, vector<1x10000x128xf32>
    %get3A_8 = vector.shape_cast %get3A_7 : vector<1x10000x128xf32> to vector<10000x128xf32>
    %add3A = arith.addf %get3A_3, %get3A_8 : vector<10000x128xf32>
    %get3A_9 = arith.constant 0 : index
    %get3A_10 = arith.constant 0 : index
    %get3A_11 = arith.constant 0 : index
    %get3A_12 = vector.load %arg1[%get3A_9, %get3A_10, %get3A_11] : memref<2x10000x16xf32, #tpu.memory_space<vmem>>, vector<1x10000x1xf32>
    %get3A_13 = vector.shape_cast %get3A_12 : vector<1x10000x1xf32> to vector<10000x1xf32>
    %get3A_14 = arith.constant 1 : index
    %get3A_15 = arith.constant 0 : index
    %get3A_16 = arith.constant 0 : index
    %get3A_17 = vector.load %arg1[%get3A_14, %get3A_15, %get3A_16] : memref<2x10000x16xf32, #tpu.memory_space<vmem>>, vector<1x10000x1xf32>
    %get3A_18 = vector.shape_cast %get3A_17 : vector<1x10000x1xf32> to vector<10000x1xf32>
    %add3A_19 = arith.addf %get3A_13, %get3A_18 : vector<10000x1xf32>
    %max3A = arith.constant 1.000000e+00 : f32
    %max3A_20 = vector.broadcast %max3A : f32 to vector<10000x1xf32>
    %max3A_21 = arith.maximumf %add3A_19, %max3A_20 : vector<10000x1xf32>
    %div3A = vector.broadcast %max3A_21 : vector<10000x1xf32> to vector<10000x128xf32>
    %div3A_22 = arith.divf %add3A, %div3A : vector<10000x128xf32>
    %get3A_23 = arith.constant 0 : index
    %get3A_24 = arith.constant 0 : index
    %get3A_25 = vector.load %arg3[%get3A_23, %get3A_24] : memref<128x128xf32, #tpu.memory_space<vmem>>, vector<128x128xf32>
    %dot_general3A = arith.constant dense<0.000000e+00> : vector<10000x128xf32>
    %dot_general3A_26 = tpu.matmul %div3A_22, %get3A_25, %dot_general3A {dimension_numbers = #tpu.dot_dimension_numbers<[1], [1], [0], [0], [0, 0, 1, 0], [], []>, transpose_lhs_hint = false} : vector<10000x128xf32>, vector<128x128xf32>, vector<10000x128xf32> -> vector<10000x128xf32>
    %get3A_27 = arith.constant 0 : index
    %get3A_28 = vector.load %arg4[%get3A_27] : memref<128xf32, #tpu.memory_space<vmem>>, vector<128xf32>
    %broadcast_in_dim3A = vector.shape_cast %get3A_28 : vector<128xf32> to vector<1x128xf32>
    %add3A_29 = vector.broadcast %broadcast_in_dim3A : vector<1x128xf32> to vector<10000x128xf32>
    %add3A_30 = arith.addf %dot_general3A_26, %add3A_29 : vector<10000x128xf32>
    %get3A_31 = arith.constant 0 : index
    %get3A_32 = arith.constant 0 : index
    %get3A_33 = vector.load %arg2[%get3A_31, %get3A_32] : memref<10000x128xf32, #tpu.memory_space<vmem>>, vector<10000x128xf32>
    %get3A_34 = arith.constant 0 : index
    %get3A_35 = arith.constant 0 : index
    %get3A_36 = vector.load %arg5[%get3A_34, %get3A_35] : memref<128x128xf32, #tpu.memory_space<vmem>>, vector<128x128xf32>
    %dot_general3A_37 = arith.constant dense<0.000000e+00> : vector<10000x128xf32>
    %dot_general3A_38 = tpu.matmul %get3A_33, %get3A_36, %dot_general3A_37 {dimension_numbers = #tpu.dot_dimension_numbers<[1], [1], [0], [0], [0, 0, 1, 0], [], []>, transpose_lhs_hint = false} : vector<10000x128xf32>, vector<128x128xf32>, vector<10000x128xf32> -> vector<10000x128xf32>
    %add3A_39 = arith.addf %add3A_30, %dot_general3A_38 : vector<10000x128xf32>
    %reduce_sum3A = arith.constant dense<0.000000e+00> : vector<128xf32>
    %reduce_sum3A_40 = vector.multi_reduction <add>, %add3A_39, %reduce_sum3A [0] : vector<10000x128xf32> to vector<128xf32>
    %broadcast_in_dim3A_41 = vector.shape_cast %reduce_sum3A_40 : vector<128xf32> to vector<1x128xf32>
    %div3A_42 = arith.constant 1.000000e+04 : f32
    %div3A_43 = vector.broadcast %div3A_42 : f32 to vector<1x128xf32>
    %div3A_44 = arith.divf %broadcast_in_dim3A_41, %div3A_43 : vector<1x128xf32>
    %sub3A = vector.broadcast %div3A_44 : vector<1x128xf32> to vector<10000x128xf32>
    %sub3A_45 = arith.subf %add3A_39, %sub3A : vector<10000x128xf32>
    %sub3A_46 = vector.broadcast %div3A_44 : vector<1x128xf32> to vector<10000x128xf32>
    %sub3A_47 = arith.subf %add3A_39, %sub3A_46 : vector<10000x128xf32>
    %mul3A = arith.mulf %sub3A_45, %sub3A_47 : vector<10000x128xf32>
    %reduce_sum3A_48 = arith.constant dense<0.000000e+00> : vector<128xf32>
    %reduce_sum3A_49 = vector.multi_reduction <add>, %mul3A, %reduce_sum3A_48 [0] : vector<10000x128xf32> to vector<128xf32>
    %broadcast_in_dim3A_50 = vector.shape_cast %reduce_sum3A_49 : vector<128xf32> to vector<1x128xf32>
    %div3A_51 = arith.constant 1.000000e+04 : f32
    %div3A_52 = vector.broadcast %div3A_51 : f32 to vector<1x128xf32>
    %div3A_53 = arith.divf %broadcast_in_dim3A_50, %div3A_52 : vector<1x128xf32>
    %sub3A_54 = vector.broadcast %div3A_44 : vector<1x128xf32> to vector<10000x128xf32>
    %sub3A_55 = arith.subf %add3A_39, %sub3A_54 : vector<10000x128xf32>
    %add3A_56 = arith.constant 9.99999974E-6 : f32
    %add3A_57 = vector.broadcast %add3A_56 : f32 to vector<1x128xf32>
    %add3A_58 = arith.addf %div3A_53, %add3A_57 : vector<1x128xf32>
    %rsqrt3A = math.rsqrt %add3A_58 : vector<1x128xf32>
    %mul3A_59 = vector.broadcast %rsqrt3A : vector<1x128xf32> to vector<10000x128xf32>
    %mul3A_60 = arith.mulf %sub3A_55, %mul3A_59 : vector<10000x128xf32>
    %get3A_61 = arith.constant 0 : index
    %get3A_62 = vector.load %arg6[%get3A_61] : memref<128xf32, #tpu.memory_space<vmem>>, vector<128xf32>
    %broadcast_in_dim3A_63 = vector.shape_cast %get3A_62 : vector<128xf32> to vector<1x128xf32>
    %mul3A_64 = vector.broadcast %broadcast_in_dim3A_63 : vector<1x128xf32> to vector<10000x128xf32>
    %mul3A_65 = arith.mulf %mul3A_60, %mul3A_64 : vector<10000x128xf32>
    %get3A_66 = arith.constant 0 : index
    %get3A_67 = vector.load %arg7[%get3A_66] : memref<128xf32, #tpu.memory_space<vmem>>, vector<128xf32>
    %broadcast_in_dim3A_68 = vector.shape_cast %get3A_67 : vector<128xf32> to vector<1x128xf32>
    %add3A_69 = vector.broadcast %broadcast_in_dim3A_68 : vector<1x128xf32> to vector<10000x128xf32>
    %add3A_70 = arith.addf %mul3A_65, %add3A_69 : vector<10000x128xf32>
    %ge3A = arith.constant 0.000000e+00 : f32
    %ge3A_71 = vector.broadcast %ge3A : f32 to vector<10000x128xf32>
    %ge3A_72 = arith.cmpf oge, %add3A_70, %ge3A_71 : vector<10000x128xf32>
    %mul3A_73 = arith.constant 0.00999999977 : f32
    %mul3A_74 = vector.broadcast %mul3A_73 : f32 to vector<10000x128xf32>
    %mul3A_75 = arith.mulf %mul3A_74, %add3A_70 : vector<10000x128xf32>
    %select_n3A = arith.select %ge3A_72, %add3A_70, %mul3A_75 : vector<10000x128xi1>, vector<10000x128xf32>
    %swap3A = arith.constant 0 : index
    %swap3A_76 = arith.constant 0 : index
    %swap3A_77 = vector.load %arg8[%swap3A, %swap3A_76] : memref<10000x128xf32, #tpu.memory_space<vmem>>, vector<10000x128xf32>
    tpu.vector_store %arg8[%swap3A, %swap3A_76], %select_n3A {strides = array<i32>} : memref<10000x128xf32, #tpu.memory_space<vmem>>, vector<10000x128xf32>,
    return
  }
}

module attributes {stable_mosaic.version = 14 : i64} {
  func.func @_tc_dense_body(%arg0: memref<2x10000x128xf32, #tpu.memory_space<vmem>>, %arg1: memref<2x10000x16xf32, #tpu.memory_space<vmem>>, %arg2: memref<10000x128xf32, #tpu.memory_space<vmem>>, %arg3: memref<128x128xf32, #tpu.memory_space<vmem>>, %arg4: memref<128xf32, #tpu.memory_space<vmem>>, %arg5: memref<128x128xf32, #tpu.memory_space<vmem>>, %arg6: memref<128xf32, #tpu.memory_space<vmem>>, %arg7: memref<128xf32, #tpu.memory_space<vmem>>, %arg8: memref<10000x128xbf16, #tpu.memory_space<vmem>>) attributes {dimension_semantics = [], scalar_prefetch = 0 : i64, scratch_operands = 0 : i64, tpu.core_type = #tpu.core_type<tc>} {
    %get3A = arith.constant 0 : index
    %get3A_0 = arith.constant 0 : index
    %get3A_1 = arith.constant 0 : index
    %get3A_2 = vector.load %arg0[%get3A, %get3A_0, %get3A_1] : memref<2x10000x128xf32, #tpu.memory_space<vmem>>, vector<1x10000x128xf32>
    %get3A_3 = vector.shape_cast %get3A_2 : vector<1x10000x128xf32> to vector<10000x128xf32>
    %get3A_4 = arith.constant 1 : index
    %get3A_5 = arith.constant 0 : index
    %get3A_6 = arith.constant 0 : index
    %get3A_7 = vector.load %arg0[%get3A_4, %get3A_5, %get3A_6] : memref<2x10000x128xf32, #tpu.memory_space<vmem>>, vector<1x10000x128xf32>
    %get3A_8 = vector.shape_cast %get3A_7 : vector<1x10000x128xf32> to vector<10000x128xf32>
    %add3A = arith.addf %get3A_3, %get3A_8 : vector<10000x128xf32>
    %get3A_9 = arith.constant 0 : index
    %get3A_10 = arith.constant 0 : index
    %get3A_11 = arith.constant 0 : index
    %get3A_12 = vector.load %arg1[%get3A_9, %get3A_10, %get3A_11] : memref<2x10000x16xf32, #tpu.memory_space<vmem>>, vector<1x10000x1xf32>
    %get3A_13 = vector.shape_cast %get3A_12 : vector<1x10000x1xf32> to vector<10000x1xf32>
    %get3A_14 = arith.constant 1 : index
    %get3A_15 = arith.constant 0 : index
    %get3A_16 = arith.constant 0 : index
    %get3A_17 = vector.load %arg1[%get3A_14, %get3A_15, %get3A_16] : memref<2x10000x16xf32, #tpu.memory_space<vmem>>, vector<1x10000x1xf32>
    %get3A_18 = vector.shape_cast %get3A_17 : vector<1x10000x1xf32> to vector<10000x1xf32>
    %add3A_19 = arith.addf %get3A_13, %get3A_18 : vector<10000x1xf32>
    %max3A = arith.constant 1.000000e+00 : f32
    %max3A_20 = vector.broadcast %max3A : f32 to vector<10000x1xf32>
    %max3A_21 = arith.maximumf %add3A_19, %max3A_20 : vector<10000x1xf32>
    %div3A = vector.broadcast %max3A_21 : vector<10000x1xf32> to vector<10000x128xf32>
    %div3A_22 = arith.divf %add3A, %div3A : vector<10000x128xf32>
    %get3A_23 = arith.constant 0 : index
    %get3A_24 = arith.constant 0 : index
    %get3A_25 = vector.load %arg3[%get3A_23, %get3A_24] : memref<128x128xf32, #tpu.memory_space<vmem>>, vector<128x128xf32>
    %dot_general3A = arith.constant dense<0.000000e+00> : vector<10000x128xf32>
    %dot_general3A_26 = tpu.matmul %div3A_22, %get3A_25, %dot_general3A {dimension_numbers = #tpu.dot_dimension_numbers<[1], [1], [0], [0], [0, 0, 1, 0], [], []>, transpose_lhs_hint = false} : vector<10000x128xf32>, vector<128x128xf32>, vector<10000x128xf32> -> vector<10000x128xf32>
    %get3A_27 = arith.constant 0 : index
    %get3A_28 = vector.load %arg4[%get3A_27] : memref<128xf32, #tpu.memory_space<vmem>>, vector<128xf32>
    %broadcast_in_dim3A = vector.shape_cast %get3A_28 : vector<128xf32> to vector<1x128xf32>
    %add3A_29 = vector.broadcast %broadcast_in_dim3A : vector<1x128xf32> to vector<10000x128xf32>
    %add3A_30 = arith.addf %dot_general3A_26, %add3A_29 : vector<10000x128xf32>
    %get3A_31 = arith.constant 0 : index
    %get3A_32 = arith.constant 0 : index
    %get3A_33 = vector.load %arg2[%get3A_31, %get3A_32] : memref<10000x128xf32, #tpu.memory_space<vmem>>, vector<10000x128xf32>
    %get3A_34 = arith.constant 0 : index
    %get3A_35 = arith.constant 0 : index
    %get3A_36 = vector.load %arg5[%get3A_34, %get3A_35] : memref<128x128xf32, #tpu.memory_space<vmem>>, vector<128x128xf32>
    %dot_general3A_37 = arith.constant dense<0.000000e+00> : vector<10000x128xf32>
    %dot_general3A_38 = tpu.matmul %get3A_33, %get3A_36, %dot_general3A_37 {dimension_numbers = #tpu.dot_dimension_numbers<[1], [1], [0], [0], [0, 0, 1, 0], [], []>, transpose_lhs_hint = false} : vector<10000x128xf32>, vector<128x128xf32>, vector<10000x128xf32> -> vector<10000x128xf32>
    %add3A_39 = arith.addf %add3A_30, %dot_general3A_38 : vector<10000x128xf32>
    %reduce_sum3A = arith.constant dense<0.000000e+00> : vector<128xf32>
    %reduce_sum3A_40 = vector.multi_reduction <add>, %add3A_39, %reduce_sum3A [0] : vector<10000x128xf32> to vector<128xf32>
    %broadcast_in_dim3A_41 = vector.shape_cast %reduce_sum3A_40 : vector<128xf32> to vector<1x128xf32>
    %div3A_42 = arith.constant 1.000000e+04 : f32
    %div3A_43 = vector.broadcast %div3A_42 : f32 to vector<1x128xf32>
    %div3A_44 = arith.divf %broadcast_in_dim3A_41, %div3A_43 : vector<1x128xf32>
    %sub3A = vector.broadcast %div3A_44 : vector<1x128xf32> to vector<10000x128xf32>
    %sub3A_45 = arith.subf %add3A_39, %sub3A : vector<10000x128xf32>
    %sub3A_46 = vector.broadcast %div3A_44 : vector<1x128xf32> to vector<10000x128xf32>
    %sub3A_47 = arith.subf %add3A_39, %sub3A_46 : vector<10000x128xf32>
    %mul3A = arith.mulf %sub3A_45, %sub3A_47 : vector<10000x128xf32>
    %reduce_sum3A_48 = arith.constant dense<0.000000e+00> : vector<128xf32>
    %reduce_sum3A_49 = vector.multi_reduction <add>, %mul3A, %reduce_sum3A_48 [0] : vector<10000x128xf32> to vector<128xf32>
    %broadcast_in_dim3A_50 = vector.shape_cast %reduce_sum3A_49 : vector<128xf32> to vector<1x128xf32>
    %div3A_51 = arith.constant 1.000000e+04 : f32
    %div3A_52 = vector.broadcast %div3A_51 : f32 to vector<1x128xf32>
    %div3A_53 = arith.divf %broadcast_in_dim3A_50, %div3A_52 : vector<1x128xf32>
    %sub3A_54 = vector.broadcast %div3A_44 : vector<1x128xf32> to vector<10000x128xf32>
    %sub3A_55 = arith.subf %add3A_39, %sub3A_54 : vector<10000x128xf32>
    %add3A_56 = arith.constant 9.99999974E-6 : f32
    %add3A_57 = vector.broadcast %add3A_56 : f32 to vector<1x128xf32>
    %add3A_58 = arith.addf %div3A_53, %add3A_57 : vector<1x128xf32>
    %rsqrt3A = math.rsqrt %add3A_58 : vector<1x128xf32>
    %mul3A_59 = vector.broadcast %rsqrt3A : vector<1x128xf32> to vector<10000x128xf32>
    %mul3A_60 = arith.mulf %sub3A_55, %mul3A_59 : vector<10000x128xf32>
    %get3A_61 = arith.constant 0 : index
    %get3A_62 = vector.load %arg6[%get3A_61] : memref<128xf32, #tpu.memory_space<vmem>>, vector<128xf32>
    %broadcast_in_dim3A_63 = vector.shape_cast %get3A_62 : vector<128xf32> to vector<1x128xf32>
    %mul3A_64 = vector.broadcast %broadcast_in_dim3A_63 : vector<1x128xf32> to vector<10000x128xf32>
    %mul3A_65 = arith.mulf %mul3A_60, %mul3A_64 : vector<10000x128xf32>
    %get3A_66 = arith.constant 0 : index
    %get3A_67 = vector.load %arg7[%get3A_66] : memref<128xf32, #tpu.memory_space<vmem>>, vector<128xf32>
    %broadcast_in_dim3A_68 = vector.shape_cast %get3A_67 : vector<128xf32> to vector<1x128xf32>
    %add3A_69 = vector.broadcast %broadcast_in_dim3A_68 : vector<1x128xf32> to vector<10000x128xf32>
    %add3A_70 = arith.addf %mul3A_65, %add3A_69 : vector<10000x128xf32>
    %convert_element_type3A = arith.truncf %add3A_70 : vector<10000x128xf32> to vector<10000x128xbf16>
    %swap3A = arith.constant 0 : index
    %swap3A_71 = arith.constant 0 : index
    %swap3A_72 = vector.load %arg8[%swap3A, %swap3A_71] : memref<10000x128xbf16, #tpu.memory_space<vmem>>, vector<10000x128xbf16>
    tpu.vector_store %arg8[%swap3A, %swap3A_71], %convert_element_type3A {strides = array<i32>} : memref<10000x128xbf16, #tpu.memory_space<vmem>>, vector<10000x128xbf16>,
    return
  }
}

</mosaic_0001>

<sc_bundles>
// kernel: kernel.10.cloned.1.call-start
scs
__scs_entry_jumppad:
0x0: {  	(pc) =	sbr.rel $0x88, $3  }
0x1: {  	(tag) =	ssettag $0x0;
	lr =	simm.s32 $0x1  }
0x2: {  	[smem:$0x3F94] =	sst lr;
	_ =	strace $0xD0000000  }
0x3: {  	_ = 	snop  }
0x4: {  	_ = 	snop  }
0x5: {  	_ = 	snop  }
0x6: {  	_ = 	snop  }
0x7: {  	_ = 	snop  }
__scs_overlays_trampoline_lowered:
0x8: {  	[smem:$0x3FA3] =	sst s0  }
0x9: {  	[smem:$0x3FA4] =	sst s1  }
0xa: {  	[smem:$0x3FA5] =	sst s2  }
0xb: {  	[smem:$0x3FA6] =	sst s3  }
0xc: {  	[smem:$0x3FA7] =	sst s4  }
0xd: {  	[smem:$0x3FA8] =	sst s5  }
0xe: {  	[smem:$0x3FA9] =	sst s6  }
0xf: {  	[smem:$0x3FAA] =	sst s7  }
0x10: {  	[smem:$0x3FAB] =	sst s8  }
0x11: {  	[smem:$0x3FAC] =	sst s9;
	s0 =	simm.s32 @!p0 $0x0  }
0x12: {  	s1 =	sld [smem:$0x3F92];
	s0 =	simm.s32 @p0 $0x1  }
0x13: {  	[smem:$0x3FAD] =	sst s0;
	s0 =	simm.s32 @!p1 $0x0  }
0x14: {  	s2 =	sld [smem:$0x3F91];
	s0 =	simm.s32 @p1 $0x1  }
0x15: {  	[smem:$0x3FAE] =	sst s0;
	s0 =	simm.s32 @!p2 $0x0  }
0x16: {  	s3 =	sld [smem:$0x3FDB];
	s0 =	simm.s32 @p2 $0x1  }
0x17: {  	s4 =	simm.s32 $0x1BF5;
	[smem:$0x3FB0] =	sst s0  }
0x18: {  	s0 =	sld [smem:$0x3F93];
	_ =	swait.ge [sflag:s4], $0x0  }
0x19: {  	s7 =	sld [smem:$0x3F94]  }
0x1a: {  	s8 =	sadd.s32 $0xFFFFE003, lr  }
0x1b: {  	s9 =	sadd.s32 $0xFFFFFEF7, lr;
	s5 =	simm.s32 $0xFFFFFFFF;
	p2 =	slt.u32 s8, $0xFFFFF086  }
0x1c: {  	p1 =	slt.u32 s9, $0xF7A;
	s5 =	simm.s32 @!p2 $0x0  }
0x1d: {  	s5 =	simm.s32 @p1 $0x1;
	p0 =	seq.s32 s7, s2  }
0x1e: {  	s7 =	smul.u32 @!p0 $0xF7A, s2;
	p2 =	seq.s32 @!p0 s5, $0x0  }
0x1f: {  	s9 =	smul.u32 $0xF7A, s1;
	s8 =	simm.s32 @!p0 $0x1BF5;
	p2 =	por !p2, p0  }
0x20: {  	[sflag:s8] =	ssyncset.s32 @!p0 $0xFFFFF086;
	s6 =	sadd.s32 @!p0 s3, s7;
	s7 =	simm.s32 @!p0 $0x108  }
0x21: {  	s3 =	sadd.s32 s3, s9;
	s6 =	sadd.s32 @!p0 $0x88, s6;
	s7 =	simm.s32 @p2 $0x1082  }
0x22: {  	[simem:s7], [sflag:s8] =	dma.local @!p0 [hbm:s6], $0xF7A  }
0x23: {  	s9 =	sor.u32 $0xD0000000, s2;
	s6 =	simm.s32 $0x108;
	_ =	swait.ge @!p0 [sflag:s8], $0x0  }
0x24: {  	s3 =	sadd.s32 $0x88, s3;
	s6 =	simm.s32 @!p1 $0x1082;
	[sflag:s4] =	ssyncset.s32 $0xFFFFF086  }
0x25: {  	[simem:s6], [sflag:s4] =	dma.local [hbm:s3], $0xF7A  }
0x26: {  	[smem:$0x3F94] =	sst s1;
	(tag) =	ssettag s2;
	_ =	strace s9  }
0x27: {  	s1 =	sld [smem:$0x3FA4]  }
0x28: {  	s2 =	sld [smem:$0x3FA5]  }
0x29: {  	s4 =	sld [smem:$0x3FA7]  }
0x2a: {  	p0 =	seq.s32 s5, $0x0;
	s5 =	sld [smem:$0x3FA8]  }
0x2b: {  	s6 =	sld [smem:$0x3FA9]  }
0x2c: {  	s7 =	sld [smem:$0x3FAA]  }
0x2d: {  	s3 =	simm.s32 $0x108;
	s8 =	sld [smem:$0x3FAB]  }
0x2e: {  	s3 =	simm.s32 @!p0 $0x1082;
	s9 =	sld [smem:$0x3FAC]  }
0x2f: {  	lr =	sadd.s32 s0, s3;
	s0 =	sld [smem:$0x3FA3]  }
0x30: {  	s3 =	sld [smem:$0x3FA6]  }
0x31: {  	[smem:$0x3FAF] =	sst s10  }
0x32: {  	s10 =	sld [smem:$0x3FAD];
	_ =	sdelay $0x3  }
0x33: {  	p0 =	seq.s32 s10, $0x1;
	s10 =	sld [smem:$0x3FAF];
	_ =	sdelay $0x3  }
0x34: {  	[smem:$0x3FAF] =	sst s10  }
0x35: {  	s10 =	sld [smem:$0x3FAE];
	_ =	sdelay $0x3  }
0x36: {  	p1 =	seq.s32 s10, $0x1;
	s10 =	sld [smem:$0x3FAF];
	_ =	sdelay $0x3  }
0x37: {  	[smem:$0x3FAF] =	sst s10  }
0x38: {  	s10 =	sld [smem:$0x3FB0]  }
0x39: {  	_ = 	snop;
	(pc) =	sbr.ind lr, $3  }
0x3a: {  	_ = 	snop  }
0x3b: {  	_ = 	snop  }
0x3c: {  	p2 =	seq.s32 s10, $0x1;
	s10 =	sld [smem:$0x3FAF]  }
0x3d: {  	_ =	shalt  }
0x3e: {  	_ =	shalt  }
0x3f: {  	_ =	shalt  }
0x40: {  	_ =	shalt  }
0x41: {  	_ =	shalt  }
0x42: {  	_ =	shalt  }
0x43: {  	_ =	shalt  }
0x44: {  	_ =	shalt  }
0x45: {  	_ =	shalt  }
0x46: {  	_ =	shalt  }
0x47: {  	_ =	shalt  }
0x48: {  	_ =	shalt  }
0x49: {  	_ =	shalt  }
0x4a: {  	_ =	shalt  }
0x4b: {  	_ =	shalt  }
0x4c: {  	_ =	shalt  }
0x4d: {  	_ =	shalt  }
0x4e: {  	_ =	shalt  }
0x4f: {  	_ =	shalt  }
0x50: {  	_ =	shalt  }
0x51: {  	_ =	shalt  }
0x52: {  	_ =	shalt  }
0x53: {  	_ =	shalt  }
0x54: {  	_ =	shalt  }
0x55: {  	_ =	shalt  }
0x56: {  	_ =	shalt  }
0x57: {  	_ =	shalt  }
0x58: {  	_ =	shalt  }
0x59: {  	_ =	shalt  }
0x5a: {  	_ =	shalt  }
0x5b: {  	_ =	shalt  }
0x5c: {  	_ =	shalt  }
0x5d: {  	_ =	shalt  }
0x5e: {  	_ =	shalt  }
0x5f: {  	_ =	shalt  }
0x60: {  	_ =	shalt  }
0x61: {  	_ =	shalt  }
0x62: {  	_ =	shalt  }
0x63: {  	_ =	shalt  }
0x64: {  	_ =	shalt  }
0x65: {  	_ =	shalt  }
0x66: {  	_ =	shalt  }
0x67: {  	_ =	shalt  }
0x68: {  	_ =	shalt  }
0x69: {  	_ =	shalt  }
0x6a: {  	_ =	shalt  }
0x6b: {  	_ =	shalt  }
0x6c: {  	_ =	shalt  }
0x6d: {  	_ =	shalt  }
0x6e: {  	_ =	shalt  }
0x6f: {  	_ =	shalt  }
0x70: {  	_ =	shalt  }
0x71: {  	_ =	shalt  }
0x72: {  	_ =	shalt  }
0x73: {  	_ =	shalt  }
0x74: {  	_ =	shalt  }
0x75: {  	_ =	shalt  }
0x76: {  	_ =	shalt  }
0x77: {  	_ =	shalt  }
0x78: {  	_ =	shalt  }
0x79: {  	_ =	shalt  }
0x7a: {  	_ =	shalt  }
0x7b: {  	_ =	shalt  }
0x7c: {  	_ =	shalt  }
0x7d: {  	_ =	shalt  }
0x7e: {  	_ =	shalt  }
0x7f: {  	_ =	shalt  }
0x80: {  	_ =	shalt  }
0x81: {  	_ =	shalt  }
0x82: {  	_ =	shalt  }
0x83: {  	_ =	shalt  }
0x84: {  	_ =	shalt  }
0x85: {  	_ =	shalt  }
0x86: {  	_ =	shalt  }
0x87: {  	_ =	shalt  }
.Lfunc_end0:
.L_simem_size_0:
called_computation.1_lowered:
.L_overlay_start_0:
0x88: {  	s2 =	sld [smem:$0x3FD9]  }
0x89: {  	s3 =	sld [smem:$0x3FFE];
	_ =	sdelay $0x1  }
0x8a: {  	s1 =	srdreg.scid  }
0x8b: {  	s0 =	sand.u32 $0x1, s1  }
0x8c: {  	s17 =	sshll.u32 s0, $0xA;
	s2 =	sadd.s32 s3, s2  }
0x8d: {  	s2 =	sadd.s32 s2, s17  }
0x8e: {  	[smem:$0x3FBB] =	sst s2  }
0x8f: {  	_ = 	snop  }
0x90: {  	s2 =	sld [smem:$0x3FD0];
	(tm) =	ssettm $0x1  }
0x91: {  	s18 =	sld [smem:$0x3FFB];
	_ =	sdelay $0x3  }
0x92: {  	_ =	strace s18  }
0x93: {  	s3 =	sld [smem:$0x3FFC];
	_ =	sdelay $0x3  }
0x94: {  	_ =	strace s3  }
0x95: {  	s3 =	sld [smem:$0x3FFD];
	_ =	sdelay $0x3  }
0x96: {  	_ =	strace s3  }
0x97: {  	_ =	strace $0x8FFFFFFF  }
0x98: {  	s19 =	sld [smem:$0x3FDB];
	_ =	sdelay $0x1  }
0x99: {  	s4 =	simm.s32 $_scs_section_size  }
0x9a: {  	s5 =	simm.s32 $_size__tile_overlayer_lowered;
	s6 =	simm.s32 $_tile_overlayer_lowered  }
0x9b: {  	s22 =	simm.s32 $0x1BFF;
	s21 =	sshll.u32 s6, $0x1;
	s3 =	sadd.s32 s4, s19  }
0x9c: {  	s7 =	simm.s32 $0x0;
	s20 =	sshll.u32 s5, $0x1;
	s5 =	sadd.s32 s21, s3  }
0x9d: {  	[timem:s7], [sflag:s22] =	dma.local [hbm:s5], s20  }
0x9e: {  	_ =	swait.ge [sflag:s22], s20  }
0x9f: {  	s4 =	ssub.s32 $0x0, s20;
	[sflag:s22] =	ssyncset.done $0x0  }
0xa0: {  	[sflag:s22] =	ssyncadd.s32 s4;
	_ =	sdelay $0x1  }
0xa1: {  	s23 =	simm.s32 $0x1B8B  }
0xa2: {  	_ =	swait.ge [sflag:s23], $0x1  }
0xa3: {  	[sflag:s23] =	ssyncset.done $0x0  }
0xa4: {  	s25 =	simm.s32 $0x1B8E;
	s24 =	sld [smem:$0x3FFE];
	[sflag:s23] =	ssyncadd.s32 $0xFFFFFFFF  }
0xa5: {  	s26 =	simm.s32 $execute0_lowered;
	[smem:$0x3FD2] =	sst s25  }
0xa6: {  	s5 =	sshll.u32 s26, $0x1;
	_ =	strace $0x80000049;
	[dreg:$0x1] =	wrdreg $0xFFFFFFFF  }
0xa7: {  	s28 =	simm.s32 $_size_execute0_lowered;
	s3 =	sadd.s32 s3, s5;
	[dreg:$0x0] =	wrdreg $0x0  }
0xa8: {  	s5 =	sshll.u32 s28, $0x1;
	[dreg:$0x2] =	wrdreg s3  }
0xa9: {  	[dreg:$0x3] =	wrdreg s5  }
0xaa: {  	[dreg:$0x4] =	wrdreg $0xC0  }
0xab: {  	_ =	task [dreg:s7], $0x5FFFF  }
0xac: {  	[dreg:$0x1] =	wrdreg $0xFFFFFFFF  }
0xad: {  	[dreg:$0x0] =	wrdreg $0x60  }
0xae: {  	[dreg:$0x2] =	wrdreg s24  }
0xaf: {  	[dreg:$0x3] =	wrdreg s2  }
0xb0: {  	[dreg:$0x4] =	wrdreg $0x77B00  }
0xb1: {  	[dreg:$0x5] =	wrdreg $0x9  }
0xb2: {  	_ =	task.clear_ibuf [dreg:s7], $0x6FFFF;
	_ =	strace $0x90000049  }
0xb3: {  	s29 =	simm.s32 $0x9;
	_ =	strace $0x8000004B  }
0xb4: {  	_ =	swait.ge [sflag:s29], $0x1  }
0xb5: {  	[sflag:s29] =	ssyncadd.s32 $0xFFFFFFFF  }
0xb6: {  	_ =	strace $0x9000004B  }
0xb7: {  	_ =	sfence  }
0xb8: {  	s30 =	sld [smem:$0x0];
	_ =	sdelay $0x2  }
0xb9: {  	s31 =	sshll.u32 s1, $0xD;
	s1 =	sshrl.u32 s1, $0x2  }
0xba: {  	s3 =	sand.u32 $0x4000, s31;
	s1 =	sadd.s32 s1, s30  }
0xbb: {  	s0 =	sor.u32 s3, s0;
	s1 =	sshll.u32 s1, $0x11  }
0xbc: {  	s0 =	sor.u32 s1, s0  }
0xbd: {  	s0 =	sadd.s32 $0x8F2B, s0  }
0xbe: {  	[sflag:s0] =	ssyncadd.remote.s32 $0x1  }
0xbf: {  	_ =	sfence.sel $0xFFFF  }
0xc0: {  	[dreg:$0x0] =	wrdreg $0xFFFFFFFF;
	(pc) =	sbr.abs _section_cstart, $3  }
0xc1: {  	[dreg:$0x1] =	wrdreg $0xFFFFFFFF  }
0xc2: {  	_ =	task.clear_ibuf [dreg:s7], $0x2FFFF;
	_ =	strace $0x9FFFFFFF  }
0xc3: {  	(tm) =	ssettm $0x7FFFFFFF  }
tec
execute0_lowered:
.L_overlay_start_1:
0x0: {  	(tag) =	ssettag $0x1  }
0x1: {  	s5 =	rddreg [dreg:$0x0]  }
0x2: {  	s7 =	rddreg [dreg:$0x1]  }
0x3: {  	s2 =	rddreg [dreg:$0x2]  }
0x4: {  	s0 =	stileid.u32;
	s3 =	simm.s32 $0x0;
	s4 =	srdreg.scid  }
0x5: {  	s18 =	simm.s32 $0x1;
	s19 =	simm.s32 $0x50;
	s20 =	simm.s32 $0x27B0  }
0x6: {  	s21 =	simm.s32 $0x2760;
	s28 =	simm.s32 $0x0;
	s6 =	smul.u32 $0x13880, s0  }
0x7: {  	[smem:$0x7FF] =	sst s3;
	s8 =	sand.u32 $0x1, s4;
	s4 =	sadd.s32 $0x33A00, s5  }
0x8: {  	s14 =	sadd.s32 $0x2A00, s5;
	s12 =	sshll.u32 s0, $0x1;
	s23 =	smul.u32 $0x4E20, s0  }
0x9: {  	s24 =	sshll.u32 s0, $0x6;
	_ =	strace $0x8000004A;
	s10 =	smul.u32 $0x138800, s8  }
0xa: {  	s11 =	ssub.s32 $0x2, s8;
	s12 =	sor.u32 s8, s12;
	s26 =	smul.u32 $0x2710, s8  }
0xb: {  	s9 =	sshrl.u32 s6, $0x3;
	s13 =	sshrl.u32 s11, $0x1;
	s22 =	smul.u32 $0x2710, s12  }
0xc: {  	s16 =	sadd.s32 s6, s2;
	s9 =	sadd.s32 s9, s5;
	s10 =	sadd.s32 s6, s10  }
0xd: {  	s13 =	ssub.s32 s11, s13;
	s6 =	sor.u32 $0x1C04, s24;
	s12 =	sadd.s32 s26, s23  }
0xe: {  	s23 =	simm.s32 $0x4FB0;
	s24 =	simm.s32 $0x3;
	s26 =	simm.s32 $0x26C0  }
0xf: {  	s10 =	sshrl.u32 s10, $0x3;
	s25 =	sshrl.u32 s22, $0x3;
	s29 =	sadd.s32 $0x140, s12  }
0x10: {  	s17 =	sadd.s32 $0xF0, s12;
	s12 =	smax.u32 s13, $0x1;
	s22 =	simm.s32 $0x2  }
0x11: {  	s15 =	sadd.s32 s10, s5;
	s5 =	sadd.s32 $0xC800, s9;
	s7 =	sadd.s32 s7, s25  }
0x12: {  	s8 =	sadd.s32 s14, s25;
	s30 =	sshrl.u32 s29, $0x3;
	s31 =	sshrl.u32 s17, $0x3  }
0x13: {  	s17 =	simm.s32 $0x2710;
	s25 =	simm.s32 $0x2670;
	s9 =	sadd.s32 $0xA, s8  }
0x14: {  	s10 =	sadd.s32 $0x14, s8;
	s11 =	sadd.s32 $0xD9C00, s15;
	s13 =	sadd.s32 s30, s14  }
0x15: {  	s14 =	sadd.s32 s31, s14;
	s15 =	sshrl.u32 s16, $0x3;
	s16 =	simm.s32 $0x4  }
.LBB2_1:
0x16: {  	[spmem:s15], [sflag:s6] =	dma.local [hbm:s5], $0x2710  }
0x17: {  	_ =	swait.ge [sflag:s16], $0x2710  }
0x18: {  	[sflag:s16] =	ssyncset.done $0x0  }
0x19: {  	[sflag:s16] =	ssyncadd.s32 $0xFFFFD8F0  }
0x1a: {  	[tilespmem:s3], [sflag:$0x4] =	stream.linear.gather [hbm4b:s7+s3], $0x2710, $0x38;
	[tilespmem:$0x1B030] =	vst v63  }
0x1b: {  	_ =	swait.ge [sflag:s16], $0x2710  }
0x1c: {  	[sflag:s16] =	ssyncset.done $0x0  }
0x1d: {  	[sflag:s16] =	ssyncadd.s32 $0xFFFFD8F0  }
0x1e: {  	[tilespmem:s17], [sflag:$0x1] =	stream.linear.gather [hbm4b:s8+s3], $0x50, $0x38;
	[tilespmem:$0x1B030] =	vst v63  }
0x1f: {  	_ =	swait.ge [sflag:s18], $0x50  }
0x20: {  	[sflag:s18] =	ssyncset.done $0x0  }
0x21: {  	[sflag:s18] =	ssyncadd.s32 $0xFFFFFFB0  }
0x22: {  	[tilespmem:s20], [sflag:$0x2] =	stream.indirect.gather [hbm4b:s4+s19], $0x80, s17, s19, $0xb8;
	[tilespmem:$0x1B030] =	vst v63  }
0x23: {  	_ = 	snop  }
0x24: {  	[tilespmem:s21], [sflag:$0x1] =	stream.linear.gather [hbm4b:s9+s3], $0x50, $0x38;
	[tilespmem:$0x1B030] =	vst v63  }
0x25: {  	[bflag:$0x0] =	sbarrier.arrive $0xFFFF  }
0x26: {  	_ =	swait.ge [sflag:s22], $0x2800  }
0x27: {  	[sflag:s22] =	ssyncset.done $0x0  }
0x28: {  	[sflag:s22] =	ssyncadd.s32 $0xFFFFD800  }
0x29: {  	_ =	swait.ge [sflag:s18], $0x50  }
0x2a: {  	[sflag:s18] =	ssyncset.done $0x0  }
0x2b: {  	[sflag:s18] =	ssyncadd.s32 $0xFFFFFFB0  }
0x2c: {  	[tilespmem:s23], [sflag:$0x2] =	stream.indirect.gather [hbm4b:s4+s19], $0x80, s21, s19, $0xb8;
	[tilespmem:$0x1B030] =	vst v63  }
0x2d: {  	_ = 	snop  }
0x2e: {  	[tilespmem:s17], [sflag:$0x1] =	stream.linear.gather [hbm4b:s10+s3], $0x50, $0x38;
	[tilespmem:$0x1B030] =	vst v63  }
0x2f: {  	_ = 	snop  }
0x30: {  	[spmem:s2] =	stream.indirect.scatter.add.f32 [tilespmem:s20], [sflag:$0x3], $0x80, s3, s19, $0xb8;
	[tilespmem:$0x1B030] =	vst v63  }
0x31: {  	_ =	swait.ge [sflag:s22], $0x2800  }
0x32: {  	[sflag:s22] =	ssyncset.done $0x0  }
0x33: {  	[sflag:s22] =	ssyncadd.s32 $0xFFFFD800  }
0x34: {  	_ =	swait.ge [sflag:s24], $0x2800  }
0x35: {  	[sflag:s24] =	ssyncset.done $0x0  }
0x36: {  	[sflag:s24] =	ssyncadd.s32 $0xFFFFD800  }
0x37: {  	_ =	swait.ge [sflag:s18], $0x50  }
0x38: {  	[sflag:s18] =	ssyncset.done $0x0  }
0x39: {  	[sflag:s18] =	ssyncadd.s32 $0xFFFFFFB0  }
0x3a: {  	[tilespmem:s20], [sflag:$0x2] =	stream.indirect.gather [hbm4b:s4+s19], $0x80, s17, s19, $0xb8;
	[tilespmem:$0x1B030] =	vst v63  }
0x3b: {  	s29 =	sadd.s32 $0x0, s14  }
0x3c: {  	[tilespmem:s21], [sflag:$0x1] =	stream.linear.gather [hbm4b:s29+s3], $0x50, $0x38;
	[tilespmem:$0x1B030] =	vst v63  }
0x3d: {  	s29 =	simm.s32 $0x50  }
0x3e: {  	[spmem:s2] =	stream.indirect.scatter.add.f32 [tilespmem:s23], [sflag:$0x3], $0x80, s29, s19, $0xb8;
	[tilespmem:$0x1B030] =	vst v63  }
0x3f: {  	_ =	swait.ge [sflag:s22], $0x2800  }
0x40: {  	[sflag:s22] =	ssyncset.done $0x0  }
0x41: {  	[sflag:s22] =	ssyncadd.s32 $0xFFFFD800  }
0x42: {  	_ =	swait.ge [sflag:s24], $0x2800  }
0x43: {  	[sflag:s24] =	ssyncset.done $0x0  }
0x44: {  	[sflag:s24] =	ssyncadd.s32 $0xFFFFD800  }
0x45: {  	_ =	swait.ge [sflag:s18], $0x50  }
0x46: {  	[sflag:s18] =	ssyncset.done $0x0  }
0x47: {  	[sflag:s18] =	ssyncadd.s32 $0xFFFFFFB0  }
0x48: {  	[tilespmem:s23], [sflag:$0x2] =	stream.indirect.gather [hbm4b:s4+s19], $0x80, s21, s19, $0xb8;
	[tilespmem:$0x1B030] =	vst v63  }
0x49: {  	s29 =	sadd.s32 $0x0, s13  }
0x4a: {  	[tilespmem:s17], [sflag:$0x1] =	stream.linear.gather [hbm4b:s29+s3], $0x50, $0x38;
	[tilespmem:$0x1B030] =	vst v63  }
0x4b: {  	s30 =	simm.s32 $0x14;
	s31 =	simm.s32 $0x140;
	s29 =	simm.s32 $0xA0  }
.LBB2_2:
0x4c: {  	[spmem:s2] =	stream.indirect.scatter.add.f32 [tilespmem:s20], [sflag:$0x3], $0x80, s29, s19, $0xb8;
	[tilespmem:$0x1B030] =	vst v63  }
0x4d: {  	s0 =	smov.u32 s30;
	s29 =	smov.u32 s31  }
0x4e: {  	p0 =	sne.s32 s30, $0x4B0;
	s30 =	sadd.s32 $0x14, s30;
	_ =	swait.ge [sflag:s22], $0x2800  }
0x4f: {  	[sflag:s22] =	ssyncset.done $0x0  }
0x50: {  	[sflag:s22] =	ssyncadd.s32 $0xFFFFD800  }
0x51: {  	_ =	swait.ge [sflag:s24], $0x2800  }
0x52: {  	[sflag:s24] =	ssyncset.done $0x0  }
0x53: {  	[sflag:s24] =	ssyncadd.s32 $0xFFFFD800  }
0x54: {  	_ =	swait.ge [sflag:s18], $0x50  }
0x55: {  	[sflag:s18] =	ssyncset.done $0x0  }
0x56: {  	[sflag:s18] =	ssyncadd.s32 $0xFFFFFFB0  }
0x57: {  	[tilespmem:s20], [sflag:$0x2] =	stream.indirect.gather [hbm4b:s4+s19], $0x80, s17, s19, $0xb8;
	[tilespmem:$0x1B030] =	vst v63  }
0x58: {  	s1 =	sadd.s32 s0, s14  }
0x59: {  	[tilespmem:s21], [sflag:$0x1] =	stream.linear.gather [hbm4b:s1+s3], $0x50, $0x38;
	[tilespmem:$0x1B030] =	vst v63  }
0x5a: {  	s1 =	sadd.s32 $0xFFFFFFB0, s31  }
0x5b: {  	[spmem:s2] =	stream.indirect.scatter.add.f32 [tilespmem:s23], [sflag:$0x3], $0x80, s1, s19, $0xb8;
	[tilespmem:$0x1B030] =	vst v63  }
0x5c: {  	_ =	swait.ge [sflag:s22], $0x2800  }
0x5d: {  	[sflag:s22] =	ssyncset.done $0x0  }
0x5e: {  	[sflag:s22] =	ssyncadd.s32 $0xFFFFD800  }
0x5f: {  	_ =	swait.ge [sflag:s24], $0x2800  }
0x60: {  	[sflag:s24] =	ssyncset.done $0x0  }
0x61: {  	[sflag:s24] =	ssyncadd.s32 $0xFFFFD800  }
0x62: {  	_ =	swait.ge [sflag:s18], $0x50  }
0x63: {  	[sflag:s18] =	ssyncset.done $0x0  }
.Ltmp0:
0x64: {  	[sflag:s18] =	ssyncadd.s32 $0xFFFFFFB0;
	(pc) =	sbr.rel @p0 .LBB2_2-.Ltmp0, $4  }
0x65: {  	[tilespmem:s23], [sflag:$0x2] =	stream.indirect.gather [hbm4b:s4+s19], $0x80, s21, s19, $0xb8;
	[tilespmem:$0x1B030] =	vst v63  }
0x66: {  	s0 =	sadd.s32 s0, s13  }
0x67: {  	[tilespmem:s17], [sflag:$0x1] =	stream.linear.gather [hbm4b:s0+s3], $0x50, $0x38;
	[tilespmem:$0x1B030] =	vst v63  }
0x68: {  	s31 =	sadd.s32 $0xA0, s31  }
0x69: {  	[spmem:s2] =	stream.indirect.scatter.add.f32 [tilespmem:s20], [sflag:$0x3], $0x80, s29, s19, $0xb8;
	[tilespmem:$0x1B030] =	vst v63  }
0x6a: {  	_ =	swait.ge [sflag:s22], $0x2800  }
0x6b: {  	[sflag:s22] =	ssyncset.done $0x0  }
0x6c: {  	[sflag:s22] =	ssyncadd.s32 $0xFFFFD800  }
0x6d: {  	_ =	swait.ge [sflag:s24], $0x2800  }
0x6e: {  	[sflag:s24] =	ssyncset.done $0x0  }
0x6f: {  	[sflag:s24] =	ssyncadd.s32 $0xFFFFD800  }
0x70: {  	_ =	swait.ge [sflag:s18], $0x50  }
0x71: {  	[sflag:s18] =	ssyncset.done $0x0  }
0x72: {  	[sflag:s18] =	ssyncadd.s32 $0xFFFFFFB0  }
0x73: {  	[tilespmem:s20], [sflag:$0x2] =	stream.indirect.gather [hbm4b:s4+s19], $0x80, s17, s19, $0xb8;
	[tilespmem:$0x1B030] =	vst v63  }
0x74: {  	_ = 	snop  }
0x75: {  	[spmem:s2] =	stream.indirect.scatter.add.f32 [tilespmem:s23], [sflag:$0x3], $0x80, s25, s19, $0xb8;
	[tilespmem:$0x1B030] =	vst v63  }
0x76: {  	_ =	swait.ge [sflag:s22], $0x2800  }
0x77: {  	[sflag:s22] =	ssyncset.done $0x0  }
0x78: {  	[sflag:s22] =	ssyncadd.s32 $0xFFFFD800  }
0x79: {  	_ =	swait.ge [sflag:s24], $0x2800  }
0x7a: {  	[sflag:s24] =	ssyncset.done $0x0  }
0x7b: {  	[sflag:s24] =	ssyncadd.s32 $0xFFFFD800  }
0x7c: {  	[spmem:s2] =	stream.indirect.scatter.add.f32 [tilespmem:s20], [sflag:$0x3], $0x80, s26, s19, $0xb8;
	[tilespmem:$0x1B030] =	vst v63  }
0x7d: {  	_ =	swait.ge [sflag:s24], $0x2800  }
0x7e: {  	s28 =	sadd.s32 $0x1, s28;
	[sflag:s24] =	ssyncset.done $0x0  }
0x7f: {  	p0 =	sne.s32 s28, s12;
	[sflag:s24] =	ssyncadd.s32 $0xFFFFD800  }
.Ltmp1:
0x80: {  	[bflag:$0x0] =	sbarrier.arrive $0xFFFF;
	(pc) =	sbr.rel @p0 .LBB2_1-.Ltmp1, $4  }
0x81: {  	[hbm:s11], [sflag:s6] =	dma.local [spmem:s15], $0x2710  }
0x82: {  	_ =	swait.ge [sflag:s16], $0x2710  }
0x83: {  	[sflag:s16] =	ssyncset.done $0x0  }
0x84: {  	[sflag:s16] =	ssyncadd.s32 $0xFFFFD8F0  }
0x85: {  	_ =	sfence.sel $0x180000  }
0x86: {  	[bflag:$0x0] =	sbarrier.arrive $0xFFFF  }
0x87: {  	_ =	strace $0x9000004A  }
0x88: {  	s0 =	stileid.u32;
	[bflag:$0x2] =	sbarrier.arrive $0xFFFF  }
0x89: {  	p0 =	sne.s32 s0, $0x0;
	s0 =	rddreg [dreg:$0x3]  }
0x8a: {  	s0 =	sadd.s32 @!p0 $0x100000, s0  }
0x8b: {  	[sflag:s0] =	ssyncadd.tile.s32 @!p0 $0x1;
	_ =	shalt  }
.Lfunc_end2:
_tile_overlayer_lowered:
.L_overlay_start_2:
0x8c: {  	(tag) =	ssettag $0x2  }
0x8d: {  	s0 =	rddreg [dreg:$0x0];
	s2 =	stileid.u32  }
0x8e: {  	s1 =	rddreg [dreg:$0x1];
	p0 =	sne.s32 s2, $0x0  }
0x8f: {  	s3 =	rddreg [dreg:$0x2];
	[bflag:$0x3] =	sbarrier.arrive $0xFFFF;
	s2 =	simm.s32 @!p0 $0x1C04  }
0x90: {  	[timem:s3], [sflag:s2] =	dma.local @!p0 [hbm:s0], s1  }
0x91: {  	s0 =	simm.s32 @!p0 $0x4  }
0x92: {  	_ =	swait.ge @!p0 [sflag:s0], s1  }
0x93: {  	s1 =	ssub.s32 @!p0 $0x0, s1;
	[sflag:s0] =	ssyncset.done @!p0 $0x0  }
0x94: {  	[sflag:s0] =	ssyncadd.s32 @!p0 s1  }
0x95: {  	[bflag:$0x3] =	sbarrier.arrive $0xFFFF  }
0x96: {  	_ =	shalt  }

// kernel: kernel.13.cloned.1.call-start
scs
__scs_entry_jumppad:
0x0: {  	(pc) =	sbr.rel $0x88, $3  }
0x1: {  	(tag) =	ssettag $0x0;
	lr =	simm.s32 $0x1  }
0x2: {  	[smem:$0x3F94] =	sst lr;
	_ =	strace $0xD0000000  }
0x3: {  	_ = 	snop  }
0x4: {  	_ = 	snop  }
0x5: {  	_ = 	snop  }
0x6: {  	_ = 	snop  }
0x7: {  	_ = 	snop  }
__scs_overlays_trampoline_lowered:
0x8: {  	[smem:$0x3FA3] =	sst s0  }
0x9: {  	[smem:$0x3FA4] =	sst s1  }
0xa: {  	[smem:$0x3FA5] =	sst s2  }
0xb: {  	[smem:$0x3FA6] =	sst s3  }
0xc: {  	[smem:$0x3FA7] =	sst s4  }
0xd: {  	[smem:$0x3FA8] =	sst s5  }
0xe: {  	[smem:$0x3FA9] =	sst s6  }
0xf: {  	[smem:$0x3FAA] =	sst s7  }
0x10: {  	[smem:$0x3FAB] =	sst s8  }
0x11: {  	[smem:$0x3FAC] =	sst s9;
	s0 =	simm.s32 @!p0 $0x0  }
0x12: {  	s1 =	sld [smem:$0x3F92];
	s0 =	simm.s32 @p0 $0x1  }
0x13: {  	[smem:$0x3FAD] =	sst s0;
	s0 =	simm.s32 @!p1 $0x0  }
0x14: {  	s2 =	sld [smem:$0x3F91];
	s0 =	simm.s32 @p1 $0x1  }
0x15: {  	[smem:$0x3FAE] =	sst s0;
	s0 =	simm.s32 @!p2 $0x0  }
0x16: {  	s3 =	sld [smem:$0x3FDB];
	s0 =	simm.s32 @p2 $0x1  }
0x17: {  	s4 =	simm.s32 $0x1BF5;
	[smem:$0x3FB0] =	sst s0  }
0x18: {  	s0 =	sld [smem:$0x3F93];
	_ =	swait.ge [sflag:s4], $0x0  }
0x19: {  	s7 =	sld [smem:$0x3F94]  }
0x1a: {  	s8 =	sadd.s32 $0xFFFFE003, lr  }
0x1b: {  	s9 =	sadd.s32 $0xFFFFFEF7, lr;
	s5 =	simm.s32 $0xFFFFFFFF;
	p2 =	slt.u32 s8, $0xFFFFF086  }
0x1c: {  	p1 =	slt.u32 s9, $0xF7A;
	s5 =	simm.s32 @!p2 $0x0  }
0x1d: {  	s5 =	simm.s32 @p1 $0x1;
	p0 =	seq.s32 s7, s2  }
0x1e: {  	s7 =	smul.u32 @!p0 $0xF7A, s2;
	p2 =	seq.s32 @!p0 s5, $0x0  }
0x1f: {  	s9 =	smul.u32 $0xF7A, s1;
	s8 =	simm.s32 @!p0 $0x1BF5;
	p2 =	por !p2, p0  }
0x20: {  	[sflag:s8] =	ssyncset.s32 @!p0 $0xFFFFF086;
	s6 =	sadd.s32 @!p0 s3, s7;
	s7 =	simm.s32 @!p0 $0x108  }
0x21: {  	s3 =	sadd.s32 s3, s9;
	s6 =	sadd.s32 @!p0 $0x88, s6;
	s7 =	simm.s32 @p2 $0x1082  }
0x22: {  	[simem:s7], [sflag:s8] =	dma.local @!p0 [hbm:s6], $0xF7A  }
0x23: {  	s9 =	sor.u32 $0xD0000000, s2;
	s6 =	simm.s32 $0x108;
	_ =	swait.ge @!p0 [sflag:s8], $0x0  }
0x24: {  	s3 =	sadd.s32 $0x88, s3;
	s6 =	simm.s32 @!p1 $0x1082;
	[sflag:s4] =	ssyncset.s32 $0xFFFFF086  }
0x25: {  	[simem:s6], [sflag:s4] =	dma.local [hbm:s3], $0xF7A  }
0x26: {  	[smem:$0x3F94] =	sst s1;
	(tag) =	ssettag s2;
	_ =	strace s9  }
0x27: {  	s1 =	sld [smem:$0x3FA4]  }
0x28: {  	s2 =	sld [smem:$0x3FA5]  }
0x29: {  	s4 =	sld [smem:$0x3FA7]  }
0x2a: {  	p0 =	seq.s32 s5, $0x0;
	s5 =	sld [smem:$0x3FA8]  }
0x2b: {  	s6 =	sld [smem:$0x3FA9]  }
0x2c: {  	s7 =	sld [smem:$0x3FAA]  }
0x2d: {  	s3 =	simm.s32 $0x108;
	s8 =	sld [smem:$0x3FAB]  }
0x2e: {  	s3 =	simm.s32 @!p0 $0x1082;
	s9 =	sld [smem:$0x3FAC]  }
0x2f: {  	lr =	sadd.s32 s0, s3;
	s0 =	sld [smem:$0x3FA3]  }
0x30: {  	s3 =	sld [smem:$0x3FA6]  }
0x31: {  	[smem:$0x3FAF] =	sst s10  }
0x32: {  	s10 =	sld [smem:$0x3FAD];
	_ =	sdelay $0x3  }
0x33: {  	p0 =	seq.s32 s10, $0x1;
	s10 =	sld [smem:$0x3FAF];
	_ =	sdelay $0x3  }
0x34: {  	[smem:$0x3FAF] =	sst s10  }
0x35: {  	s10 =	sld [smem:$0x3FAE];
	_ =	sdelay $0x3  }
0x36: {  	p1 =	seq.s32 s10, $0x1;
	s10 =	sld [smem:$0x3FAF];
	_ =	sdelay $0x3  }
0x37: {  	[smem:$0x3FAF] =	sst s10  }
0x38: {  	s10 =	sld [smem:$0x3FB0]  }
0x39: {  	_ = 	snop;
	(pc) =	sbr.ind lr, $3  }
0x3a: {  	_ = 	snop  }
0x3b: {  	_ = 	snop  }
0x3c: {  	p2 =	seq.s32 s10, $0x1;
	s10 =	sld [smem:$0x3FAF]  }
0x3d: {  	_ =	shalt  }
0x3e: {  	_ =	shalt  }
0x3f: {  	_ =	shalt  }
0x40: {  	_ =	shalt  }
0x41: {  	_ =	shalt  }
0x42: {  	_ =	shalt  }
0x43: {  	_ =	shalt  }
0x44: {  	_ =	shalt  }
0x45: {  	_ =	shalt  }
0x46: {  	_ =	shalt  }
0x47: {  	_ =	shalt  }
0x48: {  	_ =	shalt  }
0x49: {  	_ =	shalt  }
0x4a: {  	_ =	shalt  }
0x4b: {  	_ =	shalt  }
0x4c: {  	_ =	shalt  }
0x4d: {  	_ =	shalt  }
0x4e: {  	_ =	shalt  }
0x4f: {  	_ =	shalt  }
0x50: {  	_ =	shalt  }
0x51: {  	_ =	shalt  }
0x52: {  	_ =	shalt  }
0x53: {  	_ =	shalt  }
0x54: {  	_ =	shalt  }
0x55: {  	_ =	shalt  }
0x56: {  	_ =	shalt  }
0x57: {  	_ =	shalt  }
0x58: {  	_ =	shalt  }
0x59: {  	_ =	shalt  }
0x5a: {  	_ =	shalt  }
0x5b: {  	_ =	shalt  }
0x5c: {  	_ =	shalt  }
0x5d: {  	_ =	shalt  }
0x5e: {  	_ =	shalt  }
0x5f: {  	_ =	shalt  }
0x60: {  	_ =	shalt  }
0x61: {  	_ =	shalt  }
0x62: {  	_ =	shalt  }
0x63: {  	_ =	shalt  }
0x64: {  	_ =	shalt  }
0x65: {  	_ =	shalt  }
0x66: {  	_ =	shalt  }
0x67: {  	_ =	shalt  }
0x68: {  	_ =	shalt  }
0x69: {  	_ =	shalt  }
0x6a: {  	_ =	shalt  }
0x6b: {  	_ =	shalt  }
0x6c: {  	_ =	shalt  }
0x6d: {  	_ =	shalt  }
0x6e: {  	_ =	shalt  }
0x6f: {  	_ =	shalt  }
0x70: {  	_ =	shalt  }
0x71: {  	_ =	shalt  }
0x72: {  	_ =	shalt  }
0x73: {  	_ =	shalt  }
0x74: {  	_ =	shalt  }
0x75: {  	_ =	shalt  }
0x76: {  	_ =	shalt  }
0x77: {  	_ =	shalt  }
0x78: {  	_ =	shalt  }
0x79: {  	_ =	shalt  }
0x7a: {  	_ =	shalt  }
0x7b: {  	_ =	shalt  }
0x7c: {  	_ =	shalt  }
0x7d: {  	_ =	shalt  }
0x7e: {  	_ =	shalt  }
0x7f: {  	_ =	shalt  }
0x80: {  	_ =	shalt  }
0x81: {  	_ =	shalt  }
0x82: {  	_ =	shalt  }
0x83: {  	_ =	shalt  }
0x84: {  	_ =	shalt  }
0x85: {  	_ =	shalt  }
0x86: {  	_ =	shalt  }
0x87: {  	_ =	shalt  }
.Lfunc_end0:
.L_simem_size_0:
called_computation.2_lowered:
.L_overlay_start_0:
0x88: {  	s2 =	sld [smem:$0x3FD9]  }
0x89: {  	s3 =	sld [smem:$0x3FFE];
	_ =	sdelay $0x1  }
0x8a: {  	s1 =	srdreg.scid  }
0x8b: {  	s0 =	sand.u32 $0x1, s1  }
0x8c: {  	s17 =	sshll.u32 s0, $0xA;
	s2 =	sadd.s32 s3, s2  }
0x8d: {  	s2 =	sadd.s32 s2, s17  }
0x8e: {  	[smem:$0x3FBB] =	sst s2  }
0x8f: {  	_ = 	snop  }
0x90: {  	s2 =	sld [smem:$0x3FD0];
	(tm) =	ssettm $0x1  }
0x91: {  	s18 =	sld [smem:$0x3FFB];
	_ =	sdelay $0x3  }
0x92: {  	_ =	strace s18  }
0x93: {  	s3 =	sld [smem:$0x3FFC];
	_ =	sdelay $0x3  }
0x94: {  	_ =	strace s3  }
0x95: {  	s3 =	sld [smem:$0x3FFD];
	_ =	sdelay $0x3  }
0x96: {  	_ =	strace s3  }
0x97: {  	_ =	strace $0x8FFFFFFF  }
0x98: {  	s19 =	sld [smem:$0x3FDB];
	_ =	sdelay $0x1  }
0x99: {  	s4 =	simm.s32 $_scs_section_size  }
0x9a: {  	s5 =	simm.s32 $_size__tile_overlayer_lowered;
	s6 =	simm.s32 $_tile_overlayer_lowered  }
0x9b: {  	s22 =	simm.s32 $0x1BFF;
	s21 =	sshll.u32 s6, $0x1;
	s3 =	sadd.s32 s4, s19  }
0x9c: {  	s7 =	simm.s32 $0x0;
	s20 =	sshll.u32 s5, $0x1;
	s5 =	sadd.s32 s21, s3  }
0x9d: {  	[timem:s7], [sflag:s22] =	dma.local [hbm:s5], s20  }
0x9e: {  	_ =	swait.ge [sflag:s22], s20  }
0x9f: {  	s4 =	ssub.s32 $0x0, s20;
	[sflag:s22] =	ssyncset.done $0x0  }
0xa0: {  	[sflag:s22] =	ssyncadd.s32 s4;
	_ =	sdelay $0x1  }
0xa1: {  	s23 =	simm.s32 $0x1B8B  }
0xa2: {  	_ =	swait.ge [sflag:s23], $0x1  }
0xa3: {  	[sflag:s23] =	ssyncset.done $0x0  }
0xa4: {  	s25 =	simm.s32 $0x1B8E;
	s24 =	sld [smem:$0x3FFE];
	[sflag:s23] =	ssyncadd.s32 $0xFFFFFFFF  }
0xa5: {  	s26 =	simm.s32 $execute0_lowered;
	[smem:$0x3FD2] =	sst s25  }
0xa6: {  	s5 =	sshll.u32 s26, $0x1;
	_ =	strace $0x8000004C;
	[dreg:$0x1] =	wrdreg $0xFFFFFFFF  }
0xa7: {  	s28 =	simm.s32 $_size_execute0_lowered;
	s3 =	sadd.s32 s3, s5;
	[dreg:$0x0] =	wrdreg $0x0  }
0xa8: {  	s5 =	sshll.u32 s28, $0x1;
	[dreg:$0x2] =	wrdreg s3  }
0xa9: {  	[dreg:$0x3] =	wrdreg s5  }
0xaa: {  	[dreg:$0x4] =	wrdreg $0xC0  }
0xab: {  	_ =	task [dreg:s7], $0x5FFFF  }
0xac: {  	[dreg:$0x1] =	wrdreg $0xFFFFFFFF  }
0xad: {  	[dreg:$0x0] =	wrdreg $0x60  }
0xae: {  	[dreg:$0x2] =	wrdreg s24  }
0xaf: {  	[dreg:$0x3] =	wrdreg s2  }
0xb0: {  	[dreg:$0x4] =	wrdreg $0x9  }
0xb1: {  	_ =	task.clear_ibuf [dreg:s7], $0x5FFFF;
	_ =	strace $0x9000004C  }
0xb2: {  	s29 =	simm.s32 $0x9;
	_ =	strace $0x8000004E  }
0xb3: {  	_ =	swait.ge [sflag:s29], $0x1  }
0xb4: {  	[sflag:s29] =	ssyncadd.s32 $0xFFFFFFFF  }
0xb5: {  	_ =	strace $0x9000004E  }
0xb6: {  	_ =	sfence  }
0xb7: {  	s30 =	sld [smem:$0x0];
	_ =	sdelay $0x2  }
0xb8: {  	s31 =	sshll.u32 s1, $0xD;
	s1 =	sshrl.u32 s1, $0x2  }
0xb9: {  	s3 =	sand.u32 $0x4000, s31;
	s1 =	sadd.s32 s1, s30  }
0xba: {  	s0 =	sor.u32 s3, s0;
	s1 =	sshll.u32 s1, $0x11  }
0xbb: {  	s0 =	sor.u32 s1, s0  }
0xbc: {  	s0 =	sadd.s32 $0x8F2B, s0  }
0xbd: {  	[sflag:s0] =	ssyncadd.remote.s32 $0x1  }
0xbe: {  	_ =	sfence.sel $0xFFFF  }
0xbf: {  	[dreg:$0x0] =	wrdreg $0xFFFFFFFF;
	(pc) =	sbr.abs _section_cstart, $3  }
0xc0: {  	[dreg:$0x1] =	wrdreg $0xFFFFFFFF  }
0xc1: {  	_ =	task.clear_ibuf [dreg:s7], $0x2FFFF;
	_ =	strace $0x9FFFFFFF  }
0xc2: {  	(tm) =	ssettm $0x7FFFFFFF  }
0xc3: {  	_ =	shalt  }
tec
execute0_lowered:
.L_overlay_start_1:
0x0: {  	(tag) =	ssettag $0x1  }
0x1: {  	v0 =	vlaneseq.u32  }
0x2: {  	v0 =	vmul.u32 $0x10, v0;
	_ =	sdelay $0x1  }
0x3: {  	v1 =	vor.u32 $0x1, v0  }
0x4: {  	[tilespmem:$0x1FD10] =	vst v1;
	v1 =	vor.u32 $0x2, v0  }
0x5: {  	[tilespmem:$0x1FD20] =	vst v1;
	v1 =	vor.u32 $0x3, v0  }
0x6: {  	[tilespmem:$0x1FD30] =	vst v1;
	v1 =	vor.u32 $0x4, v0  }
0x7: {  	[tilespmem:$0x1FD40] =	vst v1;
	v1 =	vor.u32 $0x5, v0  }
0x8: {  	[tilespmem:$0x1FD50] =	vst v1;
	v1 =	vor.u32 $0x6, v0  }
0x9: {  	[tilespmem:$0x1FD60] =	vst v1;
	v1 =	vor.u32 $0x7, v0  }
0xa: {  	[tilespmem:$0x1FD70] =	vst v1;
	v1 =	vor.u32 $0x8, v0  }
0xb: {  	[tilespmem:$0x1FD80] =	vst v1;
	v1 =	vor.u32 $0x9, v0  }
0xc: {  	[tilespmem:$0x1FD90] =	vst v1;
	v1 =	vor.u32 $0xA, v0  }
0xd: {  	[tilespmem:$0x1FDA0] =	vst v1;
	v1 =	vor.u32 $0xB, v0  }
0xe: {  	[tilespmem:$0x1FDB0] =	vst v1;
	v1 =	vor.u32 $0xC, v0  }
0xf: {  	[tilespmem:$0x1FDC0] =	vst v1;
	v1 =	vor.u32 $0xD, v0  }
0x10: {  	[tilespmem:$0x1FDD0] =	vst v1;
	v1 =	vor.u32 $0xE, v0  }
0x11: {  	[tilespmem:$0x1FDE0] =	vst v1;
	v1 =	vor.u32 $0xF, v0  }
0x12: {  	[tilespmem:$0x1FDF0] =	vst v1;
	v1 =	vor.u32 $0x100, v0  }
0x13: {  	[tilespmem:$0x1FE00] =	vst v1;
	v1 =	vor.u32 $0x101, v0  }
0x14: {  	s0 =	srdreg.scid;
	s2 =	stileid.u32;
	[tilespmem:$0x1FE10] =	vst v1;
	v1 =	vor.u32 $0x102, v0  }
0x15: {  	s0 =	sand.u32 $0x1, s0;
	s3 =	sshll.u32 s2, $0x1;
	[tilespmem:$0x1FE20] =	vst v1;
	v1 =	vor.u32 $0x103, v0  }
0x16: {  	s1 =	rddreg [dreg:$0x0];
	s4 =	sor.u32 s0, s3;
	s3 =	simm.s32 $0x0;
	[tilespmem:$0x1FE30] =	vst v1;
	v1 =	vor.u32 $0x104, v0  }
0x17: {  	[smem:$0x7FF] =	sst s3;
	[tilespmem:$0x1FE40] =	vst v1;
	v1 =	vor.u32 $0x105, v0  }
0x18: {  	s2 =	rddreg [dreg:$0x1];
	_ =	strace $0x8000004D;
	[tilespmem:$0x1FE50] =	vst v1;
	v1 =	vor.u32 $0x106, v0  }
0x19: {  	[tilespmem:$0x1FE60] =	vst v1;
	v1 =	vor.u32 $0x107, v0  }
0x1a: {  	[tilespmem:$0x1FE70] =	vst v1;
	v1 =	vor.u32 $0x108, v0  }
0x1b: {  	[tilespmem:$0x1FE80] =	vst v1;
	v1 =	vor.u32 $0x109, v0  }
0x1c: {  	[tilespmem:$0x1FE90] =	vst v1;
	v1 =	vor.u32 $0x10A, v0  }
0x1d: {  	[tilespmem:$0x1FEA0] =	vst v1;
	v1 =	vor.u32 $0x10B, v0  }
0x1e: {  	[tilespmem:$0x1FEB0] =	vst v1;
	v1 =	vor.u32 $0x10C, v0  }
0x1f: {  	[tilespmem:$0x1FEC0] =	vst v1;
	v1 =	vor.u32 $0x10D, v0  }
0x20: {  	[tilespmem:$0x1FED0] =	vst v1;
	v1 =	vor.u32 $0x10E, v0  }
0x21: {  	[tilespmem:$0x1FEE0] =	vst v1;
	v1 =	vor.u32 $0x10F, v0  }
0x22: {  	[tilespmem:$0x1FEF0] =	vst v1;
	v1 =	vor.u32 $0x200, v0  }
0x23: {  	[tilespmem:$0x1FF00] =	vst v1;
	v1 =	vor.u32 $0x201, v0  }
0x24: {  	[tilespmem:$0x1FF10] =	vst v1;
	v1 =	vor.u32 $0x202, v0  }
0x25: {  	[tilespmem:$0x1FF20] =	vst v1;
	v1 =	vor.u32 $0x203, v0  }
0x26: {  	[tilespmem:$0x1FF30] =	vst v1;
	v1 =	vor.u32 $0x204, v0  }
0x27: {  	[tilespmem:$0x1FF40] =	vst v1;
	v1 =	vor.u32 $0x205, v0  }
0x28: {  	[tilespmem:$0x1FF50] =	vst v1;
	v1 =	vor.u32 $0x206, v0  }
0x29: {  	[tilespmem:$0x1FF60] =	vst v1;
	v1 =	vor.u32 $0x207, v0  }
0x2a: {  	s11 =	simm.s32 $0x4;
	s12 =	simm.s32 $0x2710;
	s13 =	simm.s32 $0x50;
	[tilespmem:$0x1FF70] =	vst v1;
	v1 =	vor.u32 $0x208, v0  }
0x2b: {  	s14 =	simm.s32 $0x4E20;
	s15 =	simm.s32 $0x7620;
	s16 =	simm.s32 $0x1;
	[tilespmem:$0x1FF80] =	vst v1;
	v1 =	vor.u32 $0x209, v0  }
0x2c: {  	s17 =	simm.s32 $0x2;
	s18 =	simm.s32 $0x6220;
	s19 =	simm.s32 $0x2760;
	[tilespmem:$0x1FF90] =	vst v1;
	v1 =	vor.u32 $0x20A, v0  }
0x2d: {  	s20 =	simm.s32 $0x8A20;
	s21 =	simm.s32 $0x9E20;
	s22 =	simm.s32 $0xA320;
	[tilespmem:$0x1FFA0] =	vst v1;
	v1 =	vor.u32 $0x20B, v0  }
0x2e: {  	s23 =	simm.s32 $0x3;
	s0 =	ssub.s32 $0x2, s0;
	s4 =	smul.u32 $0x2710, s4;
	[tilespmem:$0x1FFB0] =	vst v1;
	v1 =	vor.u32 $0x20C, v0  }
0x2f: {  	s24 =	simm.s32 $0xA370;
	s25 =	simm.s32 $0x0;
	s6 =	sshrl.u32 s0, $0x1;
	[tilespmem:$0x1FFC0] =	vst v1;
	v1 =	vor.u32 $0x20D, v0  }
0x30: {  	s5 =	sadd.s32 $0x2A00, s1;
	s0 =	ssub.s32 s0, s6;
	s8 =	sshrl.u32 s4, $0x3;
	[tilespmem:$0x1FFD0] =	vst v1;
	v1 =	vor.u32 $0x20E, v0  }
0x31: {  	s9 =	sadd.s32 $0x50, s4;
	s10 =	smax.u32 s0, $0x1;
	s1 =	sadd.s32 s8, s1;
	[tilespmem:$0x1FFE0] =	vst v1;
	v1 =	vor.u32 $0x20F, v0  }
0x32: {  	s8 =	sadd.s32 s2, s8;
	s6 =	sadd.s32 $0x64A00, s1;
	s7 =	sadd.s32 $0x5AC00, s1;
	[tilespmem:$0x1FFF0] =	vst v1  }
.LBB2_1:
0x33: {  	[tilespmem:s3], [sflag:$0x4] =	stream.linear.gather [hbm4b:s6+s3], $0x2710, $0x38;
	[tilespmem:$0xA3C0] =	vst v63  }
0x34: {  	_ =	swait.ge [sflag:s11], $0x2710  }
0x35: {  	[sflag:s11] =	ssyncset.done $0x0  }
0x36: {  	[sflag:s11] =	ssyncadd.s32 $0xFFFFD8F0  }
0x37: {  	[tilespmem:s12], [sflag:$0x4] =	stream.linear.gather [hbm4b:s7+s3], $0x2710, $0x38;
	[tilespmem:$0xA3C0] =	vst v63  }
0x38: {  	_ =	swait.ge [sflag:s11], $0x2710  }
0x39: {  	[sflag:s11] =	ssyncset.done $0x0  }
0x3a: {  	[sflag:s11] =	ssyncadd.s32 $0xFFFFD8F0  }
0x3b: {  	[tilespmem:s14], [sflag:$0x1] =	stream.indirect.gather [hbm4b:s5+s13], $0x40, s3, s13, $0xb8;
	[tilespmem:$0xA3C0] =	vst v63  }
0x3c: {  	_ = 	snop  }
0x3d: {  	[tilespmem:s15], [sflag:$0x2] =	stream.indirect.gather [hbm4b:s5+s13], $0x40, s12, s13, $0xb8;
	[tilespmem:$0xA3C0] =	vst v63  }
0x3e: {  	_ =	swait.ge [sflag:s16], $0x1400  }
0x3f: {  	[sflag:s16] =	ssyncset.done $0x0  }
0x40: {  	[sflag:s16] =	ssyncadd.s32 $0xFFFFEC00  }
0x41: {  	_ =	swait.ge [sflag:s17], $0x1400  }
0x42: {  	[sflag:s17] =	ssyncset.done $0x0  }
0x43: {  	[sflag:s17] =	ssyncadd.s32 $0xFFFFEC00  }
0x44: {  	[tilespmem:s18], [sflag:$0x1] =	stream.indirect.gather [hbm4b:s5+s13], $0x40, s13, s13, $0xb8;
	[tilespmem:$0xA3C0] =	vst v63  }
0x45: {  	s0 =	simm.s32 $0x4EA0  }
0x46: {  	[tilespmem:s20], [sflag:$0x2] =	stream.indirect.gather [hbm4b:s5+s13], $0x40, s19, s13, $0xb8;
	[tilespmem:$0xA3C0] =	vst v63  }
0x47: {  	s26 =	simm.s32 $0x76A0;
	v1 =	vld [tilespmem:s0+$0x40]  }
0x48: {  	v2 =	vld [tilespmem:s26+$0x40]  }
0x49: {  	v3 =	vld [tilespmem:s26+$0xFFFFFF80]  }
0x4a: {  	v4 =	vld [tilespmem:s0+$0xFFFFFFC0]  }
0x4b: {  	v5 =	vld [tilespmem:s0+$0x50]  }
0x4c: {  	v6 =	vld [tilespmem:s26+$0x50]  }
0x4d: {  	v7 =	vld [tilespmem:s26+$0xFFFFFFC0]  }
0x4e: {  	v8 =	vld [tilespmem:s0+$0x60]  }
0x4f: {  	v10 =	vld [tilespmem:s26+$0x60];
	v1 =	vmul.bf16 v2, v1  }
0x50: {  	v11 =	vld [tilespmem:s26+$0x0]  }
0x51: {  	v2 =	vld [tilespmem:s0+$0x0];
	v9 =	vunpack.i.l.bf16.f32 v1  }
0x52: {  	v5 =	vmul.bf16 v6, v5;
	v6 =	vld [tilespmem:s0+$0xFFFFFF80];
	v9 =	vadd.f32 $0.0e+00, v9  }
0x53: {  	v12 =	vld [tilespmem:s26+$0x70];
	v1 =	vunpack.i.u.bf16.f32 v1  }
0x54: {  	v4 =	vmul.bf16 v7, v4;
	v8 =	vmul.bf16 v10, v8;
	v10 =	vld [tilespmem:s26+$0xFFFFFF90];
	v1 =	vadd.f32 v9, v1  }
0x55: {  	v7 =	vunpack.i.l.bf16.f32 v5;
	v9 =	vld [tilespmem:s0+$0x70]  }
0x56: {  	v13 =	vunpack.i.l.bf16.f32 v4;
	v5 =	vunpack.i.u.bf16.f32 v5;
	v1 =	vadd.f32 v7, v1;
	v7 =	vld [tilespmem:s0+$0xFFFFFF90]  }
0x57: {  	v4 =	vunpack.i.u.bf16.f32 v4;
	v2 =	vmul.bf16 v11, v2;
	v3 =	vmul.bf16 v3, v6;
	v11 =	vld [tilespmem:s26+$0xFFFFFFD0]  }
0x58: {  	v13 =	vadd.f32 $0.0e+00, v13;
	v6 =	vunpack.i.l.bf16.f32 v8;
	v1 =	vadd.f32 v1, v5;
	v5 =	vld [tilespmem:s0+$0xFFFFFFD0]  }
0x59: {  	v57 =	vld [tilespmem:s26+$0x10];
	v8 =	vunpack.i.u.bf16.f32 v8;
	v56 =	vunpack.i.l.bf16.f32 v2;
	v14 =	vunpack.i.l.bf16.f32 v3  }
0x5a: {  	v15 =	vld [tilespmem:s26+$0xFFFFFFA0];
	v3 =	vunpack.i.u.bf16.f32 v3;
	v14 =	vadd.f32 $0.0e+00, v14;
	v1 =	vadd.f32 v6, v1  }
0x5b: {  	v9 =	vmul.bf16 v12, v9;
	v6 =	vld [tilespmem:s0+$0x10];
	v7 =	vmul.bf16 v10, v7;
	v10 =	vadd.f32 $0.0e+00, v56  }
0x5c: {  	v2 =	vunpack.i.u.bf16.f32 v2;
	v3 =	vadd.f32 v14, v3;
	v1 =	vadd.f32 v1, v8;
	v8 =	vld [tilespmem:s0+$0xFFFFFFA0]  }
0x5d: {  	v59 =	vld [tilespmem:s0+$0xFFFFFFE0];
	v58 =	vunpack.i.l.bf16.f32 v9;
	v5 =	vmul.bf16 v11, v5;
	v2 =	vadd.f32 v10, v2  }
0x5e: {  	v10 =	vld [tilespmem:s26+$0xFFFFFFE0];
	v11 =	vunpack.i.u.bf16.f32 v7;
	v7 =	vunpack.i.l.bf16.f32 v7;
	v1 =	vadd.f32 v58, v1  }
0x5f: {  	v16 =	vld [tilespmem:s0+$0x20];
	v4 =	vadd.f32 v13, v4;
	v9 =	vunpack.i.u.bf16.f32 v9;
	v3 =	vadd.f32 v7, v3  }
0x60: {  	v61 =	vld [tilespmem:s26+$0x20];
	v6 =	vmul.bf16 v57, v6;
	v60 =	vadd.f32 v1, v9;
	v1 =	vunpack.i.l.bf16.f32 v5  }
0x61: {  	v5 =	vunpack.i.u.bf16.f32 v5;
	v7 =	vadd.f32 v1, v4;
	v8 =	vmul.bf16 v15, v8;
	v1 =	vld [tilespmem:s0+$0xFFFFFFB0]  }
0x62: {  	v3 =	vadd.f32 v3, v11;
	v9 =	vunpack.i.u.bf16.f32 v6;
	v6 =	vunpack.i.l.bf16.f32 v6;
	v4 =	vld [tilespmem:s26+$0xFFFFFFB0]  }
0x63: {  	v6 =	vadd.f32 v6, v2;
	v10 =	vmul.bf16 v10, v59;
	v2 =	vld [tilespmem:s0+$0xFFFFFFF0];
	v11 =	vunpack.i.l.bf16.f32 v8  }
0x64: {  	v62 =	vadd.f32 v7, v5;
	v8 =	vunpack.i.u.bf16.f32 v8;
	v5 =	vld [tilespmem:s26+$0xFFFFFFF0];
	v63 =	vadd.f32 v11, v3  }
0x65: {  	s28 =	simm.s32 $0x9E40;
	v7 =	vadd.f32 v6, v9;
	v6 =	vunpack.i.l.bf16.f32 v10;
	v3 =	vld [tilespmem:s0+$0x30];
	v11 =	vmul.bf16 v61, v16  }
0x66: {  	s29 =	simm.s32 $0x0;
	s1 =	simm.s32 $0x4FA0;
	[tilespmem:s28+$0x10] =	vst v60;
	v9 =	vunpack.i.u.bf16.f32 v10;
	v10 =	vadd.f32 v6, v62;
	v6 =	vld [tilespmem:s26+$0x30];
	v8 =	vadd.f32 v63, v8  }
.LBB2_2:
0x67: {  	v12 =	vld [tilespmem:s1+$0x40];
	v1 =	vmul.bf16 v4, v1;
	v4 =	vunpack.i.u.bf16.f32 v11;
	v11 =	vunpack.i.l.bf16.f32 v11;
	s26 =	sadd.s32 $0x100, s26  }
0x68: {  	s29 =	sadd.s32 $0x4, s29;
	v13 =	vld [tilespmem:s26+$0x40];
	v9 =	vadd.f32 v10, v9;
	v7 =	vadd.f32 v11, v7  }
0x69: {  	p0 =	slt.u32 s29, $0x4C;
	v10 =	vld [tilespmem:s26+$0xFFFFFF80];
	v11 =	vunpack.i.u.bf16.f32 v1;
	v1 =	vunpack.i.l.bf16.f32 v1;
	v2 =	vmul.bf16 v5, v2  }
0x6a: {  	v5 =	vld [tilespmem:s1+$0xFFFFFFC0];
	v1 =	vadd.f32 v1, v8;
	v4 =	vadd.f32 v7, v4  }
0x6b: {  	v7 =	vld [tilespmem:s1+$0x50];
	v8 =	vunpack.i.u.bf16.f32 v2;
	v2 =	vunpack.i.l.bf16.f32 v2;
	v3 =	vmul.bf16 v6, v3  }
0x6c: {  	v6 =	vld [tilespmem:s26+$0x50];
	v1 =	vadd.f32 v1, v11;
	v2 =	vadd.f32 v2, v9  }
0x6d: {  	v9 =	vld [tilespmem:s26+$0xFFFFFFC0];
	v11 =	vmul.bf16 v13, v12;
	v12 =	vunpack.i.u.bf16.f32 v3;
	v3 =	vunpack.i.l.bf16.f32 v3  }
0x6e: {  	v13 =	vld [tilespmem:s1+$0x0];
	[tilespmem:s28+$0xFFFFFFE0] =	vst v1;
	v1 =	vadd.f32 v2, v8;
	v2 =	vadd.f32 v3, v4  }
0x6f: {  	v3 =	vunpack.i.l.bf16.f32 v11;
	v4 =	vld [tilespmem:s1+$0x60]  }
0x70: {  	v3 =	vadd.f32 $0.0e+00, v3;
	v8 =	vld [tilespmem:s26+$0x60];
	[tilespmem:s28+$0xFFFFFFF0] =	vst v1;
	v1 =	vadd.f32 v2, v12  }
0x71: {  	v11 =	vunpack.i.u.bf16.f32 v11;
	v2 =	vld [tilespmem:s26+$0x0];
	v6 =	vmul.bf16 v6, v7  }
0x72: {  	v7 =	vld [tilespmem:s1+$0xFFFFFF80];
	v5 =	vmul.bf16 v9, v5;
	v3 =	vadd.f32 v3, v11;
	[tilespmem:s28+$0x0] =	vst v1  }
0x73: {  	v1 =	vunpack.i.l.bf16.f32 v6;
	v9 =	vld [tilespmem:s1+$0x70]  }
0x74: {  	v11 =	vunpack.i.u.bf16.f32 v5;
	v5 =	vunpack.i.l.bf16.f32 v5;
	v1 =	vadd.f32 v1, v3;
	v3 =	vld [tilespmem:s26+$0x70]  }
0x75: {  	v6 =	vunpack.i.u.bf16.f32 v6;
	v12 =	vld [tilespmem:s1+$0xFFFFFF90];
	v5 =	vadd.f32 $0.0e+00, v5;
	v4 =	vmul.bf16 v8, v4  }
0x76: {  	v8 =	vld [tilespmem:s26+$0xFFFFFF90];
	v2 =	vmul.bf16 v2, v13;
	v1 =	vadd.f32 v1, v6  }
0x77: {  	v6 =	vmul.bf16 v10, v7;
	v5 =	vadd.f32 v5, v11;
	v7 =	vld [tilespmem:s1+$0xFFFFFFD0];
	v10 =	vunpack.i.l.bf16.f32 v4  }
0x78: {  	v11 =	vld [tilespmem:s26+$0xFFFFFFD0];
	v13 =	vunpack.i.u.bf16.f32 v2;
	v2 =	vunpack.i.l.bf16.f32 v2;
	v1 =	vadd.f32 v10, v1  }
0x79: {  	v4 =	vunpack.i.u.bf16.f32 v4;
	v10 =	vunpack.i.l.bf16.f32 v6;
	v14 =	vld [tilespmem:s1+$0x10];
	v3 =	vmul.bf16 v3, v9  }
0x7a: {  	v6 =	vunpack.i.u.bf16.f32 v6;
	v9 =	vadd.f32 $0.0e+00, v10;
	v10 =	vld [tilespmem:s26+$0x10];
	v1 =	vadd.f32 v1, v4  }
0x7b: {  	v2 =	vadd.f32 $0.0e+00, v2;
	v4 =	vmul.bf16 v8, v12;
	v8 =	vld [tilespmem:s1+$0xFFFFFFA0];
	v12 =	vunpack.i.l.bf16.f32 v3  }
0x7c: {  	v6 =	vadd.f32 v9, v6;
	v9 =	vld [tilespmem:s26+$0xFFFFFFA0];
	v1 =	vadd.f32 v12, v1  }
0x7d: {  	v2 =	vadd.f32 v2, v13;
	v3 =	vunpack.i.u.bf16.f32 v3;
	v7 =	vmul.bf16 v11, v7;
	v11 =	vld [tilespmem:s1+$0xFFFFFFE0]  }
0x7e: {  	v12 =	vunpack.i.u.bf16.f32 v4;
	v4 =	vunpack.i.l.bf16.f32 v4;
	v13 =	vld [tilespmem:s26+$0xFFFFFFE0];
	v1 =	vadd.f32 v1, v3  }
0x7f: {  	s28 =	sadd.s32 $0x40, s28;
	v3 =	vadd.f32 v4, v6;
	v4 =	vunpack.i.l.bf16.f32 v7;
	v6 =	vmul.bf16 v10, v14;
	v10 =	vld [tilespmem:s1+$0x20]  }
0x80: {  	v7 =	vunpack.i.u.bf16.f32 v7;
	v5 =	vadd.f32 v4, v5;
	v14 =	vld [tilespmem:s26+$0x20];
	[tilespmem:s28+$0x10] =	vst v1  }
0x81: {  	v8 =	vmul.bf16 v9, v8;
	v1 =	vld [tilespmem:s1+$0xFFFFFFB0];
	v9 =	vunpack.i.u.bf16.f32 v6;
	v6 =	vunpack.i.l.bf16.f32 v6  }
.Ltmp0:
0x82: {  	v3 =	vadd.f32 v3, v12;
	v4 =	vld [tilespmem:s26+$0xFFFFFFB0];
	v6 =	vadd.f32 v6, v2;
	(pc) =	sbr.rel @p0 .LBB2_2-.Ltmp0, $4  }
0x83: {  	v15 =	vadd.f32 v5, v7;
	v12 =	vunpack.i.l.bf16.f32 v8;
	v11 =	vmul.bf16 v13, v11;
	v2 =	vld [tilespmem:s1+$0xFFFFFFF0]  }
0x84: {  	v8 =	vunpack.i.u.bf16.f32 v8;
	v12 =	vadd.f32 v12, v3;
	v5 =	vld [tilespmem:s26+$0xFFFFFFF0];
	v7 =	vadd.f32 v6, v9  }
0x85: {  	v9 =	vunpack.i.u.bf16.f32 v11;
	v6 =	vunpack.i.l.bf16.f32 v11;
	v11 =	vmul.bf16 v14, v10;
	v3 =	vld [tilespmem:s1+$0x30]  }
0x86: {  	s1 =	sadd.s32 $0x100, s1;
	v8 =	vadd.f32 v12, v8;
	v10 =	vadd.f32 v6, v15;
	v6 =	vld [tilespmem:s26+$0x30]  }
0x87: {  	_ =	sdelay $0x1  }
0x88: {  	v1 =	vmul.bf16 v4, v1;
	v4 =	vunpack.i.l.bf16.f32 v11  }
0x89: {  	v11 =	vunpack.i.u.bf16.f32 v11;
	v4 =	vadd.f32 v4, v7;
	v2 =	vmul.bf16 v5, v2  }
0x8a: {  	v5 =	vadd.f32 v10, v9;
	v7 =	vunpack.i.l.bf16.f32 v1;
	v3 =	vmul.bf16 v6, v3  }
0x8b: {  	v4 =	vadd.f32 v4, v11;
	v6 =	vadd.f32 v7, v8;
	v7 =	vunpack.i.l.bf16.f32 v2  }
0x8c: {  	v1 =	vunpack.i.u.bf16.f32 v1;
	v5 =	vadd.f32 v7, v5;
	v7 =	vunpack.i.l.bf16.f32 v3  }
0x8d: {  	v2 =	vunpack.i.u.bf16.f32 v2;
	v1 =	vadd.f32 v6, v1;
	v4 =	vadd.f32 v7, v4  }
0x8e: {  	v3 =	vunpack.i.u.bf16.f32 v3;
	v2 =	vadd.f32 v5, v2  }
0x8f: {  	[tilespmem:s28+$0xFFFFFFE0] =	vst v1;
	v1 =	vadd.f32 v4, v3  }
0x90: {  	[tilespmem:s28+$0xFFFFFFF0] =	vst v2  }
0x91: {  	[tilespmem:s28+$0x0] =	vst v1  }
0x92: {  	v1 =	vld.idx.msk [tilespmem:v0+s21+$0x0], $0xffff  }
0x93: {  	v2 =	vld [tilespmem:$0x1FD10]  }
0x94: {  	v3 =	vld [tilespmem:$0x1FD20]  }
0x95: {  	v4 =	vld [tilespmem:$0x1FD30]  }
0x96: {  	v5 =	vld [tilespmem:$0x1FD40]  }
0x97: {  	v6 =	vld [tilespmem:$0x1FD50]  }
0x98: {  	v7 =	vld [tilespmem:$0x1FD60]  }
0x99: {  	v8 =	vld [tilespmem:$0x1FD70]  }
0x9a: {  	v15 =	vld [tilespmem:$0x1FDE0]  }
0x9b: {  	v2 =	vld.idx.msk [tilespmem:v2+s21+$0x0], $0xffff  }
0x9c: {  	v9 =	vld [tilespmem:$0x1FD80]  }
0x9d: {  	v10 =	vld [tilespmem:$0x1FD90]  }
0x9e: {  	v11 =	vld [tilespmem:$0x1FDA0];
	v1 =	vadd.f32 $0.0e+00, v1  }
0x9f: {  	v12 =	vld [tilespmem:$0x1FDB0]  }
0xa0: {  	v1 =	vadd.f32 v2, v1;
	v2 =	vld [tilespmem:$0x1FE80]  }
0xa1: {  	v13 =	vld [tilespmem:$0x1FDC0]  }
0xa2: {  	v3 =	vld.idx.msk [tilespmem:v3+s21+$0x0], $0xffff  }
0xa3: {  	v16 =	vld.idx.msk [tilespmem:v15+s21+$0x0], $0xffff  }
0xa4: {  	v15 =	vld [tilespmem:$0x1FDF0]  }
0xa5: {  	v14 =	vld [tilespmem:$0x1FDD0]  }
0xa6: {  	v4 =	vld.idx.msk [tilespmem:v4+s21+$0x0], $0xffff  }
0xa7: {  	v5 =	vld.idx.msk [tilespmem:v5+s21+$0x0], $0xffff  }
0xa8: {  	v27 =	vld.idx.msk [tilespmem:v2+s21+$0x0], $0xffff  }
0xa9: {  	v1 =	vadd.f32 v3, v1;
	v2 =	vld [tilespmem:$0x1FE90]  }
0xaa: {  	v6 =	vld.idx.msk [tilespmem:v6+s21+$0x0], $0xffff  }
0xab: {  	v7 =	vld.idx.msk [tilespmem:v7+s21+$0x0], $0xffff;
	v1 =	vadd.f32 v4, v1  }
0xac: {  	v17 =	vld.idx.msk [tilespmem:v15+s21+$0x0], $0xffff  }
0xad: {  	v15 =	vld [tilespmem:$0x1FE00];
	v1 =	vadd.f32 v5, v1  }
0xae: {  	v62 =	vor.u32 $0x307, v0;
	v8 =	vld.idx.msk [tilespmem:v8+s21+$0x0], $0xffff  }
0xaf: {  	v9 =	vld.idx.msk [tilespmem:v9+s21+$0x0], $0xffff;
	v1 =	vadd.f32 v6, v1  }
0xb0: {  	v10 =	vld.idx.msk [tilespmem:v10+s21+$0x0], $0xffff  }
0xb1: {  	v1 =	vadd.f32 v7, v1;
	v43 =	vld.idx.msk [tilespmem:v2+s21+$0x0], $0xffff  }
0xb2: {  	v2 =	vld [tilespmem:$0x1FEA0]  }
0xb3: {  	v54 =	vld.idx.msk [tilespmem:v62+s21+$0x0], $0xffff;
	v1 =	vadd.f32 v8, v1  }
0xb4: {  	v11 =	vld.idx.msk [tilespmem:v11+s21+$0x0], $0xffff  }
0xb5: {  	v18 =	vld.idx.msk [tilespmem:v15+s21+$0x0], $0xffff;
	v1 =	vadd.f32 v9, v1  }
0xb6: {  	v15 =	vld [tilespmem:$0x1FE10]  }
0xb7: {  	v12 =	vld.idx.msk [tilespmem:v12+s21+$0x0], $0xffff;
	v1 =	vadd.f32 v10, v1  }
0xb8: {  	v13 =	vld.idx.msk [tilespmem:v13+s21+$0x0], $0xffff  }
0xb9: {  	v1 =	vadd.f32 v11, v1;
	v11 =	vld [tilespmem:$0x1FFA0]  }
0xba: {  	v40 =	vld.idx.msk [tilespmem:v2+s21+$0x0], $0xffff  }
0xbb: {  	v2 =	vld [tilespmem:$0x1FEB0]  }
0xbc: {  	v14 =	vld.idx.msk [tilespmem:v14+s21+$0x0], $0xffff  }
0xbd: {  	v3 =	vld [tilespmem:$0x1FF10]  }
0xbe: {  	v19 =	vld.idx.msk [tilespmem:v15+s21+$0x0], $0xffff  }
0xbf: {  	v15 =	vld [tilespmem:$0x1FE20]  }
0xc0: {  	v4 =	vld [tilespmem:$0x1FF20]  }
0xc1: {  	v25 =	vld.idx.msk [tilespmem:v11+s21+$0x0], $0xffff  }
0xc2: {  	v11 =	vld [tilespmem:$0x1FFB0]  }
0xc3: {  	v38 =	vld.idx.msk [tilespmem:v2+s21+$0x0], $0xffff  }
0xc4: {  	v2 =	vld [tilespmem:$0x1FEC0]  }
0xc5: {  	v5 =	vld [tilespmem:$0x1FF30]  }
0xc6: {  	v6 =	vld [tilespmem:$0x1FF40]  }
0xc7: {  	v20 =	vld.idx.msk [tilespmem:v15+s21+$0x0], $0xffff  }
0xc8: {  	v15 =	vld [tilespmem:$0x1FE30]  }
0xc9: {  	v3 =	vld.idx.msk [tilespmem:v3+s21+$0x0], $0xffff  }
0xca: {  	v45 =	vld.idx.msk [tilespmem:v11+s21+$0x0], $0xffff  }
0xcb: {  	v11 =	vld [tilespmem:$0x1FFC0]  }
0xcc: {  	v37 =	vld.idx.msk [tilespmem:v2+s21+$0x0], $0xffff  }
0xcd: {  	v2 =	vld [tilespmem:$0x1FED0]  }
0xce: {  	v7 =	vld [tilespmem:$0x1FF50]  }
0xcf: {  	v4 =	vld.idx.msk [tilespmem:v4+s21+$0x0], $0xffff  }
0xd0: {  	v21 =	vld.idx.msk [tilespmem:v15+s21+$0x0], $0xffff  }
0xd1: {  	v15 =	vld [tilespmem:$0x1FE40]  }
0xd2: {  	v8 =	vld [tilespmem:$0x1FF60]  }
0xd3: {  	v44 =	vld.idx.msk [tilespmem:v11+s21+$0x0], $0xffff  }
0xd4: {  	v11 =	vld [tilespmem:$0x1FFD0]  }
0xd5: {  	v36 =	vld.idx.msk [tilespmem:v2+s21+$0x0], $0xffff  }
0xd6: {  	v2 =	vld [tilespmem:$0x1FEE0]  }
0xd7: {  	v5 =	vld.idx.msk [tilespmem:v5+s21+$0x0], $0xffff  }
0xd8: {  	v9 =	vld [tilespmem:$0x1FF70]  }
0xd9: {  	v22 =	vld.idx.msk [tilespmem:v15+s21+$0x0], $0xffff  }
0xda: {  	v15 =	vld [tilespmem:$0x1FE50]  }
0xdb: {  	v6 =	vld.idx.msk [tilespmem:v6+s21+$0x0], $0xffff  }
0xdc: {  	v42 =	vld.idx.msk [tilespmem:v11+s21+$0x0], $0xffff  }
0xdd: {  	v11 =	vld [tilespmem:$0x1FFE0]  }
0xde: {  	v35 =	vld.idx.msk [tilespmem:v2+s21+$0x0], $0xffff  }
0xdf: {  	v2 =	vld [tilespmem:$0x1FEF0]  }
0xe0: {  	v10 =	vld [tilespmem:$0x1FF80]  }
0xe1: {  	v7 =	vld.idx.msk [tilespmem:v7+s21+$0x0], $0xffff  }
0xe2: {  	v23 =	vld.idx.msk [tilespmem:v15+s21+$0x0], $0xffff  }
0xe3: {  	v15 =	vld [tilespmem:$0x1FE60]  }
0xe4: {  	v8 =	vld.idx.msk [tilespmem:v8+s21+$0x0], $0xffff  }
0xe5: {  	v29 =	vor.u32 $0x301, v0;
	v41 =	vld.idx.msk [tilespmem:v11+s21+$0x0], $0xffff  }
0xe6: {  	v11 =	vld [tilespmem:$0x1FFF0]  }
0xe7: {  	v34 =	vld.idx.msk [tilespmem:v2+s21+$0x0], $0xffff  }
0xe8: {  	v1 =	vadd.f32 v12, v1;
	v2 =	vld [tilespmem:$0x1FF00]  }
0xe9: {  	v50 =	vor.u32 $0x402, v0;
	v9 =	vld.idx.msk [tilespmem:v9+s21+$0x0], $0xffff  }
0xea: {  	v1 =	vadd.f32 v13, v1;
	v13 =	vld.idx.msk [tilespmem:v29+s21+$0x0], $0xffff  }
0xeb: {  	v24 =	vld.idx.msk [tilespmem:v15+s21+$0x0], $0xffff  }
0xec: {  	v28 =	vor.u32 $0x300, v0;
	v15 =	vld [tilespmem:$0x1FE70]  }
0xed: {  	v12 =	vor.u32 $0x400, v0;
	v10 =	vld.idx.msk [tilespmem:v10+s21+$0x0], $0xffff  }
0xee: {  	v30 =	vor.u32 $0x401, v0;
	v1 =	vadd.f32 v14, v1;
	v14 =	vadd.f32 $0.0e+00, v18;
	v18 =	vld.idx.msk [tilespmem:v50+s21+$0x0], $0xffff  }
0xef: {  	v39 =	vld.idx.msk [tilespmem:v11+s21+$0x0], $0xffff  }
0xf0: {  	v31 =	vor.u32 $0x302, v0;
	v2 =	vld.idx.msk [tilespmem:v2+s21+$0x0], $0xffff  }
0xf1: {  	v11 =	vld.idx.msk [tilespmem:v28+s21+$0x0], $0xffff  }
0xf2: {  	v32 =	vor.u32 $0x303, v0;
	[tilespmem:$0x1FCB0] =	vst v12;
	v12 =	vld.idx.msk [tilespmem:v12+s21+$0x0], $0xffff  }
0xf3: {  	v51 =	vor.u32 $0x403, v0;
	v1 =	vadd.f32 v16, v1;
	v16 =	vld.idx.msk [tilespmem:v30+s21+$0x0], $0xffff  }
0xf4: {  	v33 =	vor.u32 $0x304, v0;
	v26 =	vld.idx.msk [tilespmem:v15+s21+$0x0], $0xffff  }
0xf5: {  	v57 =	vor.u32 $0x404, v0;
	v17 =	vadd.f32 v17, v1;
	v1 =	vadd.f32 $0.0e+00, v2;
	v2 =	vld.idx.msk [tilespmem:v31+s21+$0x0], $0xffff  }
0xf6: {  	v58 =	vor.u32 $0x305, v0;
	v14 =	vadd.f32 v19, v14;
	v15 =	vld [tilespmem:$0x1FF90];
	v11 =	vadd.f32 $0.0e+00, v11  }
0xf7: {  	v59 =	vor.u32 $0x405, v0;
	v12 =	vadd.f32 $0.0e+00, v12;
	v1 =	vadd.f32 v3, v1;
	v3 =	vld.idx.msk [tilespmem:v32+s21+$0x0], $0xffff  }
0xf8: {  	v60 =	vor.u32 $0x306, v0;
	v14 =	vadd.f32 v20, v14;
	v11 =	vadd.f32 v13, v11;
	v13 =	vld.idx.msk [tilespmem:v51+s21+$0x0], $0xffff  }
0xf9: {  	v61 =	vor.u32 $0x406, v0;
	v12 =	vadd.f32 v16, v12;
	v1 =	vadd.f32 v4, v1;
	v4 =	vld.idx.msk [tilespmem:v33+s21+$0x0], $0xffff  }
0xfa: {  	v14 =	vadd.f32 v21, v14;
	v2 =	vadd.f32 v2, v11;
	v11 =	vld.idx.msk [tilespmem:v57+s21+$0x0], $0xffff  }
0xfb: {  	v63 =	vor.u32 $0x407, v0;
	v16 =	vld.idx.msk [tilespmem:v58+s21+$0x0], $0xffff;
	v12 =	vadd.f32 v18, v12;
	v5 =	vadd.f32 v5, v1  }
0xfc: {  	v18 =	vld.idx.msk [tilespmem:v59+s21+$0x0], $0xffff;
	v14 =	vadd.f32 v22, v14;
	v1 =	vor.u32 $0x308, v0;
	v3 =	vadd.f32 v3, v2  }
0xfd: {  	v19 =	vld.idx.msk [tilespmem:v60+s21+$0x0], $0xffff;
	v2 =	vor.u32 $0x408, v0;
	v5 =	vadd.f32 v6, v5;
	v6 =	vadd.f32 v13, v12  }
0xfe: {  	v12 =	vadd.f32 v23, v14;
	v14 =	vld.idx.msk [tilespmem:v61+s21+$0x0], $0xffff;
	v13 =	vadd.f32 v4, v3;
	v3 =	vor.u32 $0x309, v0  }
0xff: {  	v15 =	vld.idx.msk [tilespmem:v15+s21+$0x0], $0xffff;
	v4 =	vor.u32 $0x409, v0;
	v7 =	vadd.f32 v7, v5;
	v6 =	vadd.f32 v11, v6  }
0x100: {  	v11 =	vadd.f32 v24, v12;
	v5 =	vor.u32 $0x30A, v0;
	v12 =	vadd.f32 v16, v13;
	v13 =	vld.idx.msk [tilespmem:v63+s21+$0x0], $0xffff  }
0x101: {  	v16 =	vld.idx.msk [tilespmem:v1+s21+$0x0], $0xffff;
	v8 =	vadd.f32 v8, v7;
	v18 =	vadd.f32 v18, v6;
	v6 =	vor.u32 $0x40A, v0  }
0x102: {  	[tilespmem:$0x1FCA0] =	vst v28;
	v11 =	vadd.f32 v26, v11;
	v7 =	vor.u32 $0x30B, v0;
	v12 =	vadd.f32 v19, v12;
	v19 =	vld.idx.msk [tilespmem:v2+s21+$0x0], $0xffff  }
0x103: {  	[tilespmem:$0x1FCC0] =	vst v29;
	v28 =	vadd.f32 v9, v8;
	v29 =	vld.idx.msk [tilespmem:v3+s21+$0x0], $0xffff;
	v14 =	vadd.f32 v14, v18;
	v8 =	vor.u32 $0x40B, v0  }
0x104: {  	[tilespmem:$0x1FCD0] =	vst v30;
	v11 =	vadd.f32 v27, v11;
	v9 =	vor.u32 $0x30C, v0;
	v18 =	vld.idx.msk [tilespmem:v4+s21+$0x0], $0xffff;
	v12 =	vadd.f32 v54, v12  }
0x105: {  	[tilespmem:$0x1FCE0] =	vst v31;
	v31 =	vld.idx.msk [tilespmem:v5+s21+$0x0], $0xffff;
	v30 =	vadd.f32 v10, v28;
	v13 =	vadd.f32 v13, v14;
	v10 =	vor.u32 $0x40C, v0  }
0x106: {  	[tilespmem:$0x1FD00] =	vst v32;
	v14 =	vadd.f32 v43, v11;
	v11 =	vor.u32 $0x30D, v0;
	v16 =	vadd.f32 v16, v12;
	v32 =	vld.idx.msk [tilespmem:v6+s21+$0x0], $0xffff  }
0x107: {  	v56 =	vmovc v33;
	v33 =	vld.idx.msk [tilespmem:v7+s21+$0x0], $0xffff;
	v12 =	vor.u32 $0x40D, v0;
	v15 =	vadd.f32 v15, v30;
	v19 =	vadd.f32 v19, v13  }
0x108: {  	v40 =	vadd.f32 v40, v14;
	v13 =	vor.u32 $0x30E, v0;
	v16 =	vadd.f32 v29, v16;
	v43 =	vld.idx.msk [tilespmem:v8+s21+$0x0], $0xffff  }
0x109: {  	v14 =	vor.u32 $0x40E, v0;
	v46 =	vld.idx.msk [tilespmem:v9+s21+$0x0], $0xffff;
	v25 =	vadd.f32 v25, v15;
	v18 =	vadd.f32 v18, v19  }
0x10a: {  	v19 =	vadd.f32 v38, v40;
	v15 =	vor.u32 $0x30F, v0;
	v21 =	vadd.f32 v31, v16;
	v47 =	vld.idx.msk [tilespmem:v10+s21+$0x0], $0xffff  }
0x10b: {  	v48 =	vld.idx.msk [tilespmem:v11+s21+$0x0], $0xffff;
	v16 =	vor.u32 $0x40F, v0;
	v25 =	vadd.f32 v45, v25;
	v18 =	vadd.f32 v32, v18  }
0x10c: {  	v19 =	vadd.f32 v37, v19;
	v49 =	vld.idx.msk [tilespmem:v12+s21+$0x0], $0xffff;
	v20 =	vadd.f32 v33, v21  }
0x10d: {  	v55 =	vmov v51;
	[tilespmem:$0x1FCF0] =	vst v50;
	v51 =	vld.idx.msk [tilespmem:v13+s21+$0x0], $0xffff;
	v50 =	vadd.f32 v44, v25;
	v18 =	vadd.f32 v43, v18  }
0x10e: {  	v52 =	vld.idx.msk [tilespmem:v14+s21+$0x0], $0xffff;
	v19 =	vadd.f32 v36, v19;
	v20 =	vadd.f32 v46, v20  }
0x10f: {  	v53 =	vld.idx.msk [tilespmem:v15+s21+$0x0], $0xffff;
	v23 =	vadd.f32 v42, v50;
	v18 =	vadd.f32 v47, v18  }
0x110: {  	v19 =	vadd.f32 v35, v19;
	v54 =	vld.idx.msk [tilespmem:v16+s21+$0x0], $0xffff;
	v20 =	vadd.f32 v48, v20  }
0x111: {  	v23 =	vadd.f32 v41, v23;
	v18 =	vadd.f32 v49, v18  }
0x112: {  	v19 =	vadd.f32 v34, v19;
	v20 =	vadd.f32 v51, v20  }
0x113: {  	[tilespmem:$0xA320] =	vst v17;
	v17 =	vadd.f32 v39, v23;
	v18 =	vadd.f32 v52, v18  }
0x114: {  	[tilespmem:$0xA330] =	vst v19;
	v19 =	vadd.f32 v53, v20  }
0x115: {  	[tilespmem:$0xA340] =	vst v17;
	v17 =	vadd.f32 v54, v18  }
0x116: {  	[tilespmem:$0xA350] =	vst v19  }
0x117: {  	s26 =	simm.s32 $0x0;
	[tilespmem:$0xA360] =	vst v17  }
0x118: {  	[hbm4b:s8+s26] =	stream.linear.scatter [tilespmem:s22], [sflag:$0x3], $0x50, $0x38;
	[tilespmem:$0xA3C0] =	vst v63  }
.LBB2_4:
0x119: {  	_ =	swait.ge [sflag:s16], $0x1400  }
0x11a: {  	[sflag:s16] =	ssyncset.done $0x0  }
0x11b: {  	[sflag:s16] =	ssyncadd.s32 $0xFFFFEC00  }
0x11c: {  	s29 =	smul.u32 $0xA0, s26;
	_ =	swait.ge [sflag:s17], $0x1400  }
0x11d: {  	[sflag:s17] =	ssyncset.done $0x0  }
0x11e: {  	s28 =	sadd.s32 $0xA0, s29;
	[sflag:s17] =	ssyncadd.s32 $0xFFFFEC00  }
0x11f: {  	[tilespmem:s14], [sflag:$0x1] =	stream.indirect.gather [hbm4b:s5+s13], $0x40, s28, s13, $0xb8;
	[tilespmem:$0xA3C0] =	vst v63  }
0x120: {  	s1 =	simm.s32 $0x62A0;
	s0 =	sadd.s32 $0x27B0, s29  }
0x121: {  	[tilespmem:s15], [sflag:$0x2] =	stream.indirect.gather [hbm4b:s5+s13], $0x40, s0, s13, $0xb8;
	[tilespmem:$0xA3C0] =	vst v63  }
0x122: {  	s30 =	simm.s32 $0x8AA0;
	v17 =	vld [tilespmem:s1+$0x40]  }
0x123: {  	v18 =	vld [tilespmem:s30+$0x40]  }
0x124: {  	v19 =	vld [tilespmem:s30+$0xFFFFFF80]  }
0x125: {  	v20 =	vld [tilespmem:s1+$0xFFFFFFC0]  }
0x126: {  	v21 =	vld [tilespmem:s1+$0x50]  }
0x127: {  	v22 =	vld [tilespmem:s30+$0x50]  }
0x128: {  	v23 =	vld [tilespmem:s30+$0xFFFFFFC0]  }
0x129: {  	v24 =	vld [tilespmem:s1+$0x60]  }
0x12a: {  	v26 =	vld [tilespmem:s30+$0x60];
	v17 =	vmul.bf16 v18, v17  }
0x12b: {  	v27 =	vld [tilespmem:s30+$0x0]  }
0x12c: {  	v18 =	vld [tilespmem:s1+$0x0];
	v25 =	vunpack.i.l.bf16.f32 v17  }
0x12d: {  	v21 =	vmul.bf16 v22, v21;
	v22 =	vld [tilespmem:s1+$0xFFFFFF80];
	v25 =	vadd.f32 $0.0e+00, v25  }
0x12e: {  	v28 =	vld [tilespmem:s30+$0x70];
	v20 =	vmul.bf16 v23, v20;
	v17 =	vunpack.i.u.bf16.f32 v17  }
0x12f: {  	v24 =	vmul.bf16 v26, v24;
	v26 =	vld [tilespmem:s30+$0xFFFFFF90];
	v17 =	vadd.f32 v25, v17  }
0x130: {  	v23 =	vunpack.i.l.bf16.f32 v21;
	v29 =	vunpack.i.l.bf16.f32 v20;
	v25 =	vld [tilespmem:s1+$0x70]  }
0x131: {  	v21 =	vunpack.i.u.bf16.f32 v21;
	v29 =	vadd.f32 $0.0e+00, v29;
	v17 =	vadd.f32 v23, v17;
	v23 =	vld [tilespmem:s1+$0xFFFFFF90]  }
0x132: {  	v20 =	vunpack.i.u.bf16.f32 v20;
	v18 =	vmul.bf16 v27, v18;
	v19 =	vmul.bf16 v19, v22;
	v27 =	vld [tilespmem:s30+$0xFFFFFFD0]  }
0x133: {  	v22 =	vunpack.i.l.bf16.f32 v24;
	v20 =	vadd.f32 v29, v20;
	v17 =	vadd.f32 v17, v21;
	v21 =	vld [tilespmem:s1+$0xFFFFFFD0]  }
0x134: {  	v31 =	vld [tilespmem:s30+$0xFFFFFFA0];
	v24 =	vunpack.i.u.bf16.f32 v24;
	v29 =	vunpack.i.l.bf16.f32 v18;
	v30 =	vunpack.i.l.bf16.f32 v19  }
0x135: {  	v30 =	vadd.f32 $0.0e+00, v30;
	v25 =	vmul.bf16 v28, v25;
	v28 =	vld [tilespmem:s30+$0x10];
	v17 =	vadd.f32 v22, v17  }
0x136: {  	v19 =	vunpack.i.u.bf16.f32 v19;
	v22 =	vld [tilespmem:s1+$0x10];
	v23 =	vmul.bf16 v26, v23;
	v26 =	vadd.f32 $0.0e+00, v29  }
0x137: {  	v18 =	vunpack.i.u.bf16.f32 v18;
	v19 =	vadd.f32 v30, v19;
	v17 =	vadd.f32 v17, v24;
	v24 =	vld [tilespmem:s1+$0xFFFFFFA0]  }
0x138: {  	v29 =	vunpack.i.l.bf16.f32 v25;
	v21 =	vmul.bf16 v27, v21;
	v18 =	vadd.f32 v26, v18;
	v26 =	vld [tilespmem:s30+$0xFFFFFFE0]  }
0x139: {  	v27 =	vunpack.i.u.bf16.f32 v23;
	v23 =	vunpack.i.l.bf16.f32 v23;
	v17 =	vadd.f32 v29, v17;
	v29 =	vld [tilespmem:s1+$0xFFFFFFE0]  }
0x13a: {  	v32 =	vld [tilespmem:s1+$0x20];
	v25 =	vunpack.i.u.bf16.f32 v25;
	v19 =	vadd.f32 v23, v19  }
0x13b: {  	v22 =	vmul.bf16 v28, v22;
	v28 =	vld [tilespmem:s30+$0x20];
	v53 =	vadd.f32 v17, v25;
	v17 =	vunpack.i.l.bf16.f32 v21  }
0x13c: {  	v21 =	vunpack.i.u.bf16.f32 v21;
	v23 =	vadd.f32 v17, v20;
	v24 =	vmul.bf16 v31, v24;
	v17 =	vld [tilespmem:s1+$0xFFFFFFB0]  }
0x13d: {  	v19 =	vadd.f32 v19, v27;
	v25 =	vunpack.i.u.bf16.f32 v22;
	v22 =	vunpack.i.l.bf16.f32 v22;
	v20 =	vld [tilespmem:s30+$0xFFFFFFB0]  }
0x13e: {  	v22 =	vadd.f32 v22, v18;
	v18 =	vld [tilespmem:s1+$0xFFFFFFF0];
	v27 =	vunpack.i.l.bf16.f32 v24;
	v26 =	vmul.bf16 v26, v29  }
0x13f: {  	v29 =	vadd.f32 v23, v21;
	v24 =	vunpack.i.u.bf16.f32 v24;
	v21 =	vld [tilespmem:s30+$0xFFFFFFF0];
	v54 =	vadd.f32 v27, v19  }
0x140: {  	s31 =	simm.s32 $0x9E40;
	v23 =	vadd.f32 v22, v25;
	v19 =	vld [tilespmem:s1+$0x30];
	v27 =	vmul.bf16 v28, v32;
	v22 =	vunpack.i.l.bf16.f32 v26  }
0x141: {  	s0 =	simm.s32 $0x63A0;
	[tilespmem:s31+$0x10] =	vst v53;
	s1 =	simm.s32 $0x0;
	v25 =	vunpack.i.u.bf16.f32 v26;
	v24 =	vadd.f32 v54, v24;
	v26 =	vadd.f32 v22, v29;
	v22 =	vld [tilespmem:s30+$0x30]  }
.LBB2_5:
0x142: {  	v28 =	vld [tilespmem:s0+$0x40];
	v17 =	vmul.bf16 v20, v17;
	v20 =	vunpack.i.u.bf16.f32 v27;
	v27 =	vunpack.i.l.bf16.f32 v27;
	s30 =	sadd.s32 $0x100, s30  }
0x143: {  	s1 =	sadd.s32 $0x4, s1;
	v29 =	vld [tilespmem:s30+$0x40];
	v25 =	vadd.f32 v26, v25;
	v23 =	vadd.f32 v27, v23  }
0x144: {  	p0 =	slt.u32 s1, $0x4C;
	v26 =	vld [tilespmem:s30+$0xFFFFFF80];
	v27 =	vunpack.i.u.bf16.f32 v17;
	v17 =	vunpack.i.l.bf16.f32 v17;
	v18 =	vmul.bf16 v21, v18  }
0x145: {  	v21 =	vld [tilespmem:s0+$0xFFFFFFC0];
	v17 =	vadd.f32 v17, v24;
	v20 =	vadd.f32 v23, v20  }
0x146: {  	v23 =	vld [tilespmem:s0+$0x50];
	v24 =	vunpack.i.u.bf16.f32 v18;
	v18 =	vunpack.i.l.bf16.f32 v18;
	v19 =	vmul.bf16 v22, v19  }
0x147: {  	v22 =	vld [tilespmem:s30+$0x50];
	v17 =	vadd.f32 v17, v27;
	v18 =	vadd.f32 v18, v25  }
0x148: {  	v25 =	vld [tilespmem:s30+$0xFFFFFFC0];
	v27 =	vmul.bf16 v29, v28;
	v28 =	vunpack.i.u.bf16.f32 v19;
	v19 =	vunpack.i.l.bf16.f32 v19  }
0x149: {  	v29 =	vld [tilespmem:s0+$0x0];
	[tilespmem:s31+$0xFFFFFFE0] =	vst v17;
	v17 =	vadd.f32 v18, v24;
	v18 =	vadd.f32 v19, v20  }
0x14a: {  	v19 =	vunpack.i.l.bf16.f32 v27;
	v20 =	vld [tilespmem:s0+$0x60]  }
0x14b: {  	v19 =	vadd.f32 $0.0e+00, v19;
	v24 =	vld [tilespmem:s30+$0x60];
	[tilespmem:s31+$0xFFFFFFF0] =	vst v17;
	v17 =	vadd.f32 v18, v28  }
0x14c: {  	v27 =	vunpack.i.u.bf16.f32 v27;
	v18 =	vld [tilespmem:s30+$0x0];
	v22 =	vmul.bf16 v22, v23  }
0x14d: {  	v23 =	vld [tilespmem:s0+$0xFFFFFF80];
	v21 =	vmul.bf16 v25, v21;
	v19 =	vadd.f32 v19, v27;
	[tilespmem:s31+$0x0] =	vst v17  }
0x14e: {  	v17 =	vunpack.i.l.bf16.f32 v22;
	v25 =	vld [tilespmem:s0+$0x70]  }
0x14f: {  	v27 =	vunpack.i.u.bf16.f32 v21;
	v21 =	vunpack.i.l.bf16.f32 v21;
	v17 =	vadd.f32 v17, v19;
	v19 =	vld [tilespmem:s30+$0x70]  }
0x150: {  	v22 =	vunpack.i.u.bf16.f32 v22;
	v28 =	vld [tilespmem:s0+$0xFFFFFF90];
	v21 =	vadd.f32 $0.0e+00, v21;
	v20 =	vmul.bf16 v24, v20  }
0x151: {  	v24 =	vld [tilespmem:s30+$0xFFFFFF90];
	v18 =	vmul.bf16 v18, v29;
	v17 =	vadd.f32 v17, v22  }
0x152: {  	v22 =	vmul.bf16 v26, v23;
	v21 =	vadd.f32 v21, v27;
	v23 =	vld [tilespmem:s0+$0xFFFFFFD0];
	v26 =	vunpack.i.l.bf16.f32 v20  }
0x153: {  	v27 =	vld [tilespmem:s30+$0xFFFFFFD0];
	v29 =	vunpack.i.u.bf16.f32 v18;
	v18 =	vunpack.i.l.bf16.f32 v18;
	v17 =	vadd.f32 v26, v17  }
0x154: {  	v20 =	vunpack.i.u.bf16.f32 v20;
	v26 =	vunpack.i.l.bf16.f32 v22;
	v30 =	vld [tilespmem:s0+$0x10];
	v19 =	vmul.bf16 v19, v25  }
0x155: {  	v22 =	vunpack.i.u.bf16.f32 v22;
	v25 =	vadd.f32 $0.0e+00, v26;
	v26 =	vld [tilespmem:s30+$0x10];
	v17 =	vadd.f32 v17, v20  }
0x156: {  	v18 =	vadd.f32 $0.0e+00, v18;
	v20 =	vmul.bf16 v24, v28;
	v24 =	vld [tilespmem:s0+$0xFFFFFFA0];
	v28 =	vunpack.i.l.bf16.f32 v19  }
0x157: {  	v22 =	vadd.f32 v25, v22;
	v25 =	vld [tilespmem:s30+$0xFFFFFFA0];
	v17 =	vadd.f32 v28, v17  }
0x158: {  	v18 =	vadd.f32 v18, v29;
	v19 =	vunpack.i.u.bf16.f32 v19;
	v23 =	vmul.bf16 v27, v23;
	v27 =	vld [tilespmem:s0+$0xFFFFFFE0]  }
0x159: {  	v28 =	vunpack.i.u.bf16.f32 v20;
	v20 =	vunpack.i.l.bf16.f32 v20;
	v29 =	vld [tilespmem:s30+$0xFFFFFFE0];
	v17 =	vadd.f32 v17, v19  }
0x15a: {  	s31 =	sadd.s32 $0x40, s31;
	v19 =	vadd.f32 v20, v22;
	v20 =	vunpack.i.l.bf16.f32 v23;
	v22 =	vmul.bf16 v26, v30;
	v26 =	vld [tilespmem:s0+$0x20]  }
0x15b: {  	v23 =	vunpack.i.u.bf16.f32 v23;
	v21 =	vadd.f32 v20, v21;
	v30 =	vld [tilespmem:s30+$0x20];
	[tilespmem:s31+$0x10] =	vst v17  }
0x15c: {  	v24 =	vmul.bf16 v25, v24;
	v17 =	vld [tilespmem:s0+$0xFFFFFFB0];
	v25 =	vunpack.i.u.bf16.f32 v22;
	v22 =	vunpack.i.l.bf16.f32 v22  }
.Ltmp1:
0x15d: {  	v19 =	vadd.f32 v19, v28;
	v20 =	vld [tilespmem:s30+$0xFFFFFFB0];
	v22 =	vadd.f32 v22, v18;
	(pc) =	sbr.rel @p0 .LBB2_5-.Ltmp1, $4  }
0x15e: {  	v31 =	vadd.f32 v21, v23;
	v28 =	vunpack.i.l.bf16.f32 v24;
	v27 =	vmul.bf16 v29, v27;
	v18 =	vld [tilespmem:s0+$0xFFFFFFF0]  }
0x15f: {  	v24 =	vunpack.i.u.bf16.f32 v24;
	v28 =	vadd.f32 v28, v19;
	v21 =	vld [tilespmem:s30+$0xFFFFFFF0];
	v23 =	vadd.f32 v22, v25  }
0x160: {  	v25 =	vunpack.i.u.bf16.f32 v27;
	v22 =	vunpack.i.l.bf16.f32 v27;
	v27 =	vmul.bf16 v30, v26;
	v19 =	vld [tilespmem:s0+$0x30]  }
0x161: {  	s0 =	sadd.s32 $0x100, s0;
	v24 =	vadd.f32 v28, v24;
	v26 =	vadd.f32 v22, v31;
	v22 =	vld [tilespmem:s30+$0x30]  }
0x162: {  	_ =	sdelay $0x1  }
0x163: {  	v17 =	vmul.bf16 v20, v17;
	v20 =	vunpack.i.l.bf16.f32 v27  }
0x164: {  	v27 =	vunpack.i.u.bf16.f32 v27;
	v20 =	vadd.f32 v20, v23;
	v18 =	vmul.bf16 v21, v18  }
0x165: {  	v21 =	vadd.f32 v26, v25;
	v23 =	vunpack.i.l.bf16.f32 v17;
	v19 =	vmul.bf16 v22, v19  }
0x166: {  	v20 =	vadd.f32 v20, v27;
	v22 =	vadd.f32 v23, v24;
	v23 =	vunpack.i.l.bf16.f32 v18  }
0x167: {  	v17 =	vunpack.i.u.bf16.f32 v17;
	v21 =	vadd.f32 v23, v21;
	v23 =	vunpack.i.l.bf16.f32 v19  }
0x168: {  	v18 =	vunpack.i.u.bf16.f32 v18;
	v17 =	vadd.f32 v22, v17;
	v20 =	vadd.f32 v23, v20  }
0x169: {  	v19 =	vunpack.i.u.bf16.f32 v19;
	v18 =	vadd.f32 v21, v18  }
0x16a: {  	[tilespmem:s31+$0xFFFFFFE0] =	vst v17;
	v17 =	vadd.f32 v20, v19  }
0x16b: {  	[tilespmem:s31+$0xFFFFFFF0] =	vst v18  }
0x16c: {  	[tilespmem:s31+$0x0] =	vst v17  }
0x16d: {  	v17 =	vld.idx.msk [tilespmem:v0+s21+$0x0], $0xffff  }
0x16e: {  	v18 =	vld [tilespmem:$0x1FD10]  }
0x16f: {  	v19 =	vld [tilespmem:$0x1FD20]  }
0x170: {  	v20 =	vld [tilespmem:$0x1FD30]  }
0x171: {  	v21 =	vld [tilespmem:$0x1FD40]  }
0x172: {  	v22 =	vld [tilespmem:$0x1FD50]  }
0x173: {  	v23 =	vld [tilespmem:$0x1FD60]  }
0x174: {  	v24 =	vld [tilespmem:$0x1FD70]  }
0x175: {  	v25 =	vld [tilespmem:$0x1FD80]  }
0x176: {  	v26 =	vld [tilespmem:$0x1FD90]  }
0x177: {  	v27 =	vld [tilespmem:$0x1FDA0]  }
0x178: {  	v28 =	vld [tilespmem:$0x1FDB0]  }
0x179: {  	v29 =	vld [tilespmem:$0x1FDC0]  }
0x17a: {  	v30 =	vld [tilespmem:$0x1FDD0]  }
0x17b: {  	v31 =	vld [tilespmem:$0x1FDE0]  }
0x17c: {  	v32 =	vld [tilespmem:$0x1FDF0]  }
0x17d: {  	v33 =	vld [tilespmem:$0x1FE00]  }
0x17e: {  	v34 =	vld [tilespmem:$0x1FE10]  }
0x17f: {  	v35 =	vld [tilespmem:$0x1FE20]  }
0x180: {  	v36 =	vld [tilespmem:$0x1FE30]  }
0x181: {  	v37 =	vld [tilespmem:$0x1FE40]  }
0x182: {  	v38 =	vld [tilespmem:$0x1FE50]  }
0x183: {  	v39 =	vld [tilespmem:$0x1FE60]  }
0x184: {  	v40 =	vld [tilespmem:$0x1FE70]  }
0x185: {  	v41 =	vld [tilespmem:$0x1FE90]  }
0x186: {  	v42 =	vld [tilespmem:$0x1FEB0]  }
0x187: {  	v43 =	vld [tilespmem:$0x1FED0]  }
0x188: {  	v44 =	vld [tilespmem:$0x1FEF0]  }
0x189: {  	v45 =	vld [tilespmem:$0x1FF10]  }
0x18a: {  	v46 =	vld [tilespmem:$0x1FF30]  }
0x18b: {  	v47 =	vld [tilespmem:$0x1FF50]  }
0x18c: {  	v48 =	vld [tilespmem:$0x1FF70]  }
0x18d: {  	v49 =	vld [tilespmem:$0x1FF90]  }
0x18e: {  	v50 =	vld [tilespmem:$0x1FFB0]  }
0x18f: {  	v51 =	vld [tilespmem:$0x1FFD0]  }
0x190: {  	v52 =	vld [tilespmem:$0x1FFF0]  }
0x191: {  	v53 =	vld [tilespmem:$0x1FCA0]  }
0x192: {  	v54 =	vld [tilespmem:$0x1FCC0]  }
0x193: {  	v18 =	vld.idx.msk [tilespmem:v18+s21+$0x0], $0xffff  }
0x194: {  	v19 =	vld.idx.msk [tilespmem:v19+s21+$0x0], $0xffff  }
0x195: {  	v20 =	vld.idx.msk [tilespmem:v20+s21+$0x0], $0xffff  }
0x196: {  	v21 =	vld.idx.msk [tilespmem:v21+s21+$0x0], $0xffff  }
0x197: {  	v22 =	vld.idx.msk [tilespmem:v22+s21+$0x0], $0xffff  }
0x198: {  	v23 =	vld.idx.msk [tilespmem:v23+s21+$0x0], $0xffff  }
0x199: {  	v24 =	vld.idx.msk [tilespmem:v24+s21+$0x0], $0xffff  }
0x19a: {  	v25 =	vld.idx.msk [tilespmem:v25+s21+$0x0], $0xffff  }
0x19b: {  	v26 =	vld.idx.msk [tilespmem:v26+s21+$0x0], $0xffff  }
0x19c: {  	v27 =	vld.idx.msk [tilespmem:v27+s21+$0x0], $0xffff  }
0x19d: {  	v28 =	vld.idx.msk [tilespmem:v28+s21+$0x0], $0xffff  }
0x19e: {  	v29 =	vld.idx.msk [tilespmem:v29+s21+$0x0], $0xffff  }
0x19f: {  	v30 =	vld.idx.msk [tilespmem:v30+s21+$0x0], $0xffff  }
0x1a0: {  	v31 =	vld.idx.msk [tilespmem:v31+s21+$0x0], $0xffff  }
0x1a1: {  	v32 =	vld.idx.msk [tilespmem:v32+s21+$0x0], $0xffff  }
0x1a2: {  	v33 =	vld.idx.msk [tilespmem:v33+s21+$0x0], $0xffff  }
0x1a3: {  	v34 =	vld.idx.msk [tilespmem:v34+s21+$0x0], $0xffff  }
0x1a4: {  	v35 =	vld.idx.msk [tilespmem:v35+s21+$0x0], $0xffff  }
0x1a5: {  	v36 =	vld.idx.msk [tilespmem:v36+s21+$0x0], $0xffff  }
0x1a6: {  	v37 =	vld.idx.msk [tilespmem:v37+s21+$0x0], $0xffff  }
0x1a7: {  	v38 =	vld.idx.msk [tilespmem:v38+s21+$0x0], $0xffff  }
0x1a8: {  	v39 =	vld.idx.msk [tilespmem:v39+s21+$0x0], $0xffff  }
0x1a9: {  	v40 =	vld.idx.msk [tilespmem:v40+s21+$0x0], $0xffff  }
0x1aa: {  	v41 =	vld.idx.msk [tilespmem:v41+s21+$0x0], $0xffff  }
0x1ab: {  	v42 =	vld.idx.msk [tilespmem:v42+s21+$0x0], $0xffff  }
0x1ac: {  	v43 =	vld.idx.msk [tilespmem:v43+s21+$0x0], $0xffff  }
0x1ad: {  	v44 =	vld.idx.msk [tilespmem:v44+s21+$0x0], $0xffff  }
0x1ae: {  	v45 =	vld.idx.msk [tilespmem:v45+s21+$0x0], $0xffff  }
0x1af: {  	v46 =	vld.idx.msk [tilespmem:v46+s21+$0x0], $0xffff  }
0x1b0: {  	v47 =	vld.idx.msk [tilespmem:v47+s21+$0x0], $0xffff  }
0x1b1: {  	v17 =	vadd.f32 $0.0e+00, v17;
	v48 =	vld.idx.msk [tilespmem:v48+s21+$0x0], $0xffff  }
0x1b2: {  	v49 =	vld.idx.msk [tilespmem:v49+s21+$0x0], $0xffff  }
0x1b3: {  	v50 =	vld.idx.msk [tilespmem:v50+s21+$0x0], $0xffff;
	v17 =	vadd.f32 v18, v17  }
0x1b4: {  	v18 =	vld [tilespmem:$0x1FE80]  }
0x1b5: {  	v51 =	vld.idx.msk [tilespmem:v51+s21+$0x0], $0xffff;
	v17 =	vadd.f32 v19, v17  }
0x1b6: {  	v52 =	vld.idx.msk [tilespmem:v52+s21+$0x0], $0xffff;
	v33 =	vadd.f32 $0.0e+00, v33  }
0x1b7: {  	v19 =	vld [tilespmem:$0x1FEA0];
	v17 =	vadd.f32 v20, v17  }
0x1b8: {  	v33 =	vadd.f32 v34, v33;
	v34 =	vld [tilespmem:$0x1FCF0]  }
0x1b9: {  	v20 =	vld [tilespmem:$0x1FEC0];
	v17 =	vadd.f32 v21, v17  }
0x1ba: {  	v33 =	vadd.f32 v35, v33;
	v35 =	vld.idx.msk [tilespmem:v56+s21+$0x0], $0xffff  }
0x1bb: {  	v21 =	vld [tilespmem:$0x1FEE0];
	v17 =	vadd.f32 v22, v17  }
0x1bc: {  	v33 =	vadd.f32 v36, v33;
	v18 =	vld.idx.msk [tilespmem:v18+s21+$0x0], $0xffff  }
0x1bd: {  	v22 =	vld [tilespmem:$0x1FF00];
	v17 =	vadd.f32 v23, v17  }
0x1be: {  	v33 =	vadd.f32 v37, v33;
	v37 =	vld.idx.msk [tilespmem:v61+s21+$0x0], $0xffff  }
0x1bf: {  	v19 =	vld.idx.msk [tilespmem:v19+s21+$0x0], $0xffff;
	v17 =	vadd.f32 v24, v17  }
0x1c0: {  	v23 =	vld [tilespmem:$0x1FF20]  }
0x1c1: {  	v34 =	vld.idx.msk [tilespmem:v34+s21+$0x0], $0xffff;
	v17 =	vadd.f32 v25, v17  }
0x1c2: {  	v24 =	vld [tilespmem:$0x1FF40]  }
0x1c3: {  	v20 =	vld.idx.msk [tilespmem:v20+s21+$0x0], $0xffff;
	v17 =	vadd.f32 v26, v17  }
0x1c4: {  	v21 =	vld.idx.msk [tilespmem:v21+s21+$0x0], $0xffff  }
0x1c5: {  	v25 =	vld [tilespmem:$0x1FF60];
	v17 =	vadd.f32 v27, v17  }
0x1c6: {  	v22 =	vld.idx.msk [tilespmem:v22+s21+$0x0], $0xffff  }
0x1c7: {  	v26 =	vld [tilespmem:$0x1FF80];
	v17 =	vadd.f32 v28, v17  }
0x1c8: {  	v23 =	vld.idx.msk [tilespmem:v23+s21+$0x0], $0xffff  }
0x1c9: {  	v27 =	vld [tilespmem:$0x1FFA0];
	v17 =	vadd.f32 v29, v17  }
0x1ca: {  	v24 =	vld.idx.msk [tilespmem:v24+s21+$0x0], $0xffff  }
0x1cb: {  	v17 =	vadd.f32 v30, v17;
	v30 =	vld.idx.msk [tilespmem:v53+s21+$0x0], $0xffff  }
0x1cc: {  	v53 =	vld [tilespmem:$0x1FCB0]  }
0x1cd: {  	v17 =	vadd.f32 v31, v17;
	v31 =	vld.idx.msk [tilespmem:v54+s21+$0x0], $0xffff  }
0x1ce: {  	v54 =	vld [tilespmem:$0x1FCD0]  }
0x1cf: {  	v22 =	vadd.f32 $0.0e+00, v22;
	v17 =	vadd.f32 v32, v17;
	v32 =	vld [tilespmem:$0x1FCE0]  }
0x1d0: {  	v28 =	vld [tilespmem:$0x1FFC0]  }
0x1d1: {  	v22 =	vadd.f32 v45, v22;
	v45 =	vld [tilespmem:$0x1FD00]  }
0x1d2: {  	v25 =	vld.idx.msk [tilespmem:v25+s21+$0x0], $0xffff  }
0x1d3: {  	v29 =	vld [tilespmem:$0x1FFE0]  }
0x1d4: {  	v53 =	vld.idx.msk [tilespmem:v53+s21+$0x0], $0xffff  }
0x1d5: {  	v26 =	vld.idx.msk [tilespmem:v26+s21+$0x0], $0xffff  }
0x1d6: {  	v54 =	vld.idx.msk [tilespmem:v54+s21+$0x0], $0xffff  }
0x1d7: {  	v32 =	vld.idx.msk [tilespmem:v32+s21+$0x0], $0xffff  }
0x1d8: {  	v27 =	vld.idx.msk [tilespmem:v27+s21+$0x0], $0xffff;
	v30 =	vadd.f32 $0.0e+00, v30  }
0x1d9: {  	v22 =	vadd.f32 v23, v22;
	v45 =	vld.idx.msk [tilespmem:v45+s21+$0x0], $0xffff;
	v53 =	vadd.f32 $0.0e+00, v53  }
0x1da: {  	v30 =	vadd.f32 v31, v30;
	v31 =	vld.idx.msk [tilespmem:v55+s21+$0x0], $0xffff  }
0x1db: {  	v22 =	vadd.f32 v46, v22;
	v46 =	vld.idx.msk [tilespmem:v58+s21+$0x0], $0xffff;
	v23 =	vadd.f32 v54, v53  }
0x1dc: {  	v30 =	vadd.f32 v32, v30;
	v32 =	vld.idx.msk [tilespmem:v57+s21+$0x0], $0xffff  }
0x1dd: {  	v28 =	vld.idx.msk [tilespmem:v28+s21+$0x0], $0xffff;
	v23 =	vadd.f32 v34, v23  }
0x1de: {  	v53 =	vld.idx.msk [tilespmem:v59+s21+$0x0], $0xffff;
	v30 =	vadd.f32 v45, v30  }
0x1df: {  	v22 =	vadd.f32 v24, v22;
	v24 =	vld.idx.msk [tilespmem:v60+s21+$0x0], $0xffff;
	v23 =	vadd.f32 v31, v23  }
0x1e0: {  	v29 =	vld.idx.msk [tilespmem:v29+s21+$0x0], $0xffff;
	v54 =	vadd.f32 v38, v33;
	v30 =	vadd.f32 v35, v30  }
0x1e1: {  	v22 =	vadd.f32 v47, v22;
	v38 =	vld.idx.msk [tilespmem:v62+s21+$0x0], $0xffff;
	v23 =	vadd.f32 v32, v23  }
0x1e2: {  	v31 =	vadd.f32 v39, v54;
	v45 =	vld.idx.msk [tilespmem:v63+s21+$0x0], $0xffff;
	v30 =	vadd.f32 v46, v30  }
0x1e3: {  	v22 =	vadd.f32 v25, v22;
	v25 =	vld.idx.msk [tilespmem:v1+s21+$0x0], $0xffff;
	v23 =	vadd.f32 v53, v23  }
0x1e4: {  	v31 =	vadd.f32 v40, v31;
	v46 =	vld.idx.msk [tilespmem:v2+s21+$0x0], $0xffff;
	v24 =	vadd.f32 v24, v30  }
0x1e5: {  	v47 =	vld.idx.msk [tilespmem:v3+s21+$0x0], $0xffff;
	v22 =	vadd.f32 v48, v22;
	v23 =	vadd.f32 v37, v23  }
0x1e6: {  	v48 =	vld.idx.msk [tilespmem:v4+s21+$0x0], $0xffff;
	v18 =	vadd.f32 v18, v31;
	v24 =	vadd.f32 v38, v24  }
0x1e7: {  	v22 =	vadd.f32 v26, v22;
	v26 =	vld.idx.msk [tilespmem:v5+s21+$0x0], $0xffff;
	v23 =	vadd.f32 v45, v23  }
0x1e8: {  	v18 =	vadd.f32 v41, v18;
	v24 =	vadd.f32 v25, v24;
	v25 =	vld.idx.msk [tilespmem:v6+s21+$0x0], $0xffff  }
0x1e9: {  	v22 =	vadd.f32 v49, v22;
	v49 =	vld.idx.msk [tilespmem:v7+s21+$0x0], $0xffff;
	v23 =	vadd.f32 v46, v23  }
0x1ea: {  	v18 =	vadd.f32 v19, v18;
	v19 =	vadd.f32 v47, v24;
	v24 =	vld.idx.msk [tilespmem:v8+s21+$0x0], $0xffff  }
0x1eb: {  	v22 =	vadd.f32 v27, v22;
	v27 =	vld.idx.msk [tilespmem:v9+s21+$0x0], $0xffff;
	v23 =	vadd.f32 v48, v23  }
0x1ec: {  	v18 =	vadd.f32 v42, v18;
	v19 =	vadd.f32 v26, v19;
	v26 =	vld.idx.msk [tilespmem:v10+s21+$0x0], $0xffff  }
0x1ed: {  	v22 =	vadd.f32 v50, v22;
	v23 =	vadd.f32 v25, v23;
	v25 =	vld.idx.msk [tilespmem:v11+s21+$0x0], $0xffff  }
0x1ee: {  	v18 =	vadd.f32 v20, v18;
	v20 =	vld.idx.msk [tilespmem:v12+s21+$0x0], $0xffff;
	v19 =	vadd.f32 v49, v19  }
0x1ef: {  	v22 =	vadd.f32 v28, v22;
	v23 =	vadd.f32 v24, v23;
	v24 =	vld.idx.msk [tilespmem:v13+s21+$0x0], $0xffff  }
0x1f0: {  	v18 =	vadd.f32 v43, v18;
	v19 =	vadd.f32 v27, v19;
	v27 =	vld.idx.msk [tilespmem:v14+s21+$0x0], $0xffff  }
0x1f1: {  	v28 =	vld.idx.msk [tilespmem:v15+s21+$0x0], $0xffff;
	v22 =	vadd.f32 v51, v22;
	v23 =	vadd.f32 v26, v23  }
0x1f2: {  	v18 =	vadd.f32 v21, v18;
	v21 =	vld.idx.msk [tilespmem:v16+s21+$0x0], $0xffff;
	v19 =	vadd.f32 v25, v19  }
0x1f3: {  	v22 =	vadd.f32 v29, v22;
	v20 =	vadd.f32 v20, v23  }
0x1f4: {  	v18 =	vadd.f32 v44, v18;
	v19 =	vadd.f32 v24, v19  }
0x1f5: {  	[tilespmem:$0xA370] =	vst v17;
	v17 =	vadd.f32 v52, v22;
	v20 =	vadd.f32 v27, v20  }
0x1f6: {  	[tilespmem:$0xA380] =	vst v18;
	v18 =	vadd.f32 v28, v19  }
0x1f7: {  	[tilespmem:$0xA390] =	vst v17;
	v17 =	vadd.f32 v21, v20  }
0x1f8: {  	[tilespmem:$0xA3A0] =	vst v18  }
0x1f9: {  	[tilespmem:$0xA3B0] =	vst v17  }
0x1fa: {  	s0 =	sadd.s32 s29, s9;
	_ =	swait.ge [sflag:s23], $0x50  }
0x1fb: {  	s0 =	sshrl.u32 s0, $0x3;
	[sflag:s23] =	ssyncset.done $0x0  }
0x1fc: {  	s0 =	sadd.s32 s2, s0;
	[sflag:s23] =	ssyncadd.s32 $0xFFFFFFB0  }
0x1fd: {  	[hbm4b:s0+s3] =	stream.linear.scatter [tilespmem:s24], [sflag:$0x3], $0x50, $0x38;
	[tilespmem:$0xA3C0] =	vst v63  }
0x1fe: {  	_ =	swait.ge [sflag:s16], $0x1400  }
0x1ff: {  	[sflag:s16] =	ssyncset.done $0x0  }
0x200: {  	[sflag:s16] =	ssyncadd.s32 $0xFFFFEC00  }
0x201: {  	p0 =	seq.s32 s26, $0x3D;
	_ =	swait.ge [sflag:s17], $0x1400  }
0x202: {  	s1 =	simm.s32 @!p0 $0x50;
	[sflag:s17] =	ssyncset.done $0x0  }
0x203: {  	s30 =	simm.s32 @!p0 $0x6220;
	s0 =	sadd.s32 @!p0 $0xF0, s29;
	[sflag:s17] =	ssyncadd.s32 $0xFFFFEC00  }
0x204: {  	[tilespmem:s30], [sflag:$0x1] =	stream.indirect.gather @!p0 [hbm4b:s5+s1], $0x40, s0, s1, $0xb8;
	[tilespmem:$0xA3C0] =	vst v63  }
0x205: {  	s31 =	simm.s32 $0x4EA0;
	s0 =	sadd.s32 @!p0 $0x2800, s29;
	s29 =	simm.s32 @!p0 $0x8A20  }
0x206: {  	[tilespmem:s29], [sflag:$0x2] =	stream.indirect.gather @!p0 [hbm4b:s5+s1], $0x40, s0, s1, $0xb8;
	[tilespmem:$0xA3C0] =	vst v63  }
0x207: {  	s29 =	simm.s32 $0x76A0;
	v17 =	vld [tilespmem:s31+$0x40]  }
0x208: {  	v18 =	vld [tilespmem:s29+$0x40]  }
0x209: {  	v19 =	vld [tilespmem:s29+$0xFFFFFF80]  }
0x20a: {  	v20 =	vld [tilespmem:s31+$0xFFFFFFC0]  }
0x20b: {  	v21 =	vld [tilespmem:s31+$0x50]  }
0x20c: {  	v22 =	vld [tilespmem:s29+$0x50]  }
0x20d: {  	v23 =	vld [tilespmem:s29+$0xFFFFFFC0]  }
0x20e: {  	v24 =	vld [tilespmem:s31+$0x60]  }
0x20f: {  	v26 =	vld [tilespmem:s29+$0x60];
	v17 =	vmul.bf16 v18, v17  }
0x210: {  	v27 =	vld [tilespmem:s29+$0x0]  }
0x211: {  	v18 =	vld [tilespmem:s31+$0x0];
	v25 =	vunpack.i.l.bf16.f32 v17  }
0x212: {  	v21 =	vmul.bf16 v22, v21;
	v22 =	vld [tilespmem:s31+$0xFFFFFF80];
	v25 =	vadd.f32 $0.0e+00, v25  }
0x213: {  	v28 =	vld [tilespmem:s29+$0x70];
	v20 =	vmul.bf16 v23, v20;
	v17 =	vunpack.i.u.bf16.f32 v17  }
0x214: {  	v17 =	vadd.f32 v25, v17;
	v25 =	vld [tilespmem:s31+$0x70]  }
0x215: {  	v24 =	vmul.bf16 v26, v24;
	v26 =	vld [tilespmem:s29+$0xFFFFFF90];
	v23 =	vunpack.i.l.bf16.f32 v21;
	v29 =	vunpack.i.l.bf16.f32 v20  }
0x216: {  	v21 =	vunpack.i.u.bf16.f32 v21;
	v29 =	vadd.f32 $0.0e+00, v29;
	v17 =	vadd.f32 v23, v17;
	v23 =	vld [tilespmem:s31+$0xFFFFFF90]  }
0x217: {  	v20 =	vunpack.i.u.bf16.f32 v20;
	v18 =	vmul.bf16 v27, v18;
	v19 =	vmul.bf16 v19, v22;
	v27 =	vld [tilespmem:s29+$0xFFFFFFD0]  }
0x218: {  	v22 =	vunpack.i.l.bf16.f32 v24;
	v20 =	vadd.f32 v29, v20;
	v17 =	vadd.f32 v17, v21;
	v21 =	vld [tilespmem:s31+$0xFFFFFFD0]  }
0x219: {  	v24 =	vunpack.i.u.bf16.f32 v24;
	v51 =	vunpack.i.l.bf16.f32 v19;
	v25 =	vmul.bf16 v28, v25;
	v28 =	vld [tilespmem:s29+$0x10]  }
0x21a: {  	v29 =	vunpack.i.l.bf16.f32 v18;
	v30 =	vadd.f32 $0.0e+00, v51;
	v17 =	vadd.f32 v22, v17;
	v22 =	vld [tilespmem:s31+$0x10]  }
0x21b: {  	v52 =	vld [tilespmem:s29+$0xFFFFFFA0];
	v19 =	vunpack.i.u.bf16.f32 v19;
	v23 =	vmul.bf16 v26, v23;
	v26 =	vadd.f32 $0.0e+00, v29  }
0x21c: {  	v18 =	vunpack.i.u.bf16.f32 v18;
	v19 =	vadd.f32 v30, v19;
	v17 =	vadd.f32 v17, v24;
	v24 =	vld [tilespmem:s31+$0xFFFFFFA0]  }
0x21d: {  	v29 =	vunpack.i.l.bf16.f32 v25;
	v21 =	vmul.bf16 v27, v21;
	v18 =	vadd.f32 v26, v18;
	v26 =	vld [tilespmem:s29+$0xFFFFFFE0]  }
0x21e: {  	v27 =	vunpack.i.u.bf16.f32 v23;
	v23 =	vunpack.i.l.bf16.f32 v23;
	v17 =	vadd.f32 v29, v17;
	v29 =	vld [tilespmem:s31+$0xFFFFFFE0]  }
0x21f: {  	v25 =	vunpack.i.u.bf16.f32 v25;
	v19 =	vadd.f32 v23, v19;
	v23 =	vld [tilespmem:s29+$0x20];
	v22 =	vmul.bf16 v28, v22  }
0x220: {  	v28 =	vld [tilespmem:s31+$0x20];
	v25 =	vadd.f32 v17, v25;
	v17 =	vunpack.i.l.bf16.f32 v21  }
0x221: {  	v53 =	vadd.f32 v17, v20;
	v24 =	vmul.bf16 v52, v24;
	v17 =	vld [tilespmem:s31+$0xFFFFFFB0];
	v20 =	vunpack.i.l.bf16.f32 v22  }
0x222: {  	v19 =	vadd.f32 v19, v27;
	v21 =	vunpack.i.u.bf16.f32 v21;
	v27 =	vadd.f32 v20, v18;
	v20 =	vld [tilespmem:s29+$0xFFFFFFB0]  }
0x223: {  	v18 =	vld [tilespmem:s31+$0xFFFFFFF0];
	v30 =	vadd.f32 v53, v21;
	v21 =	vunpack.i.l.bf16.f32 v24;
	v29 =	vmul.bf16 v26, v29  }
0x224: {  	v22 =	vunpack.i.u.bf16.f32 v22;
	v31 =	vunpack.i.u.bf16.f32 v24;
	v54 =	vadd.f32 v21, v19;
	v21 =	vld [tilespmem:s29+$0xFFFFFFF0]  }
0x225: {  	s30 =	simm.s32 $0x9E40;
	v24 =	vadd.f32 v27, v22;
	v26 =	vmul.bf16 v23, v28;
	v19 =	vld [tilespmem:s31+$0x30];
	v27 =	vunpack.i.l.bf16.f32 v29  }
0x226: {  	s1 =	simm.s32 $0x0;
	s0 =	simm.s32 $0x4FA0;
	[tilespmem:s30+$0x10] =	vst v25;
	v23 =	vld [tilespmem:s29+$0x30];
	v25 =	vunpack.i.u.bf16.f32 v29;
	v22 =	vadd.f32 v54, v31;
	v27 =	vadd.f32 v27, v30  }
.LBB2_7:
0x227: {  	v28 =	vld [tilespmem:s0+$0x40];
	v17 =	vmul.bf16 v20, v17;
	v20 =	vunpack.i.u.bf16.f32 v26;
	v26 =	vunpack.i.l.bf16.f32 v26;
	s29 =	sadd.s32 $0x100, s29  }
0x228: {  	s1 =	sadd.s32 $0x4, s1;
	v29 =	vld [tilespmem:s29+$0x40];
	v25 =	vadd.f32 v27, v25;
	v24 =	vadd.f32 v26, v24  }
0x229: {  	p0 =	slt.u32 s1, $0x4C;
	v26 =	vld [tilespmem:s29+$0xFFFFFF80];
	v27 =	vunpack.i.u.bf16.f32 v17;
	v17 =	vunpack.i.l.bf16.f32 v17;
	v18 =	vmul.bf16 v21, v18  }
0x22a: {  	v21 =	vld [tilespmem:s0+$0xFFFFFFC0];
	v17 =	vadd.f32 v17, v22;
	v20 =	vadd.f32 v24, v20  }
0x22b: {  	v22 =	vld [tilespmem:s0+$0x50];
	v24 =	vunpack.i.u.bf16.f32 v18;
	v18 =	vunpack.i.l.bf16.f32 v18;
	v19 =	vmul.bf16 v23, v19  }
0x22c: {  	v23 =	vld [tilespmem:s29+$0x50];
	v17 =	vadd.f32 v17, v27;
	v18 =	vadd.f32 v18, v25  }
0x22d: {  	v25 =	vld [tilespmem:s29+$0xFFFFFFC0];
	v27 =	vmul.bf16 v29, v28;
	v28 =	vunpack.i.u.bf16.f32 v19;
	v19 =	vunpack.i.l.bf16.f32 v19  }
0x22e: {  	v29 =	vld [tilespmem:s0+$0x0];
	[tilespmem:s30+$0xFFFFFFE0] =	vst v17;
	v17 =	vadd.f32 v18, v24;
	v18 =	vadd.f32 v19, v20  }
0x22f: {  	v19 =	vunpack.i.l.bf16.f32 v27;
	v20 =	vld [tilespmem:s0+$0x60]  }
0x230: {  	v19 =	vadd.f32 $0.0e+00, v19;
	v24 =	vld [tilespmem:s29+$0x60];
	[tilespmem:s30+$0xFFFFFFF0] =	vst v17;
	v17 =	vadd.f32 v18, v28  }
0x231: {  	v27 =	vunpack.i.u.bf16.f32 v27;
	v18 =	vld [tilespmem:s29+$0x0];
	v22 =	vmul.bf16 v23, v22  }
0x232: {  	v23 =	vld [tilespmem:s0+$0xFFFFFF80];
	v21 =	vmul.bf16 v25, v21;
	v19 =	vadd.f32 v19, v27;
	[tilespmem:s30+$0x0] =	vst v17  }
0x233: {  	v17 =	vunpack.i.l.bf16.f32 v22;
	v25 =	vld [tilespmem:s0+$0x70]  }
0x234: {  	v27 =	vunpack.i.u.bf16.f32 v21;
	v21 =	vunpack.i.l.bf16.f32 v21;
	v17 =	vadd.f32 v17, v19;
	v19 =	vld [tilespmem:s29+$0x70]  }
0x235: {  	v22 =	vunpack.i.u.bf16.f32 v22;
	v28 =	vld [tilespmem:s0+$0xFFFFFF90];
	v21 =	vadd.f32 $0.0e+00, v21;
	v20 =	vmul.bf16 v24, v20  }
0x236: {  	v24 =	vld [tilespmem:s29+$0xFFFFFF90];
	v18 =	vmul.bf16 v18, v29;
	v17 =	vadd.f32 v17, v22  }
0x237: {  	v22 =	vmul.bf16 v26, v23;
	v21 =	vadd.f32 v21, v27;
	v23 =	vld [tilespmem:s0+$0xFFFFFFD0];
	v26 =	vunpack.i.l.bf16.f32 v20  }
0x238: {  	v27 =	vld [tilespmem:s29+$0xFFFFFFD0];
	v29 =	vunpack.i.u.bf16.f32 v18;
	v18 =	vunpack.i.l.bf16.f32 v18;
	v17 =	vadd.f32 v26, v17  }
0x239: {  	v20 =	vunpack.i.u.bf16.f32 v20;
	v26 =	vunpack.i.l.bf16.f32 v22;
	v30 =	vld [tilespmem:s0+$0x10];
	v19 =	vmul.bf16 v19, v25  }
0x23a: {  	v22 =	vunpack.i.u.bf16.f32 v22;
	v25 =	vadd.f32 $0.0e+00, v26;
	v26 =	vld [tilespmem:s29+$0x10];
	v17 =	vadd.f32 v17, v20  }
0x23b: {  	v18 =	vadd.f32 $0.0e+00, v18;
	v20 =	vmul.bf16 v24, v28;
	v24 =	vld [tilespmem:s0+$0xFFFFFFA0];
	v28 =	vunpack.i.l.bf16.f32 v19  }
0x23c: {  	v22 =	vadd.f32 v25, v22;
	v25 =	vld [tilespmem:s29+$0xFFFFFFA0];
	v17 =	vadd.f32 v28, v17  }
0x23d: {  	v18 =	vadd.f32 v18, v29;
	v19 =	vunpack.i.u.bf16.f32 v19;
	v23 =	vmul.bf16 v27, v23;
	v27 =	vld [tilespmem:s0+$0xFFFFFFE0]  }
0x23e: {  	v28 =	vunpack.i.u.bf16.f32 v20;
	v20 =	vunpack.i.l.bf16.f32 v20;
	v29 =	vld [tilespmem:s29+$0xFFFFFFE0];
	v17 =	vadd.f32 v17, v19  }
0x23f: {  	s30 =	sadd.s32 $0x40, s30;
	v19 =	vadd.f32 v20, v22;
	v20 =	vunpack.i.l.bf16.f32 v23;
	v22 =	vmul.bf16 v26, v30;
	v26 =	vld [tilespmem:s0+$0x20]  }
0x240: {  	v23 =	vunpack.i.u.bf16.f32 v23;
	v21 =	vadd.f32 v20, v21;
	v30 =	vld [tilespmem:s29+$0x20];
	[tilespmem:s30+$0x10] =	vst v17  }
0x241: {  	v24 =	vmul.bf16 v25, v24;
	v17 =	vld [tilespmem:s0+$0xFFFFFFB0];
	v25 =	vunpack.i.u.bf16.f32 v22;
	v22 =	vunpack.i.l.bf16.f32 v22  }
.Ltmp2:
0x242: {  	v19 =	vadd.f32 v19, v28;
	v20 =	vld [tilespmem:s29+$0xFFFFFFB0];
	v22 =	vadd.f32 v22, v18;
	(pc) =	sbr.rel @p0 .LBB2_7-.Ltmp2, $4  }
0x243: {  	v23 =	vadd.f32 v21, v23;
	v28 =	vunpack.i.l.bf16.f32 v24;
	v27 =	vmul.bf16 v29, v27;
	v18 =	vld [tilespmem:s0+$0xFFFFFFF0]  }
0x244: {  	v29 =	vunpack.i.u.bf16.f32 v24;
	v28 =	vadd.f32 v28, v19;
	v21 =	vld [tilespmem:s29+$0xFFFFFFF0];
	v24 =	vadd.f32 v22, v25  }
0x245: {  	v25 =	vunpack.i.u.bf16.f32 v27;
	v27 =	vunpack.i.l.bf16.f32 v27;
	v26 =	vmul.bf16 v30, v26;
	v19 =	vld [tilespmem:s0+$0x30]  }
0x246: {  	s0 =	sadd.s32 $0x100, s0;
	v22 =	vadd.f32 v28, v29;
	v27 =	vadd.f32 v27, v23;
	v23 =	vld [tilespmem:s29+$0x30]  }
0x247: {  	_ =	sdelay $0x1  }
0x248: {  	v17 =	vmul.bf16 v20, v17;
	v29 =	vunpack.i.l.bf16.f32 v26  }
0x249: {  	v30 =	vunpack.i.u.bf16.f32 v26;
	v20 =	vadd.f32 v29, v24;
	v18 =	vmul.bf16 v21, v18  }
0x24a: {  	v31 =	vadd.f32 v27, v25;
	v32 =	vunpack.i.l.bf16.f32 v17;
	v19 =	vmul.bf16 v23, v19  }
0x24b: {  	v22 =	vadd.f32 v32, v22;
	v20 =	vadd.f32 v20, v30;
	v33 =	vunpack.i.l.bf16.f32 v18  }
0x24c: {  	v17 =	vunpack.i.u.bf16.f32 v17;
	v21 =	vadd.f32 v33, v31;
	v34 =	vunpack.i.l.bf16.f32 v19  }
0x24d: {  	v18 =	vunpack.i.u.bf16.f32 v18;
	v17 =	vadd.f32 v22, v17;
	v20 =	vadd.f32 v34, v20  }
0x24e: {  	v19 =	vunpack.i.u.bf16.f32 v19;
	v18 =	vadd.f32 v21, v18  }
0x24f: {  	[tilespmem:s30+$0xFFFFFFE0] =	vst v17;
	v17 =	vadd.f32 v20, v19  }
0x250: {  	[tilespmem:s30+$0xFFFFFFF0] =	vst v18  }
0x251: {  	[tilespmem:s30+$0x0] =	vst v17  }
0x252: {  	v17 =	vld.idx.msk [tilespmem:v0+s21+$0x0], $0xffff  }
0x253: {  	v18 =	vld [tilespmem:$0x1FD10]  }
0x254: {  	v19 =	vld [tilespmem:$0x1FD20]  }
0x255: {  	v35 =	vld [tilespmem:$0x1FD30]  }
0x256: {  	v36 =	vld [tilespmem:$0x1FD40]  }
0x257: {  	v37 =	vld [tilespmem:$0x1FD50]  }
0x258: {  	v38 =	vld [tilespmem:$0x1FD60]  }
0x259: {  	v39 =	vld [tilespmem:$0x1FD70]  }
0x25a: {  	v40 =	vld [tilespmem:$0x1FD80]  }
0x25b: {  	v41 =	vld [tilespmem:$0x1FD90]  }
0x25c: {  	v42 =	vld [tilespmem:$0x1FDA0]  }
0x25d: {  	v28 =	vld [tilespmem:$0x1FDB0]  }
0x25e: {  	v29 =	vld [tilespmem:$0x1FDC0]  }
0x25f: {  	v30 =	vld [tilespmem:$0x1FDD0]  }
0x260: {  	v31 =	vld [tilespmem:$0x1FDE0]  }
0x261: {  	v32 =	vld [tilespmem:$0x1FDF0]  }
0x262: {  	v33 =	vld [tilespmem:$0x1FE00]  }
0x263: {  	v34 =	vld [tilespmem:$0x1FE10]  }
0x264: {  	v43 =	vld [tilespmem:$0x1FEC0]  }
0x265: {  	v44 =	vld [tilespmem:$0x1FEE0]  }
0x266: {  	v45 =	vld [tilespmem:$0x1FF00]  }
0x267: {  	v46 =	vld [tilespmem:$0x1FF20]  }
0x268: {  	v47 =	vld [tilespmem:$0x1FF40]  }
0x269: {  	v48 =	vld [tilespmem:$0x1FF60]  }
0x26a: {  	v49 =	vld [tilespmem:$0x1FF80]  }
0x26b: {  	v50 =	vld [tilespmem:$0x1FFA0]  }
0x26c: {  	v51 =	vld [tilespmem:$0x1FFC0]  }
0x26d: {  	v52 =	vld [tilespmem:$0x1FFE0]  }
0x26e: {  	v53 =	vld [tilespmem:$0x1FCA0]  }
0x26f: {  	v54 =	vld [tilespmem:$0x1FCC0]  }
0x270: {  	v18 =	vld.idx.msk [tilespmem:v18+s21+$0x0], $0xffff  }
0x271: {  	v19 =	vld.idx.msk [tilespmem:v19+s21+$0x0], $0xffff  }
0x272: {  	v20 =	vld.idx.msk [tilespmem:v35+s21+$0x0], $0xffff  }
0x273: {  	v21 =	vld.idx.msk [tilespmem:v36+s21+$0x0], $0xffff  }
0x274: {  	v22 =	vld.idx.msk [tilespmem:v37+s21+$0x0], $0xffff  }
0x275: {  	v23 =	vld.idx.msk [tilespmem:v38+s21+$0x0], $0xffff  }
0x276: {  	v24 =	vld.idx.msk [tilespmem:v39+s21+$0x0], $0xffff  }
0x277: {  	v25 =	vld.idx.msk [tilespmem:v40+s21+$0x0], $0xffff  }
0x278: {  	v26 =	vld.idx.msk [tilespmem:v41+s21+$0x0], $0xffff  }
0x279: {  	v27 =	vld.idx.msk [tilespmem:v42+s21+$0x0], $0xffff  }
0x27a: {  	v28 =	vld.idx.msk [tilespmem:v28+s21+$0x0], $0xffff  }
0x27b: {  	v29 =	vld.idx.msk [tilespmem:v29+s21+$0x0], $0xffff  }
0x27c: {  	v30 =	vld.idx.msk [tilespmem:v30+s21+$0x0], $0xffff  }
0x27d: {  	v31 =	vld.idx.msk [tilespmem:v31+s21+$0x0], $0xffff  }
0x27e: {  	v32 =	vld.idx.msk [tilespmem:v32+s21+$0x0], $0xffff  }
0x27f: {  	v33 =	vld.idx.msk [tilespmem:v33+s21+$0x0], $0xffff  }
0x280: {  	v34 =	vld.idx.msk [tilespmem:v34+s21+$0x0], $0xffff  }
0x281: {  	v35 =	vld [tilespmem:$0x1FE20]  }
0x282: {  	v36 =	vld [tilespmem:$0x1FE30]  }
0x283: {  	v37 =	vld [tilespmem:$0x1FE40]  }
0x284: {  	v38 =	vld [tilespmem:$0x1FE50]  }
0x285: {  	v39 =	vld [tilespmem:$0x1FE60]  }
0x286: {  	v17 =	vadd.f32 $0.0e+00, v17;
	v40 =	vld [tilespmem:$0x1FE70]  }
0x287: {  	v41 =	vld [tilespmem:$0x1FE90]  }
0x288: {  	v42 =	vld [tilespmem:$0x1FEB0];
	v17 =	vadd.f32 v18, v17  }
0x289: {  	v18 =	vld [tilespmem:$0x1FE80];
	v33 =	vadd.f32 $0.0e+00, v33  }
0x28a: {  	v17 =	vadd.f32 v19, v17;
	v19 =	vld [tilespmem:$0x1FEA0]  }
0x28b: {  	v33 =	vadd.f32 v34, v33;
	v34 =	vld [tilespmem:$0x1FCF0]  }
0x28c: {  	v35 =	vld.idx.msk [tilespmem:v35+s21+$0x0], $0xffff  }
0x28d: {  	v36 =	vld.idx.msk [tilespmem:v36+s21+$0x0], $0xffff  }
0x28e: {  	v37 =	vld.idx.msk [tilespmem:v37+s21+$0x0], $0xffff  }
0x28f: {  	v38 =	vld.idx.msk [tilespmem:v38+s21+$0x0], $0xffff  }
0x290: {  	v39 =	vld.idx.msk [tilespmem:v39+s21+$0x0], $0xffff  }
0x291: {  	v40 =	vld.idx.msk [tilespmem:v40+s21+$0x0], $0xffff  }
0x292: {  	v41 =	vld.idx.msk [tilespmem:v41+s21+$0x0], $0xffff  }
0x293: {  	v42 =	vld.idx.msk [tilespmem:v42+s21+$0x0], $0xffff  }
0x294: {  	v17 =	vadd.f32 v20, v17;
	v20 =	vld.idx.msk [tilespmem:v43+s21+$0x0], $0xffff  }
0x295: {  	v43 =	vld [tilespmem:$0x1FED0]  }
0x296: {  	v17 =	vadd.f32 v21, v17;
	v21 =	vld.idx.msk [tilespmem:v44+s21+$0x0], $0xffff  }
0x297: {  	v44 =	vld [tilespmem:$0x1FEF0]  }
0x298: {  	v18 =	vld.idx.msk [tilespmem:v18+s21+$0x0], $0xffff  }
0x299: {  	v17 =	vadd.f32 v22, v17;
	v22 =	vld.idx.msk [tilespmem:v45+s21+$0x0], $0xffff  }
0x29a: {  	v45 =	vld [tilespmem:$0x1FF10]  }
0x29b: {  	v33 =	vadd.f32 v35, v33;
	v35 =	vld.idx.msk [tilespmem:v56+s21+$0x0], $0xffff  }
0x29c: {  	v19 =	vld.idx.msk [tilespmem:v19+s21+$0x0], $0xffff  }
0x29d: {  	v17 =	vadd.f32 v23, v17;
	v23 =	vld.idx.msk [tilespmem:v46+s21+$0x0], $0xffff  }
0x29e: {  	v46 =	vld [tilespmem:$0x1FF30]  }
0x29f: {  	v34 =	vld.idx.msk [tilespmem:v34+s21+$0x0], $0xffff  }
0x2a0: {  	v33 =	vadd.f32 v36, v33;
	v36 =	vld.idx.msk [tilespmem:v3+s21+$0x0], $0xffff  }
0x2a1: {  	v43 =	vld.idx.msk [tilespmem:v43+s21+$0x0], $0xffff  }
0x2a2: {  	v17 =	vadd.f32 v24, v17;
	v24 =	vld.idx.msk [tilespmem:v47+s21+$0x0], $0xffff  }
0x2a3: {  	v47 =	vld [tilespmem:$0x1FF50]  }
0x2a4: {  	v33 =	vadd.f32 v37, v33;
	v37 =	vld.idx.msk [tilespmem:v60+s21+$0x0], $0xffff  }
0x2a5: {  	v44 =	vld.idx.msk [tilespmem:v44+s21+$0x0], $0xffff  }
0x2a6: {  	v17 =	vadd.f32 v25, v17;
	v25 =	vld.idx.msk [tilespmem:v48+s21+$0x0], $0xffff  }
0x2a7: {  	v48 =	vld [tilespmem:$0x1FF70]  }
0x2a8: {  	v45 =	vld.idx.msk [tilespmem:v45+s21+$0x0], $0xffff;
	v17 =	vadd.f32 v26, v17  }
0x2a9: {  	v26 =	vld.idx.msk [tilespmem:v49+s21+$0x0], $0xffff  }
0x2aa: {  	v49 =	vld [tilespmem:$0x1FF90];
	v17 =	vadd.f32 v27, v17  }
0x2ab: {  	v46 =	vld.idx.msk [tilespmem:v46+s21+$0x0], $0xffff  }
0x2ac: {  	v27 =	vld.idx.msk [tilespmem:v50+s21+$0x0], $0xffff;
	v17 =	vadd.f32 v28, v17  }
0x2ad: {  	v50 =	vld [tilespmem:$0x1FFB0]  }
0x2ae: {  	v47 =	vld.idx.msk [tilespmem:v47+s21+$0x0], $0xffff;
	v17 =	vadd.f32 v29, v17  }
0x2af: {  	v28 =	vld.idx.msk [tilespmem:v51+s21+$0x0], $0xffff  }
0x2b0: {  	v17 =	vadd.f32 v30, v17;
	v30 =	vld.idx.msk [tilespmem:v53+s21+$0x0], $0xffff  }
0x2b1: {  	v53 =	vld [tilespmem:$0x1FCB0]  }
0x2b2: {  	v17 =	vadd.f32 v31, v17;
	v31 =	vld.idx.msk [tilespmem:v54+s21+$0x0], $0xffff  }
0x2b3: {  	v54 =	vld [tilespmem:$0x1FCD0]  }
0x2b4: {  	v22 =	vadd.f32 $0.0e+00, v22;
	v17 =	vadd.f32 v32, v17;
	v32 =	vld [tilespmem:$0x1FCE0]  }
0x2b5: {  	v51 =	vld [tilespmem:$0x1FFD0]  }
0x2b6: {  	v22 =	vadd.f32 v45, v22;
	v45 =	vld [tilespmem:$0x1FD00]  }
0x2b7: {  	v48 =	vld.idx.msk [tilespmem:v48+s21+$0x0], $0xffff  }
0x2b8: {  	v29 =	vld.idx.msk [tilespmem:v52+s21+$0x0], $0xffff  }
0x2b9: {  	v53 =	vld.idx.msk [tilespmem:v53+s21+$0x0], $0xffff  }
0x2ba: {  	v52 =	vld [tilespmem:$0x1FFF0]  }
0x2bb: {  	v54 =	vld.idx.msk [tilespmem:v54+s21+$0x0], $0xffff  }
0x2bc: {  	v32 =	vld.idx.msk [tilespmem:v32+s21+$0x0], $0xffff  }
0x2bd: {  	v49 =	vld.idx.msk [tilespmem:v49+s21+$0x0], $0xffff;
	v30 =	vadd.f32 $0.0e+00, v30  }
0x2be: {  	v22 =	vadd.f32 v23, v22;
	v45 =	vld.idx.msk [tilespmem:v45+s21+$0x0], $0xffff;
	v53 =	vadd.f32 $0.0e+00, v53  }
0x2bf: {  	v30 =	vadd.f32 v31, v30;
	v31 =	vld.idx.msk [tilespmem:v55+s21+$0x0], $0xffff  }
0x2c0: {  	v22 =	vadd.f32 v46, v22;
	v46 =	vld.idx.msk [tilespmem:v62+s21+$0x0], $0xffff;
	v54 =	vadd.f32 v54, v53  }
0x2c1: {  	v30 =	vadd.f32 v32, v30;
	v32 =	vld.idx.msk [tilespmem:v57+s21+$0x0], $0xffff  }
0x2c2: {  	v53 =	vld.idx.msk [tilespmem:v58+s21+$0x0], $0xffff;
	v23 =	vadd.f32 v34, v54  }
0x2c3: {  	v54 =	vld.idx.msk [tilespmem:v59+s21+$0x0], $0xffff;
	v30 =	vadd.f32 v45, v30  }
0x2c4: {  	v50 =	vld.idx.msk [tilespmem:v50+s21+$0x0], $0xffff;
	v22 =	vadd.f32 v24, v22;
	v23 =	vadd.f32 v31, v23  }
0x2c5: {  	v38 =	vadd.f32 v38, v33;
	v45 =	vld.idx.msk [tilespmem:v61+s21+$0x0], $0xffff;
	v30 =	vadd.f32 v35, v30  }
0x2c6: {  	v51 =	vld.idx.msk [tilespmem:v51+s21+$0x0], $0xffff;
	v22 =	vadd.f32 v47, v22;
	v23 =	vadd.f32 v32, v23  }
0x2c7: {  	v47 =	vld.idx.msk [tilespmem:v63+s21+$0x0], $0xffff;
	v31 =	vadd.f32 v39, v38;
	v30 =	vadd.f32 v53, v30  }
0x2c8: {  	v22 =	vadd.f32 v25, v22;
	v53 =	vld.idx.msk [tilespmem:v1+s21+$0x0], $0xffff;
	v23 =	vadd.f32 v54, v23  }
0x2c9: {  	v31 =	vadd.f32 v40, v31;
	v54 =	vld.idx.msk [tilespmem:v2+s21+$0x0], $0xffff;
	v24 =	vadd.f32 v37, v30  }
0x2ca: {  	v52 =	vld.idx.msk [tilespmem:v52+s21+$0x0], $0xffff;
	v22 =	vadd.f32 v48, v22;
	v23 =	vadd.f32 v45, v23  }
0x2cb: {  	v18 =	vadd.f32 v18, v31;
	v37 =	vld.idx.msk [tilespmem:v4+s21+$0x0], $0xffff;
	v24 =	vadd.f32 v46, v24  }
0x2cc: {  	v22 =	vadd.f32 v26, v22;
	v38 =	vld.idx.msk [tilespmem:v5+s21+$0x0], $0xffff;
	v23 =	vadd.f32 v47, v23  }
0x2cd: {  	v39 =	vld.idx.msk [tilespmem:v6+s21+$0x0], $0xffff;
	v18 =	vadd.f32 v41, v18;
	v24 =	vadd.f32 v53, v24  }
0x2ce: {  	v22 =	vadd.f32 v49, v22;
	v40 =	vld.idx.msk [tilespmem:v7+s21+$0x0], $0xffff;
	v23 =	vadd.f32 v54, v23  }
0x2cf: {  	v41 =	vld.idx.msk [tilespmem:v8+s21+$0x0], $0xffff;
	v18 =	vadd.f32 v19, v18;
	v19 =	vadd.f32 v36, v24  }
0x2d0: {  	v22 =	vadd.f32 v27, v22;
	v45 =	vld.idx.msk [tilespmem:v9+s21+$0x0], $0xffff;
	v23 =	vadd.f32 v37, v23  }
0x2d1: {  	v46 =	vld.idx.msk [tilespmem:v10+s21+$0x0], $0xffff;
	v18 =	vadd.f32 v42, v18;
	v19 =	vadd.f32 v38, v19  }
0x2d2: {  	v22 =	vadd.f32 v50, v22;
	v47 =	vld.idx.msk [tilespmem:v11+s21+$0x0], $0xffff;
	v23 =	vadd.f32 v39, v23  }
0x2d3: {  	v48 =	vld.idx.msk [tilespmem:v12+s21+$0x0], $0xffff;
	v18 =	vadd.f32 v20, v18;
	v19 =	vadd.f32 v40, v19  }
0x2d4: {  	v49 =	vld.idx.msk [tilespmem:v13+s21+$0x0], $0xffff;
	v22 =	vadd.f32 v28, v22;
	v23 =	vadd.f32 v41, v23  }
0x2d5: {  	v50 =	vld.idx.msk [tilespmem:v14+s21+$0x0], $0xffff;
	v18 =	vadd.f32 v43, v18;
	v19 =	vadd.f32 v45, v19  }
0x2d6: {  	v22 =	vadd.f32 v51, v22;
	v53 =	vld.idx.msk [tilespmem:v15+s21+$0x0], $0xffff;
	v23 =	vadd.f32 v46, v23  }
0x2d7: {  	v54 =	vld.idx.msk [tilespmem:v16+s21+$0x0], $0xffff;
	v18 =	vadd.f32 v21, v18;
	v19 =	vadd.f32 v47, v19  }
0x2d8: {  	v22 =	vadd.f32 v29, v22;
	v20 =	vadd.f32 v48, v23  }
0x2d9: {  	v18 =	vadd.f32 v44, v18;
	v19 =	vadd.f32 v49, v19  }
0x2da: {  	[tilespmem:$0xA320] =	vst v17;
	v17 =	vadd.f32 v52, v22;
	v20 =	vadd.f32 v50, v20  }
0x2db: {  	[tilespmem:$0xA330] =	vst v18;
	v18 =	vadd.f32 v53, v19  }
0x2dc: {  	s26 =	sadd.s32 $0x1, s26;
	[tilespmem:$0xA340] =	vst v17;
	v17 =	vadd.f32 v54, v20  }
0x2dd: {  	p0 =	sne.s32 s26, $0x3E;
	[tilespmem:$0xA350] =	vst v18  }
.Ltmp3:
0x2de: {  	[tilespmem:$0xA360] =	vst v17;
	(pc) =	sbr.rel @p0 .LBB2_4-.Ltmp3, $4  }
0x2df: {  	s0 =	sadd.s32 s4, s28;
	_ =	swait.ge [sflag:s23], $0x50  }
0x2e0: {  	s0 =	sshrl.u32 s0, $0x3;
	[sflag:s23] =	ssyncset.done $0x0  }
0x2e1: {  	s0 =	sadd.s32 s2, s0;
	[sflag:s23] =	ssyncadd.s32 $0xFFFFFFB0  }
0x2e2: {  	[hbm4b:s0+s3] =	stream.linear.scatter [tilespmem:s22], [sflag:$0x3], $0x50, $0x38;
	[tilespmem:$0xA3C0] =	vst v63  }
0x2e3: {  	s25 =	sadd.s32 $0x1, s25  }
0x2e4: {  	p0 =	sne.s32 s25, s10  }
.Ltmp4:
0x2e5: {  	_ = 	snop;
	(pc) =	sbr.rel @p0 .LBB2_1-.Ltmp4, $4  }
0x2e6: {  	_ = 	snop  }
0x2e7: {  	_ =	swait.ge [sflag:s23], $0x50  }
0x2e8: {  	[sflag:s23] =	ssyncset.done $0x0  }
0x2e9: {  	[sflag:s23] =	ssyncadd.s32 $0xFFFFFFB0  }
0x2ea: {  	_ =	sfence.sel $0x180000  }
0x2eb: {  	[bflag:$0x0] =	sbarrier.arrive $0xFFFF  }
0x2ec: {  	_ =	strace $0x9000004D  }
0x2ed: {  	s0 =	stileid.u32;
	[bflag:$0x2] =	sbarrier.arrive $0xFFFF  }
0x2ee: {  	p0 =	sne.s32 s0, $0x0;
	s0 =	rddreg [dreg:$0x2]  }
0x2ef: {  	s0 =	sadd.s32 @!p0 $0x100000, s0  }
0x2f0: {  	[sflag:s0] =	ssyncadd.tile.s32 @!p0 $0x1;
	_ =	shalt  }
.Lfunc_end2:
_tile_overlayer_lowered:
.L_overlay_start_2:
0x2f1: {  	(tag) =	ssettag $0x2  }
0x2f2: {  	s0 =	rddreg [dreg:$0x0];
	s2 =	stileid.u32  }
0x2f3: {  	s1 =	rddreg [dreg:$0x1];
	p0 =	sne.s32 s2, $0x0  }
0x2f4: {  	s3 =	rddreg [dreg:$0x2];
	[bflag:$0x3] =	sbarrier.arrive $0xFFFF;
	s2 =	simm.s32 @!p0 $0x1C04  }
0x2f5: {  	[timem:s3], [sflag:s2] =	dma.local @!p0 [hbm:s0], s1  }
0x2f6: {  	s0 =	simm.s32 @!p0 $0x4  }
0x2f7: {  	_ =	swait.ge @!p0 [sflag:s0], s1  }
0x2f8: {  	s1 =	ssub.s32 @!p0 $0x0, s1;
	[sflag:s0] =	ssyncset.done @!p0 $0x0  }
0x2f9: {  	[sflag:s0] =	ssyncadd.s32 @!p0 s1  }
0x2fa: {  	[bflag:$0x3] =	sbarrier.arrive $0xFFFF  }
0x2fb: {  	_ =	shalt  }

// kernel: kernel.7.cloned.1.call-start
scs
__scs_entry_jumppad:
0x0: {  	(pc) =	sbr.rel $0x88, $3  }
0x1: {  	(tag) =	ssettag $0x0;
	lr =	simm.s32 $0x1  }
0x2: {  	[smem:$0x3F94] =	sst lr;
	_ =	strace $0xD0000000  }
0x3: {  	_ = 	snop  }
0x4: {  	_ = 	snop  }
0x5: {  	_ = 	snop  }
0x6: {  	_ = 	snop  }
0x7: {  	_ = 	snop  }
__scs_overlays_trampoline_lowered:
0x8: {  	[smem:$0x3FA3] =	sst s0  }
0x9: {  	[smem:$0x3FA4] =	sst s1  }
0xa: {  	[smem:$0x3FA5] =	sst s2  }
0xb: {  	[smem:$0x3FA6] =	sst s3  }
0xc: {  	[smem:$0x3FA7] =	sst s4  }
0xd: {  	[smem:$0x3FA8] =	sst s5  }
0xe: {  	[smem:$0x3FA9] =	sst s6  }
0xf: {  	[smem:$0x3FAA] =	sst s7  }
0x10: {  	[smem:$0x3FAB] =	sst s8  }
0x11: {  	[smem:$0x3FAC] =	sst s9;
	s0 =	simm.s32 @!p0 $0x0  }
0x12: {  	s1 =	sld [smem:$0x3F92];
	s0 =	simm.s32 @p0 $0x1  }
0x13: {  	[smem:$0x3FAD] =	sst s0;
	s0 =	simm.s32 @!p1 $0x0  }
0x14: {  	s2 =	sld [smem:$0x3F91];
	s0 =	simm.s32 @p1 $0x1  }
0x15: {  	[smem:$0x3FAE] =	sst s0;
	s0 =	simm.s32 @!p2 $0x0  }
0x16: {  	s3 =	sld [smem:$0x3FDB];
	s0 =	simm.s32 @p2 $0x1  }
0x17: {  	s4 =	simm.s32 $0x1BF5;
	[smem:$0x3FB0] =	sst s0  }
0x18: {  	s0 =	sld [smem:$0x3F93];
	_ =	swait.ge [sflag:s4], $0x0  }
0x19: {  	s7 =	sld [smem:$0x3F94]  }
0x1a: {  	s8 =	sadd.s32 $0xFFFFE003, lr  }
0x1b: {  	s9 =	sadd.s32 $0xFFFFFEF7, lr;
	s5 =	simm.s32 $0xFFFFFFFF;
	p2 =	slt.u32 s8, $0xFFFFF086  }
0x1c: {  	p1 =	slt.u32 s9, $0xF7A;
	s5 =	simm.s32 @!p2 $0x0  }
0x1d: {  	s5 =	simm.s32 @p1 $0x1;
	p0 =	seq.s32 s7, s2  }
0x1e: {  	s7 =	smul.u32 @!p0 $0xF7A, s2;
	p2 =	seq.s32 @!p0 s5, $0x0  }
0x1f: {  	s9 =	smul.u32 $0xF7A, s1;
	s8 =	simm.s32 @!p0 $0x1BF5;
	p2 =	por !p2, p0  }
0x20: {  	[sflag:s8] =	ssyncset.s32 @!p0 $0xFFFFF086;
	s6 =	sadd.s32 @!p0 s3, s7;
	s7 =	simm.s32 @!p0 $0x108  }
0x21: {  	s3 =	sadd.s32 s3, s9;
	s6 =	sadd.s32 @!p0 $0x88, s6;
	s7 =	simm.s32 @p2 $0x1082  }
0x22: {  	[simem:s7], [sflag:s8] =	dma.local @!p0 [hbm:s6], $0xF7A  }
0x23: {  	s9 =	sor.u32 $0xD0000000, s2;
	s6 =	simm.s32 $0x108;
	_ =	swait.ge @!p0 [sflag:s8], $0x0  }
0x24: {  	s3 =	sadd.s32 $0x88, s3;
	s6 =	simm.s32 @!p1 $0x1082;
	[sflag:s4] =	ssyncset.s32 $0xFFFFF086  }
0x25: {  	[simem:s6], [sflag:s4] =	dma.local [hbm:s3], $0xF7A  }
0x26: {  	[smem:$0x3F94] =	sst s1;
	(tag) =	ssettag s2;
	_ =	strace s9  }
0x27: {  	s1 =	sld [smem:$0x3FA4]  }
0x28: {  	s2 =	sld [smem:$0x3FA5]  }
0x29: {  	s4 =	sld [smem:$0x3FA7]  }
0x2a: {  	p0 =	seq.s32 s5, $0x0;
	s5 =	sld [smem:$0x3FA8]  }
0x2b: {  	s6 =	sld [smem:$0x3FA9]  }
0x2c: {  	s7 =	sld [smem:$0x3FAA]  }
0x2d: {  	s3 =	simm.s32 $0x108;
	s8 =	sld [smem:$0x3FAB]  }
0x2e: {  	s3 =	simm.s32 @!p0 $0x1082;
	s9 =	sld [smem:$0x3FAC]  }
0x2f: {  	lr =	sadd.s32 s0, s3;
	s0 =	sld [smem:$0x3FA3]  }
0x30: {  	s3 =	sld [smem:$0x3FA6]  }
0x31: {  	[smem:$0x3FAF] =	sst s10  }
0x32: {  	s10 =	sld [smem:$0x3FAD];
	_ =	sdelay $0x3  }
0x33: {  	p0 =	seq.s32 s10, $0x1;
	s10 =	sld [smem:$0x3FAF];
	_ =	sdelay $0x3  }
0x34: {  	[smem:$0x3FAF] =	sst s10  }
0x35: {  	s10 =	sld [smem:$0x3FAE];
	_ =	sdelay $0x3  }
0x36: {  	p1 =	seq.s32 s10, $0x1;
	s10 =	sld [smem:$0x3FAF];
	_ =	sdelay $0x3  }
0x37: {  	[smem:$0x3FAF] =	sst s10  }
0x38: {  	s10 =	sld [smem:$0x3FB0]  }
0x39: {  	_ = 	snop;
	(pc) =	sbr.ind lr, $3  }
0x3a: {  	_ = 	snop  }
0x3b: {  	_ = 	snop  }
0x3c: {  	p2 =	seq.s32 s10, $0x1;
	s10 =	sld [smem:$0x3FAF]  }
0x3d: {  	_ =	shalt  }
0x3e: {  	_ =	shalt  }
0x3f: {  	_ =	shalt  }
0x40: {  	_ =	shalt  }
0x41: {  	_ =	shalt  }
0x42: {  	_ =	shalt  }
0x43: {  	_ =	shalt  }
0x44: {  	_ =	shalt  }
0x45: {  	_ =	shalt  }
0x46: {  	_ =	shalt  }
0x47: {  	_ =	shalt  }
0x48: {  	_ =	shalt  }
0x49: {  	_ =	shalt  }
0x4a: {  	_ =	shalt  }
0x4b: {  	_ =	shalt  }
0x4c: {  	_ =	shalt  }
0x4d: {  	_ =	shalt  }
0x4e: {  	_ =	shalt  }
0x4f: {  	_ =	shalt  }
0x50: {  	_ =	shalt  }
0x51: {  	_ =	shalt  }
0x52: {  	_ =	shalt  }
0x53: {  	_ =	shalt  }
0x54: {  	_ =	shalt  }
0x55: {  	_ =	shalt  }
0x56: {  	_ =	shalt  }
0x57: {  	_ =	shalt  }
0x58: {  	_ =	shalt  }
0x59: {  	_ =	shalt  }
0x5a: {  	_ =	shalt  }
0x5b: {  	_ =	shalt  }
0x5c: {  	_ =	shalt  }
0x5d: {  	_ =	shalt  }
0x5e: {  	_ =	shalt  }
0x5f: {  	_ =	shalt  }
0x60: {  	_ =	shalt  }
0x61: {  	_ =	shalt  }
0x62: {  	_ =	shalt  }
0x63: {  	_ =	shalt  }
0x64: {  	_ =	shalt  }
0x65: {  	_ =	shalt  }
0x66: {  	_ =	shalt  }
0x67: {  	_ =	shalt  }
0x68: {  	_ =	shalt  }
0x69: {  	_ =	shalt  }
0x6a: {  	_ =	shalt  }
0x6b: {  	_ =	shalt  }
0x6c: {  	_ =	shalt  }
0x6d: {  	_ =	shalt  }
0x6e: {  	_ =	shalt  }
0x6f: {  	_ =	shalt  }
0x70: {  	_ =	shalt  }
0x71: {  	_ =	shalt  }
0x72: {  	_ =	shalt  }
0x73: {  	_ =	shalt  }
0x74: {  	_ =	shalt  }
0x75: {  	_ =	shalt  }
0x76: {  	_ =	shalt  }
0x77: {  	_ =	shalt  }
0x78: {  	_ =	shalt  }
0x79: {  	_ =	shalt  }
0x7a: {  	_ =	shalt  }
0x7b: {  	_ =	shalt  }
0x7c: {  	_ =	shalt  }
0x7d: {  	_ =	shalt  }
0x7e: {  	_ =	shalt  }
0x7f: {  	_ =	shalt  }
0x80: {  	_ =	shalt  }
0x81: {  	_ =	shalt  }
0x82: {  	_ =	shalt  }
0x83: {  	_ =	shalt  }
0x84: {  	_ =	shalt  }
0x85: {  	_ =	shalt  }
0x86: {  	_ =	shalt  }
0x87: {  	_ =	shalt  }
.Lfunc_end0:
.L_simem_size_0:
called_computation_lowered:
.L_overlay_start_0:
0x88: {  	s2 =	sld [smem:$0x3FD9]  }
0x89: {  	s3 =	sld [smem:$0x3FFE];
	_ =	sdelay $0x1  }
0x8a: {  	s1 =	srdreg.scid  }
0x8b: {  	s0 =	sand.u32 $0x1, s1  }
0x8c: {  	s17 =	sshll.u32 s0, $0xA;
	s2 =	sadd.s32 s3, s2  }
0x8d: {  	s2 =	sadd.s32 s2, s17  }
0x8e: {  	[smem:$0x3FBB] =	sst s2  }
0x8f: {  	_ = 	snop  }
0x90: {  	s2 =	sld [smem:$0x3FC9]  }
0x91: {  	s18 =	sld [smem:$0x3FD0];
	(tm) =	ssettm $0x1  }
0x92: {  	s4 =	sld [smem:$0x3FFB];
	_ =	sdelay $0x3  }
0x93: {  	_ =	strace s4  }
0x94: {  	s4 =	sld [smem:$0x3FFC];
	_ =	sdelay $0x3  }
0x95: {  	_ =	strace s4  }
0x96: {  	s4 =	sld [smem:$0x3FFD];
	_ =	sdelay $0x3  }
0x97: {  	_ =	strace s4  }
0x98: {  	_ =	strace $0x8FFFFFFF  }
0x99: {  	s19 =	sld [smem:$0x3FDB];
	_ =	sdelay $0x1  }
0x9a: {  	s5 =	simm.s32 $_scs_section_size  }
0x9b: {  	s6 =	simm.s32 $_size__tile_overlayer_lowered;
	s7 =	simm.s32 $_tile_overlayer_lowered  }
0x9c: {  	s22 =	simm.s32 $0x1BFF;
	s21 =	sshll.u32 s7, $0x1;
	s4 =	sadd.s32 s5, s19  }
0x9d: {  	s8 =	simm.s32 $0x0;
	s20 =	sshll.u32 s6, $0x1;
	s6 =	sadd.s32 s21, s4  }
0x9e: {  	[timem:s8], [sflag:s22] =	dma.local [hbm:s6], s20  }
0x9f: {  	_ =	swait.ge [sflag:s22], s20  }
0xa0: {  	s5 =	ssub.s32 $0x0, s20;
	[sflag:s22] =	ssyncset.done $0x0  }
0xa1: {  	[sflag:s22] =	ssyncadd.s32 s5;
	_ =	sdelay $0x1  }
0xa2: {  	s23 =	simm.s32 $0x1B8B  }
0xa3: {  	_ =	swait.ge [sflag:s23], $0x1  }
0xa4: {  	[sflag:s23] =	ssyncset.done $0x0  }
0xa5: {  	s25 =	simm.s32 $0x1B8E;
	s24 =	sld [smem:$0x3FFE];
	[sflag:s23] =	ssyncadd.s32 $0xFFFFFFFF  }
0xa6: {  	s26 =	simm.s32 $execute0_lowered;
	[smem:$0x3FD2] =	sst s25  }
0xa7: {  	s6 =	sshll.u32 s26, $0x1;
	_ =	strace $0x80000046;
	[dreg:$0x1] =	wrdreg $0xFFFFFFFF  }
0xa8: {  	s28 =	simm.s32 $_size_execute0_lowered;
	s4 =	sadd.s32 s4, s6;
	[dreg:$0x0] =	wrdreg $0x0  }
0xa9: {  	s6 =	sshll.u32 s28, $0x1;
	[dreg:$0x2] =	wrdreg s4  }
0xaa: {  	[dreg:$0x3] =	wrdreg s6  }
0xab: {  	[dreg:$0x4] =	wrdreg $0xC0  }
0xac: {  	_ =	task [dreg:s8], $0x5FFFF  }
0xad: {  	[dreg:$0x1] =	wrdreg $0xFFFFFFFF  }
0xae: {  	[dreg:$0x0] =	wrdreg $0x60  }
0xaf: {  	[dreg:$0x2] =	wrdreg s2  }
0xb0: {  	[dreg:$0x3] =	wrdreg s24  }
0xb1: {  	[dreg:$0x4] =	wrdreg s18  }
0xb2: {  	[dreg:$0x5] =	wrdreg $0x7CB00  }
0xb3: {  	[dreg:$0x6] =	wrdreg $0x1B5300  }
0xb4: {  	[dreg:$0x7] =	wrdreg $0x9  }
0xb5: {  	_ =	task.clear_ibuf [dreg:s8], $0x8FFFF;
	_ =	strace $0x90000046  }
0xb6: {  	s29 =	simm.s32 $0x9;
	_ =	strace $0x80000048  }
0xb7: {  	_ =	swait.ge [sflag:s29], $0x1  }
0xb8: {  	[sflag:s29] =	ssyncadd.s32 $0xFFFFFFFF  }
0xb9: {  	_ =	strace $0x90000048  }
0xba: {  	_ =	sfence  }
0xbb: {  	s30 =	sld [smem:$0x0];
	_ =	sdelay $0x2  }
0xbc: {  	s31 =	sshll.u32 s1, $0xD;
	s1 =	sshrl.u32 s1, $0x2  }
0xbd: {  	s3 =	sand.u32 $0x4000, s31;
	s1 =	sadd.s32 s1, s30  }
0xbe: {  	s0 =	sor.u32 s3, s0;
	s1 =	sshll.u32 s1, $0x11  }
0xbf: {  	s0 =	sor.u32 s1, s0  }
0xc0: {  	s0 =	sadd.s32 $0x8F2B, s0  }
0xc1: {  	[sflag:s0] =	ssyncadd.remote.s32 $0x1  }
0xc2: {  	_ =	sfence.sel $0xFFFF  }
0xc3: {  	[dreg:$0x0] =	wrdreg $0xFFFFFFFF;
	(pc) =	sbr.abs _section_cstart, $3  }
0xc4: {  	[dreg:$0x1] =	wrdreg $0xFFFFFFFF  }
0xc5: {  	_ =	task.clear_ibuf [dreg:s8], $0x2FFFF;
	_ =	strace $0x9FFFFFFF  }
0xc6: {  	(tm) =	ssettm $0x7FFFFFFF  }
0xc7: {  	_ =	shalt  }
tec
execute0_lowered:
.L_overlay_start_1:
0x0: {  	(tag) =	ssettag $0x1  }
0x1: {  	s1 =	rddreg [dreg:$0x0]  }
0x2: {  	s0 =	rddreg [dreg:$0x1]  }
0x3: {  	s2 =	rddreg [dreg:$0x2]  }
0x4: {  	s3 =	rddreg [dreg:$0x3]  }
0x5: {  	s4 =	rddreg [dreg:$0x4]  }
0x6: {  	s15 =	stileid.u32;
	s6 =	srdreg.scid;
	s5 =	simm.s32 $0x0  }
0x7: {  	s28 =	simm.s32 $0x4FB0;
	s29 =	simm.s32 $0x77B0;
	s7 =	smul.u32 $0x13880, s15  }
0x8: {  	s30 =	simm.s32 $0x3;
	s31 =	simm.s32 $0x2670;
	s10 =	smul.u32 $0x2710, s15  }
0x9: {  	s9 =	sand.u32 $0x1, s6;
	[smem:$0x7FF] =	sst s5;
	s21 =	smul.u32 $0x4E20, s15  }
0xa: {  	s16 =	sadd.s32 $0x2A00, s0;
	s18 =	sshll.u32 s15, $0x1;
	s6 =	smul.u32 $0x138800, s9  }
0xb: {  	s20 =	sshll.u32 s15, $0x6;
	s11 =	smul.u32 $0x27100, s9;
	s13 =	ssub.s32 $0x2, s9  }
0xc: {  	_ =	strace $0x80000047;
	s8 =	sshrl.u32 s7, $0x3;
	s19 =	sshrl.u32 s13, $0x1  }
0xd: {  	s6 =	sadd.s32 s7, s6;
	s8 =	sadd.s32 s8, s0;
	s17 =	sadd.s32 s10, s11  }
0xe: {  	s11 =	sor.u32 s9, s18;
	s14 =	ssub.s32 s13, s19;
	s9 =	smul.u32 $0x2710, s9  }
0xf: {  	s10 =	sadd.s32 s10, s4;
	s18 =	simm.s32 $0x4;
	s6 =	sshrl.u32 s6, $0x3  }
0x10: {  	s11 =	smul.u32 $0x2710, s11;
	s14 =	smax.u32 s14, $0x1;
	s19 =	sshrl.u32 s10, $0x3  }
0x11: {  	s12 =	sadd.s32 s6, s0;
	s6 =	sshrl.u32 s17, $0x3;
	s17 =	sadd.s32 s7, s3  }
0x12: {  	s7 =	sor.u32 $0x1C04, s20;
	s25 =	sadd.s32 s9, s21;
	s20 =	simm.s32 $0x1  }
0x13: {  	s21 =	simm.s32 $0x2;
	s0 =	sadd.s32 s6, s0;
	s6 =	sadd.s32 $0xC800, s8  }
0x14: {  	s11 =	sshrl.u32 s11, $0x3;
	s24 =	sadd.s32 $0x3D800, s12;
	s26 =	sadd.s32 $0x140, s25  }
0x15: {  	s17 =	sshrl.u32 s17, $0x3;
	s8 =	sadd.s32 s16, s11;
	s2 =	sadd.s32 s2, s11  }
0x16: {  	[dreg:$0x9] =	wrdreg s24;
	s13 =	sadd.s32 $0x33A00, s0;
	s0 =	sshrl.u32 s26, $0x3  }
0x17: {  	s24 =	simm.s32 $0x50;
	s26 =	simm.s32 $0x2760;
	[dreg:$0x6] =	wrdreg s2  }
0x18: {  	s22 =	sadd.s32 $0xA, s8;
	s23 =	sadd.s32 $0x14, s8;
	s2 =	sadd.s32 $0xF0, s25  }
0x19: {  	s15 =	sadd.s32 s0, s16;
	s25 =	simm.s32 $0x27B0;
	[dreg:$0x7] =	wrdreg s22  }
0x1a: {  	s0 =	simm.s32 $0x26C0;
	[dreg:$0x8] =	wrdreg s23;
	s2 =	sshrl.u32 s2, $0x3  }
0x1b: {  	v0 =	vimm.f32 $1.000000000e+00;
	s23 =	simm.s32 $0x2710;
	s16 =	sadd.s32 s2, s16;
	s2 =	simm.s32 $0x0  }
.LBB2_1:
0x1c: {  	[spmem:s17], [sflag:s7] =	dma.local [hbm:s6], $0x2710  }
0x1d: {  	_ =	swait.ge [sflag:s18], $0x2710  }
0x1e: {  	[sflag:s18] =	ssyncset.done $0x0  }
0x1f: {  	s9 =	simm.s32 $0x10;
	[sflag:s18] =	ssyncadd.s32 $0xFFFFD8F0  }
0x20: {  	[spmem:s19@s21], [sflag:s7] =	dma.strided [hbm:s6@s9], $0x4E2, s20, $0x2   }
0x21: {  	_ =	swait.ge [sflag:s18], $0x4E2  }
0x22: {  	[sflag:s18] =	ssyncset.done $0x0  }
0x23: {  	s10 =	simm.s32 $0x0;
	s9 =	simm.s32 $0x40;
	[sflag:s18] =	ssyncadd.s32 $0xFFFFFB1E  }
.LBB2_2:
0x24: {  	p0 =	sne.s32 s9, $0x13C0;
	[tilespmem:s10+$0x77B0] =	vst v0;
	s10 =	smov.u32 s9;
	s9 =	sadd.s32 $0x40, s9  }
.Ltmp0:
0x25: {  	(pc) =	sbr.rel @p0 .LBB2_2-.Ltmp0, $2  }
0x26: {  	_ =	sdelay $0x2  }
0x27: {  	s10 =	sshra.s32 s10, $0x2  }
0x28: {  	[tilespmem:s10+$0x77B0] =	vst v0;
	s9 =	simm.s32 $0x0;
	s11 =	rddreg [dreg:$0x6]  }
0x29: {  	[tilespmem:s9], [sflag:$0x4] =	stream.linear.gather [hbm4b:s11+s9], $0x2710, $0x38;
	[tilespmem:$0x1DC40] =	vst v63  }
0x2a: {  	_ =	swait.ge [sflag:s18], $0x2710  }
0x2b: {  	[sflag:s18] =	ssyncset.done $0x0  }
0x2c: {  	[sflag:s18] =	ssyncadd.s32 $0xFFFFD8F0  }
0x2d: {  	[tilespmem:s23], [sflag:$0x1] =	stream.linear.gather [hbm4b:s8+s9], $0x50, $0x38;
	[tilespmem:$0x1DC40] =	vst v63  }
0x2e: {  	_ =	swait.ge [sflag:s20], $0x50  }
0x2f: {  	[sflag:s20] =	ssyncset.done $0x0  }
0x30: {  	[sflag:s20] =	ssyncadd.s32 $0xFFFFFFB0  }
0x31: {  	[tilespmem:s25], [sflag:$0x2] =	stream.indirect.gather [hbm4b:s1+s24], $0x80, s23, s24, $0xb8;
	[tilespmem:$0x1DC40] =	vst v63  }
0x32: {  	s12 =	rddreg [dreg:$0x7]  }
0x33: {  	[tilespmem:s26], [sflag:$0x1] =	stream.linear.gather [hbm4b:s12+s9], $0x50, $0x38;
	[tilespmem:$0x1DC40] =	vst v63  }
0x34: {  	[bflag:$0x0] =	sbarrier.arrive $0xFFFF  }
0x35: {  	_ =	swait.ge [sflag:s21], $0x2800  }
0x36: {  	[sflag:s21] =	ssyncset.done $0x0  }
0x37: {  	[sflag:s21] =	ssyncadd.s32 $0xFFFFD800  }
0x38: {  	_ =	swait.ge [sflag:s20], $0x50  }
0x39: {  	[sflag:s20] =	ssyncset.done $0x0  }
0x3a: {  	[sflag:s20] =	ssyncadd.s32 $0xFFFFFFB0  }
0x3b: {  	[tilespmem:s28], [sflag:$0x2] =	stream.indirect.gather [hbm4b:s1+s24], $0x80, s26, s24, $0xb8;
	[tilespmem:$0x1DC40] =	vst v63  }
0x3c: {  	s22 =	rddreg [dreg:$0x8]  }
0x3d: {  	[tilespmem:s23], [sflag:$0x1] =	stream.linear.gather [hbm4b:s22+s9], $0x50, $0x38;
	[tilespmem:$0x1DC40] =	vst v63  }
0x3e: {  	_ = 	snop  }
0x3f: {  	[spmem:s3] =	stream.indirect.scatter.add.f32 [tilespmem:s25], [sflag:$0x3], $0x80, s9, s24, $0xb8;
	[tilespmem:$0x1DC40] =	vst v63  }
0x40: {  	_ = 	snop  }
0x41: {  	[spmem:s4] =	stream.indirect.scatter.add.f32 [tilespmem:s29], [sflag:$0x3], $0x10, s9, s24, $0xb8;
	[tilespmem:$0x1DC40] =	vst v63  }
0x42: {  	_ =	swait.ge [sflag:s21], $0x2800  }
0x43: {  	[sflag:s21] =	ssyncset.done $0x0  }
0x44: {  	[sflag:s21] =	ssyncadd.s32 $0xFFFFD800  }
0x45: {  	_ =	swait.ge [sflag:s30], $0x2800  }
0x46: {  	[sflag:s30] =	ssyncset.done $0x0  }
0x47: {  	[sflag:s30] =	ssyncadd.s32 $0xFFFFD800  }
0x48: {  	_ =	swait.ge [sflag:s30], $0x500  }
0x49: {  	[sflag:s30] =	ssyncset.done $0x0  }
0x4a: {  	[sflag:s30] =	ssyncadd.s32 $0xFFFFFB00  }
0x4b: {  	_ =	swait.ge [sflag:s20], $0x50  }
0x4c: {  	[sflag:s20] =	ssyncset.done $0x0  }
0x4d: {  	[sflag:s20] =	ssyncadd.s32 $0xFFFFFFB0  }
0x4e: {  	[tilespmem:s25], [sflag:$0x2] =	stream.indirect.gather [hbm4b:s1+s24], $0x80, s23, s24, $0xb8;
	[tilespmem:$0x1DC40] =	vst v63  }
0x4f: {  	s11 =	sadd.s32 $0x0, s16  }
0x50: {  	[tilespmem:s26], [sflag:$0x1] =	stream.linear.gather [hbm4b:s11+s5], $0x50, $0x38;
	[tilespmem:$0x1DC40] =	vst v63  }
0x51: {  	s12 =	simm.s32 $0x50  }
0x52: {  	[spmem:s3] =	stream.indirect.scatter.add.f32 [tilespmem:s28], [sflag:$0x3], $0x80, s12, s24, $0xb8;
	[tilespmem:$0x1DC40] =	vst v63  }
0x53: {  	_ = 	snop  }
0x54: {  	[spmem:s4] =	stream.indirect.scatter.add.f32 [tilespmem:s29], [sflag:$0x3], $0x10, s12, s24, $0xb8;
	[tilespmem:$0x1DC40] =	vst v63  }
0x55: {  	_ =	swait.ge [sflag:s21], $0x2800  }
0x56: {  	[sflag:s21] =	ssyncset.done $0x0  }
0x57: {  	[sflag:s21] =	ssyncadd.s32 $0xFFFFD800  }
0x58: {  	_ =	swait.ge [sflag:s30], $0x2800  }
0x59: {  	[sflag:s30] =	ssyncset.done $0x0  }
0x5a: {  	[sflag:s30] =	ssyncadd.s32 $0xFFFFD800  }
0x5b: {  	_ =	swait.ge [sflag:s30], $0x500  }
0x5c: {  	[sflag:s30] =	ssyncset.done $0x0  }
0x5d: {  	[sflag:s30] =	ssyncadd.s32 $0xFFFFFB00  }
0x5e: {  	_ =	swait.ge [sflag:s20], $0x50  }
0x5f: {  	[sflag:s20] =	ssyncset.done $0x0  }
0x60: {  	[sflag:s20] =	ssyncadd.s32 $0xFFFFFFB0  }
0x61: {  	[tilespmem:s28], [sflag:$0x2] =	stream.indirect.gather [hbm4b:s1+s24], $0x80, s26, s24, $0xb8;
	[tilespmem:$0x1DC40] =	vst v63  }
0x62: {  	s22 =	sadd.s32 $0x0, s15  }
0x63: {  	[tilespmem:s23], [sflag:$0x1] =	stream.linear.gather [hbm4b:s22+s5], $0x50, $0x38;
	[tilespmem:$0x1DC40] =	vst v63  }
0x64: {  	s10 =	simm.s32 $0x140;
	s9 =	simm.s32 $0x14;
	s22 =	simm.s32 $0xA0  }
0x65: {  	[spmem:s3] =	stream.indirect.scatter.add.f32 [tilespmem:s25], [sflag:$0x3], $0x80, s22, s24, $0xb8;
	[tilespmem:$0x1DC40] =	vst v63  }
.LBB2_4:
0x66: {  	[spmem:s4] =	stream.indirect.scatter.add.f32 [tilespmem:s29], [sflag:$0x3], $0x10, s22, s24, $0xb8;
	[tilespmem:$0x1DC40] =	vst v63  }
0x67: {  	s11 =	smov.u32 s9;
	s22 =	smov.u32 s10  }
0x68: {  	p0 =	sne.s32 s9, $0x4B0;
	s9 =	sadd.s32 $0x14, s9;
	_ =	swait.ge [sflag:s21], $0x2800  }
0x69: {  	[sflag:s21] =	ssyncset.done $0x0  }
0x6a: {  	[sflag:s21] =	ssyncadd.s32 $0xFFFFD800  }
0x6b: {  	_ =	swait.ge [sflag:s30], $0x2800  }
0x6c: {  	[sflag:s30] =	ssyncset.done $0x0  }
0x6d: {  	[sflag:s30] =	ssyncadd.s32 $0xFFFFD800  }
0x6e: {  	_ =	swait.ge [sflag:s30], $0x500  }
0x6f: {  	[sflag:s30] =	ssyncset.done $0x0  }
0x70: {  	[sflag:s30] =	ssyncadd.s32 $0xFFFFFB00  }
0x71: {  	_ =	swait.ge [sflag:s20], $0x50  }
0x72: {  	[sflag:s20] =	ssyncset.done $0x0  }
0x73: {  	[sflag:s20] =	ssyncadd.s32 $0xFFFFFFB0  }
0x74: {  	[tilespmem:s25], [sflag:$0x2] =	stream.indirect.gather [hbm4b:s1+s24], $0x80, s23, s24, $0xb8;
	[tilespmem:$0x1DC40] =	vst v63  }
0x75: {  	s12 =	sadd.s32 s11, s16  }
0x76: {  	[tilespmem:s26], [sflag:$0x1] =	stream.linear.gather [hbm4b:s12+s5], $0x50, $0x38;
	[tilespmem:$0x1DC40] =	vst v63  }
0x77: {  	s12 =	sadd.s32 $0xFFFFFFB0, s10  }
0x78: {  	[spmem:s3] =	stream.indirect.scatter.add.f32 [tilespmem:s28], [sflag:$0x3], $0x80, s12, s24, $0xb8;
	[tilespmem:$0x1DC40] =	vst v63  }
0x79: {  	_ = 	snop  }
0x7a: {  	[spmem:s4] =	stream.indirect.scatter.add.f32 [tilespmem:s29], [sflag:$0x3], $0x10, s12, s24, $0xb8;
	[tilespmem:$0x1DC40] =	vst v63  }
0x7b: {  	_ =	swait.ge [sflag:s21], $0x2800  }
0x7c: {  	[sflag:s21] =	ssyncset.done $0x0  }
0x7d: {  	[sflag:s21] =	ssyncadd.s32 $0xFFFFD800  }
0x7e: {  	_ =	swait.ge [sflag:s30], $0x2800  }
0x7f: {  	[sflag:s30] =	ssyncset.done $0x0  }
0x80: {  	[sflag:s30] =	ssyncadd.s32 $0xFFFFD800  }
0x81: {  	_ =	swait.ge [sflag:s30], $0x500  }
0x82: {  	[sflag:s30] =	ssyncset.done $0x0  }
0x83: {  	[sflag:s30] =	ssyncadd.s32 $0xFFFFFB00  }
0x84: {  	_ =	swait.ge [sflag:s20], $0x50  }
0x85: {  	[sflag:s20] =	ssyncset.done $0x0  }
0x86: {  	[sflag:s20] =	ssyncadd.s32 $0xFFFFFFB0  }
0x87: {  	[tilespmem:s28], [sflag:$0x2] =	stream.indirect.gather [hbm4b:s1+s24], $0x80, s26, s24, $0xb8;
	[tilespmem:$0x1DC40] =	vst v63  }
.Ltmp1:
0x88: {  	s11 =	sadd.s32 s11, s15;
	(pc) =	sbr.rel @p0 .LBB2_4-.Ltmp1, $4  }
0x89: {  	[tilespmem:s23], [sflag:$0x1] =	stream.linear.gather [hbm4b:s11+s5], $0x50, $0x38;
	[tilespmem:$0x1DC40] =	vst v63  }
0x8a: {  	_ = 	snop  }
0x8b: {  	[spmem:s3] =	stream.indirect.scatter.add.f32 [tilespmem:s25], [sflag:$0x3], $0x80, s10, s24, $0xb8;
	[tilespmem:$0x1DC40] =	vst v63  }
0x8c: {  	s10 =	sadd.s32 $0xA0, s10  }
0x8d: {  	[spmem:s4] =	stream.indirect.scatter.add.f32 [tilespmem:s29], [sflag:$0x3], $0x10, s22, s24, $0xb8;
	[tilespmem:$0x1DC40] =	vst v63  }
0x8e: {  	_ =	swait.ge [sflag:s21], $0x2800  }
0x8f: {  	[sflag:s21] =	ssyncset.done $0x0  }
0x90: {  	[sflag:s21] =	ssyncadd.s32 $0xFFFFD800  }
0x91: {  	_ =	swait.ge [sflag:s30], $0x2800  }
0x92: {  	[sflag:s30] =	ssyncset.done $0x0  }
0x93: {  	[sflag:s30] =	ssyncadd.s32 $0xFFFFD800  }
0x94: {  	_ =	swait.ge [sflag:s30], $0x500  }
0x95: {  	[sflag:s30] =	ssyncset.done $0x0  }
0x96: {  	[sflag:s30] =	ssyncadd.s32 $0xFFFFFB00  }
0x97: {  	_ =	swait.ge [sflag:s20], $0x50  }
0x98: {  	[sflag:s20] =	ssyncset.done $0x0  }
0x99: {  	[sflag:s20] =	ssyncadd.s32 $0xFFFFFFB0  }
0x9a: {  	[tilespmem:s25], [sflag:$0x2] =	stream.indirect.gather [hbm4b:s1+s24], $0x80, s23, s24, $0xb8;
	[tilespmem:$0x1DC40] =	vst v63  }
0x9b: {  	_ = 	snop  }
0x9c: {  	[spmem:s3] =	stream.indirect.scatter.add.f32 [tilespmem:s28], [sflag:$0x3], $0x80, s31, s24, $0xb8;
	[tilespmem:$0x1DC40] =	vst v63  }
0x9d: {  	_ = 	snop  }
0x9e: {  	[spmem:s4] =	stream.indirect.scatter.add.f32 [tilespmem:s29], [sflag:$0x3], $0x10, s31, s24, $0xb8;
	[tilespmem:$0x1DC40] =	vst v63  }
0x9f: {  	_ =	swait.ge [sflag:s21], $0x2800  }
0xa0: {  	[sflag:s21] =	ssyncset.done $0x0  }
0xa1: {  	[sflag:s21] =	ssyncadd.s32 $0xFFFFD800  }
0xa2: {  	_ =	swait.ge [sflag:s30], $0x2800  }
0xa3: {  	[sflag:s30] =	ssyncset.done $0x0  }
0xa4: {  	[sflag:s30] =	ssyncadd.s32 $0xFFFFD800  }
0xa5: {  	_ =	swait.ge [sflag:s30], $0x500  }
0xa6: {  	[sflag:s30] =	ssyncset.done $0x0  }
0xa7: {  	[sflag:s30] =	ssyncadd.s32 $0xFFFFFB00  }
0xa8: {  	[spmem:s3] =	stream.indirect.scatter.add.f32 [tilespmem:s25], [sflag:$0x3], $0x80, s0, s24, $0xb8;
	[tilespmem:$0x1DC40] =	vst v63  }
0xa9: {  	_ = 	snop  }
0xaa: {  	[spmem:s4] =	stream.indirect.scatter.add.f32 [tilespmem:s29], [sflag:$0x3], $0x10, s0, s24, $0xb8;
	[tilespmem:$0x1DC40] =	vst v63  }
0xab: {  	_ =	swait.ge [sflag:s30], $0x2800  }
0xac: {  	[sflag:s30] =	ssyncset.done $0x0  }
0xad: {  	[sflag:s30] =	ssyncadd.s32 $0xFFFFD800  }
0xae: {  	_ =	swait.ge [sflag:s30], $0x500  }
0xaf: {  	[sflag:s30] =	ssyncset.done $0x0  }
0xb0: {  	[sflag:s30] =	ssyncadd.s32 $0xFFFFFB00  }
0xb1: {  	[bflag:$0x0] =	sbarrier.arrive $0xFFFF  }
0xb2: {  	s9 =	rddreg [dreg:$0x9]  }
0xb3: {  	[hbm:s9], [sflag:s7] =	dma.local [spmem:s17], $0x2710  }
0xb4: {  	s2 =	sadd.s32 $0x1, s2;
	_ =	swait.ge [sflag:s18], $0x2710  }
0xb5: {  	p0 =	sne.s32 s2, s14;
	[sflag:s18] =	ssyncset.done $0x0  }
.Ltmp2:
0xb6: {  	[sflag:s18] =	ssyncadd.s32 $0xFFFFD8F0;
	(pc) =	sbr.rel @p0 .LBB2_1-.Ltmp2, $4  }
0xb7: {  	[hbm:s13], [sflag:s7] =	dma.local [spmem:s19], $0x4E2  }
0xb8: {  	_ =	swait.ge [sflag:s18], $0x4E2  }
0xb9: {  	[sflag:s18] =	ssyncset.done $0x0  }
0xba: {  	[sflag:s18] =	ssyncadd.s32 $0xFFFFFB1E  }
0xbb: {  	_ =	sfence.sel $0x180000  }
0xbc: {  	[bflag:$0x0] =	sbarrier.arrive $0xFFFF  }
0xbd: {  	_ =	strace $0x90000047  }
0xbe: {  	s0 =	stileid.u32;
	[bflag:$0x2] =	sbarrier.arrive $0xFFFF  }
0xbf: {  	p0 =	sne.s32 s0, $0x0;
	s0 =	rddreg [dreg:$0x5]  }
0xc0: {  	s0 =	sadd.s32 @!p0 $0x100000, s0  }
0xc1: {  	[sflag:s0] =	ssyncadd.tile.s32 @!p0 $0x1;
	_ =	shalt  }
.Lfunc_end2:
_tile_overlayer_lowered:
.L_overlay_start_2:
0xc2: {  	(tag) =	ssettag $0x2  }
0xc3: {  	s0 =	rddreg [dreg:$0x0];
	s2 =	stileid.u32  }
0xc4: {  	s1 =	rddreg [dreg:$0x1];
	p0 =	sne.s32 s2, $0x0  }
0xc5: {  	s3 =	rddreg [dreg:$0x2];
	[bflag:$0x3] =	sbarrier.arrive $0xFFFF;
	s2 =	simm.s32 @!p0 $0x1C04  }
0xc6: {  	[timem:s3], [sflag:s2] =	dma.local @!p0 [hbm:s0], s1  }
0xc7: {  	s0 =	simm.s32 @!p0 $0x4  }
0xc8: {  	_ =	swait.ge @!p0 [sflag:s0], s1  }
0xc9: {  	s1 =	ssub.s32 @!p0 $0x0, s1;
	[sflag:s0] =	ssyncset.done @!p0 $0x0  }
0xca: {  	[sflag:s0] =	ssyncadd.s32 @!p0 s1  }
0xcb: {  	[bflag:$0x3] =	sbarrier.arrive $0xFFFF  }
0xcc: {  	_ =	shalt  }

</sc_bundles>
